<compile_context>
chip_gen: v7x
topology: tpu7x:2x2x1
jax: 0.10.2.dev20260603
libtpu: 0.0.44.dev20260713+nightly
codegen_flags: <defaults>
</compile_context>

<pallas_src>
import functools

import jax
import jax.numpy as jnp
from jax import lax
from jax.experimental import pallas as pl
from jax.experimental.pallas import tpu as pltpu
from jax.experimental.pallas import tpu_sc as plsc

_B, _K, _D, _H, _W = 64, 5, 768, 32, 32
_N = _H * _W
_NW = 32
_PT = (_B * _K) // _NW
_R = _PT * 9
_RP = 96


_BB = 4


def _sims_argmax_body(cue_ref, patches_ref, idx_ref):
    for bi in range(_BB):
        p = patches_ref[bi].reshape(_N, _D)
        c = cue_ref[bi]
        norm2 = jnp.sum(p * p, axis=1, keepdims=True)
        inv = 1.0 / jnp.maximum(jnp.sqrt(norm2), 1e-12)
        cn2 = jnp.sum(c * c, axis=1, keepdims=True)
        cinv = 1.0 / jnp.maximum(jnp.sqrt(cn2), 1e-12)
        pn = (p * inv).astype(jnp.bfloat16)
        cn = (c * cinv).astype(jnp.bfloat16)
        dn = (((1,), (1,)), ((), ()))
        s = lax.dot_general(pn, cn, dn, preferred_element_type=jnp.float32)
        m = jnp.max(s, axis=0, keepdims=True)
        row = lax.broadcasted_iota(jnp.int32, (_N, _K), 0)
        cand = jnp.where(s == m, row, _N)
        idxs = jnp.min(cand, axis=0, keepdims=True)
        idx_ref[bi] = jnp.concatenate(
            [idxs, jnp.zeros((1, 8 - _K), jnp.int32)], axis=1)


def _sims_argmax(cue, patches):
    return pl.pallas_call(
        _sims_argmax_body,
        grid=(_B // _BB,),
        in_specs=[
            pl.BlockSpec((_BB, _K, _D), lambda b: (b, 0, 0)),
            pl.BlockSpec((_BB, _H, _W, _D), lambda b: (b, 0, 0, 0)),
        ],
        out_specs=pl.BlockSpec((_BB, 1, 8), lambda b: (b, 0, 0)),
        out_shape=jax.ShapeDtypeStruct((_B, 1, 8), jnp.int32),
    )(cue, patches)


def _gather_avg(table, gidx, gw):
    mesh = plsc.VectorSubcoreMesh(core_axis_name="c", subcore_axis_name="s")

    @functools.partial(
        pl.kernel,
        out_type=jax.ShapeDtypeStruct((_B, _K, _D), jnp.float32),
        mesh=mesh,
        scratch_types=[
            pltpu.VMEM((_RP,), jnp.int32),
            pltpu.VMEM((_RP, _D), jnp.float32),
            pltpu.VMEM((_RP, 16), jnp.float32),
            pltpu.VMEM((2, _K, _D), jnp.float32),
            pltpu.SemaphoreType.DMA,
            pltpu.SemaphoreType.DMA,
        ],
    )
    def sc_kernel(gidx_hbm, gw_hbm, table_hbm, out_hbm,
                  idx_v, rows_v, w_v, acc_v, sem0, sem1):
        wid = lax.axis_index("s") * 2 + lax.axis_index("c")
        pltpu.sync_copy(gidx_hbm.at[wid, 0], idx_v)
        half = _RP // 2
        cp0 = pltpu.async_copy(
            table_hbm.at[idx_v.at[pl.ds(0, half)]],
            rows_v.at[pl.ds(0, half)], sem0)
        cp1 = pltpu.async_copy(
            table_hbm.at[idx_v.at[pl.ds(half, half)]],
            rows_v.at[pl.ds(half, half)], sem1)
        pltpu.sync_copy(gw_hbm.at[wid], w_v)

        def do_pair(j):
            wj = [w_v[j * 9 + r, :] for r in range(9)]

            @plsc.parallel_loop(0, _D // 16, unroll=4)
            def chunk(cidx, _j=j, _w=wj):
                off = cidx * 16
                acc = rows_v[_j * 9, pl.ds(off, 16)] * _w[0]
                for r in range(1, 9):
                    acc = acc + rows_v[_j * 9 + r, pl.ds(off, 16)] * _w[r]
                acc_v[_j // _K, _j % _K, pl.ds(off, 16)] = acc

        cp0.wait()
        for j in range(_K):
            do_pair(j)
        cp1.wait()
        pltpu.sync_copy(acc_v.at[0], out_hbm.at[2 * wid])
        for j in range(_K, _PT):
            do_pair(j)
        pltpu.sync_copy(acc_v.at[1], out_hbm.at[2 * wid + 1])

    return sc_kernel(gidx, gw, table)


def kernel(cue, patches):
    idx3 = _sims_argmax(cue, patches)
    idx = idx3[:, 0, :_K]
    y, x = idx // _W, idx % _W
    dy = jnp.array([-1, -1, -1, 0, 0, 0, 1, 1, 1], jnp.int32)
    dx = jnp.array([-1, 0, 1, -1, 0, 1, -1, 0, 1], jnp.int32)
    yy = y[..., None] + dy
    xx = x[..., None] + dx
    valid = (yy >= 0) & (yy < _H) & (xx >= 0) & (xx < _W)
    flat = (jnp.arange(_B, dtype=jnp.int32)[:, None, None] * _N
            + jnp.clip(yy, 0, _H - 1) * _W + jnp.clip(xx, 0, _W - 1))
    w = jnp.where(valid, jnp.float32(1.0 / 9.0), jnp.float32(0.0))
    gidx = flat.reshape(_NW, _R).astype(jnp.int32)
    gidx = jnp.pad(gidx, ((0, 0), (0, _RP - _R))).reshape(_NW, 1, _RP)
    gw = jnp.pad(w.reshape(_NW, _R), ((0, 0), (0, _RP - _R)))
    gw = jnp.broadcast_to(gw[..., None], (_NW, _RP, 16))
    table = patches.reshape(_B * _N, _D)
    return _gather_avg(table, gidx, gw)

# --- scband reference (transcript-rebuilt; emitter-appended) ---
"""Pipeline reference for scband-buddy-pool-54468775248442 (READ-ONLY COPY).

The authoritative reference and input builder live on the scoring server;
editing this copy changes nothing except your own understanding.
"""

import jax, jax.numpy as jnp
import numpy as np

B, K, D, H, W = 64, 5, 768, 32, 32

def _normalize(x, eps=1e-12):
    n = jnp.linalg.norm(x, axis=-1, keepdims=True)
    return x / jnp.maximum(n, eps)

def setup_inputs(seed: int = 0) -> dict:
    key = jax.random.key(seed)
    k1, k2 = jax.random.split(key)
    cue = jax.random.normal(k1, (B, K, D), dtype=jnp.float32)
    patches = jax.random.normal(k2, (B, H, W, D), dtype=jnp.float32)
    return {"cue": cue, "patches": patches}

def reference(cue, patches):
    b, k, d = cue.shape
    _, h, w, _ = patches.shape
    cue_n = _normalize(cue)
    patches_n = _normalize(patches)
    flat = patches_n.reshape(b, h * w, d)
    sims = jnp.einsum('bkd,bnd->bkn', cue_n, flat)
    idx = jnp.argmax(sims, axis=-1)
    y, x = idx // w, idx % w
    pad = jnp.pad(patches, ((0, 0), (1, 1), (1, 1), (0, 0)))
    y, x = y + 1, x + 1
    bidx = jnp.arange(b)[:, None]
    roi = jnp.zeros_like(cue)
    for dy in (-1, 0, 1):
        for dx in (-1, 0, 1):
            roi = roi + pad[bidx, y + dy, x + dx, :]
    roi = roi / 9.0
    return roi

if __name__ == "__main__":
    import jax
    _d = setup_inputs()
    print(jax.jit(kernel)(*tuple(_d.values())))

</pallas_src>

<mosaic_0001>
#map = affine_map<(d0, d1) -> (0, 0, 0)>
#map1 = affine_map<(d0, d1) -> (0, 0)>
module attributes {stable_mosaic.version = 14 : i64} {
  func.func @sc_kernel(%arg0: i32, %arg1: i32, %arg2: memref<32x1x96xi32, #tpu.memory_space<hbm>>, %arg3: memref<32x96x16xf32, #tpu.memory_space<hbm>>, %arg4: memref<65536x768xf32, #tpu.memory_space<hbm>>, %arg5: memref<64x5x768xf32, #tpu.memory_space<hbm>>, %arg6: memref<96xi32, #tpu.memory_space<vmem>>, %arg7: memref<96x768xf32, #tpu.memory_space<vmem>>, %arg8: memref<96x16xf32, #tpu.memory_space<vmem>>, %arg9: memref<2x5x768xf32, #tpu.memory_space<vmem>>, %arg10: memref<!tpu.dma_semaphore, #tpu.memory_space<semaphore_mem>>, %arg11: memref<!tpu.dma_semaphore, #tpu.memory_space<semaphore_mem>>) attributes {dimension_semantics = [#tpu.dimension_semantics<core_parallel>, #tpu.dimension_semantics<subcore_parallel>], iteration_bounds = array<i64: 2, 16>, scalar_prefetch = 0 : i64, scratch_operands = 6 : i64, tpu.core_type = #tpu.core_type<sc_vector_subcore>, window_params = [{transform_indices = #map}, {transform_indices = #map}, {transform_indices = #map1}, {transform_indices = #map}]} {
    %mul3A = arith.constant 2 : i32
    %mul3A_0 = arith.muli %arg1, %mul3A : i32
    %add3A = arith.addi %mul3A_0, %arg0 : i32
    %run_scoped3A = arith.constant 0 : i32
    "tpu.region"() ({
      %run_scoped3A_517 = tpu.sem_alloc : memref<!tpu.dma_semaphore, #tpu.memory_space<semaphore_mem>>
      %dma_start3A_518 = arith.constant 0 : i32
      %dma_start3A_519 = tpu.memref_slice %arg2[%add3A, %run_scoped3A, %dma_start3A_518] : memref<32x1x96xi32, #tpu.memory_space<hbm>> -> memref<1x1x96xi32, #tpu.memory_space<hbm>>
      %dma_start3A_520 = tpu.memref_squeeze %dma_start3A_519 : memref<1x1x96xi32, #tpu.memory_space<hbm>> -> memref<96xi32, #tpu.memory_space<hbm>>
      %dma_start3A_521 = arith.constant 0 : i32
      %dma_start3A_522 = tpu.memref_slice %arg2[%add3A, %run_scoped3A, %dma_start3A_521] : memref<32x1x96xi32, #tpu.memory_space<hbm>> -> memref<1x1x96xi32, #tpu.memory_space<hbm>>
      %dma_start3A_523 = tpu.memref_squeeze %dma_start3A_522 : memref<1x1x96xi32, #tpu.memory_space<hbm>> -> memref<96xi32, #tpu.memory_space<hbm>>
      tpu.enqueue_dma source(%dma_start3A_523 : memref<96xi32, #tpu.memory_space<hbm>>) target(%arg6 : memref<96xi32, #tpu.memory_space<vmem>>) target_semaphore(%run_scoped3A_517 : memref<!tpu.dma_semaphore, #tpu.memory_space<semaphore_mem>>)
      %dma_wait3A_524 = arith.constant 0 : i32
      %dma_wait3A_525 = tpu.memref_slice %arg2[%add3A, %run_scoped3A, %dma_wait3A_524] : memref<32x1x96xi32, #tpu.memory_space<hbm>> -> memref<1x1x96xi32, #tpu.memory_space<hbm>>
      %dma_wait3A_526 = tpu.memref_squeeze %dma_wait3A_525 : memref<1x1x96xi32, #tpu.memory_space<hbm>> -> memref<96xi32, #tpu.memory_space<hbm>>
      %dma_wait3A_527 = arith.constant 0 : i32
      %dma_wait3A_528 = tpu.memref_slice %arg2[%add3A, %run_scoped3A, %dma_wait3A_527] : memref<32x1x96xi32, #tpu.memory_space<hbm>> -> memref<1x1x96xi32, #tpu.memory_space<hbm>>
      %dma_wait3A_529 = tpu.memref_squeeze %dma_wait3A_528 : memref<1x1x96xi32, #tpu.memory_space<hbm>> -> memref<96xi32, #tpu.memory_space<hbm>>
      tpu.wait_dma2 semaphore(%run_scoped3A_517 : memref<!tpu.dma_semaphore, #tpu.memory_space<semaphore_mem>>) src(%dma_wait3A_529 : memref<96xi32, #tpu.memory_space<hbm>>) dst(%arg6 : memref<96xi32, #tpu.memory_space<vmem>>)
      tpu.yield
    }) : () -> ()
    %dma_start3A = arith.constant 0 : i32
    %dma_start3A_1 = arith.constant 0 : i32
    %dma_start3A_2 = tpu.memref_slice %arg7[%dma_start3A, %dma_start3A_1] : memref<96x768xf32, #tpu.memory_space<vmem>> -> memref<48x768xf32, #tpu.memory_space<vmem>>
    %dma_start3A_3 = arith.constant 0 : i32
    %dma_start3A_4 = tpu.memref_slice %arg6[%dma_start3A_3] : memref<96xi32, #tpu.memory_space<vmem>> -> memref<48xi32, #tpu.memory_space<vmem>>
    %dma_start3A_5 = arith.constant 0 : i32
    %dma_start3A_6 = arith.constant 0 : i32
    %dma_start3A_7 = tpu.memref_slice %arg4[%dma_start3A_5, %dma_start3A_6] : memref<65536x768xf32, #tpu.memory_space<hbm>> -> memref<65536x768xf32, #tpu.memory_space<hbm>>
    tpu.enqueue_indirect_dma source(%dma_start3A_7 : memref<65536x768xf32, #tpu.memory_space<hbm>>) target(%dma_start3A_2 : memref<48x768xf32, #tpu.memory_space<vmem>>) offsets(%dma_start3A_4 : memref<48xi32, #tpu.memory_space<vmem>>) semaphore(%arg10 : memref<!tpu.dma_semaphore, #tpu.memory_space<semaphore_mem>>)
    %dma_start3A_8 = arith.constant 48 : i32
    %dma_start3A_9 = arith.constant 0 : i32
    %dma_start3A_10 = tpu.memref_slice %arg7[%dma_start3A_8, %dma_start3A_9] : memref<96x768xf32, #tpu.memory_space<vmem>> -> memref<48x768xf32, #tpu.memory_space<vmem>>
    %dma_start3A_11 = arith.constant 48 : i32
    %dma_start3A_12 = tpu.memref_slice %arg6[%dma_start3A_11] : memref<96xi32, #tpu.memory_space<vmem>> -> memref<48xi32, #tpu.memory_space<vmem>>
    %dma_start3A_13 = arith.constant 0 : i32
    %dma_start3A_14 = arith.constant 0 : i32
    %dma_start3A_15 = tpu.memref_slice %arg4[%dma_start3A_13, %dma_start3A_14] : memref<65536x768xf32, #tpu.memory_space<hbm>> -> memref<65536x768xf32, #tpu.memory_space<hbm>>
    tpu.enqueue_indirect_dma source(%dma_start3A_15 : memref<65536x768xf32, #tpu.memory_space<hbm>>) target(%dma_start3A_10 : memref<48x768xf32, #tpu.memory_space<vmem>>) offsets(%dma_start3A_12 : memref<48xi32, #tpu.memory_space<vmem>>) semaphore(%arg11 : memref<!tpu.dma_semaphore, #tpu.memory_space<semaphore_mem>>)
    "tpu.region"() ({
      %run_scoped3A_517 = tpu.sem_alloc : memref<!tpu.dma_semaphore, #tpu.memory_space<semaphore_mem>>
      %dma_start3A_518 = arith.constant 0 : i32
      %dma_start3A_519 = arith.constant 0 : i32
      %dma_start3A_520 = tpu.memref_slice %arg3[%add3A, %dma_start3A_518, %dma_start3A_519] : memref<32x96x16xf32, #tpu.memory_space<hbm>> -> memref<1x96x16xf32, #tpu.memory_space<hbm>>
      %dma_start3A_521 = tpu.memref_squeeze %dma_start3A_520 : memref<1x96x16xf32, #tpu.memory_space<hbm>> -> memref<96x16xf32, #tpu.memory_space<hbm>>
      %dma_start3A_522 = arith.constant 0 : i32
      %dma_start3A_523 = arith.constant 0 : i32
      %dma_start3A_524 = tpu.memref_slice %arg3[%add3A, %dma_start3A_522, %dma_start3A_523] : memref<32x96x16xf32, #tpu.memory_space<hbm>> -> memref<1x96x16xf32, #tpu.memory_space<hbm>>
      %dma_start3A_525 = tpu.memref_squeeze %dma_start3A_524 : memref<1x96x16xf32, #tpu.memory_space<hbm>> -> memref<96x16xf32, #tpu.memory_space<hbm>>
      tpu.enqueue_dma source(%dma_start3A_525 : memref<96x16xf32, #tpu.memory_space<hbm>>) target(%arg8 : memref<96x16xf32, #tpu.memory_space<vmem>>) target_semaphore(%run_scoped3A_517 : memref<!tpu.dma_semaphore, #tpu.memory_space<semaphore_mem>>)
      %dma_wait3A_526 = arith.constant 0 : i32
      %dma_wait3A_527 = arith.constant 0 : i32
      %dma_wait3A_528 = tpu.memref_slice %arg3[%add3A, %dma_wait3A_526, %dma_wait3A_527] : memref<32x96x16xf32, #tpu.memory_space<hbm>> -> memref<1x96x16xf32, #tpu.memory_space<hbm>>
      %dma_wait3A_529 = tpu.memref_squeeze %dma_wait3A_528 : memref<1x96x16xf32, #tpu.memory_space<hbm>> -> memref<96x16xf32, #tpu.memory_space<hbm>>
      %dma_wait3A_530 = arith.constant 0 : i32
      %dma_wait3A_531 = arith.constant 0 : i32
      %dma_wait3A_532 = tpu.memref_slice %arg3[%add3A, %dma_wait3A_530, %dma_wait3A_531] : memref<32x96x16xf32, #tpu.memory_space<hbm>> -> memref<1x96x16xf32, #tpu.memory_space<hbm>>
      %dma_wait3A_533 = tpu.memref_squeeze %dma_wait3A_532 : memref<1x96x16xf32, #tpu.memory_space<hbm>> -> memref<96x16xf32, #tpu.memory_space<hbm>>
      tpu.wait_dma2 semaphore(%run_scoped3A_517 : memref<!tpu.dma_semaphore, #tpu.memory_space<semaphore_mem>>) src(%dma_wait3A_533 : memref<96x16xf32, #tpu.memory_space<hbm>>) dst(%arg8 : memref<96x16xf32, #tpu.memory_space<vmem>>)
      tpu.yield
    }) : () -> ()
    %dma_wait3A = arith.constant 0 : i32
    %dma_wait3A_16 = arith.constant 0 : i32
    %dma_wait3A_17 = tpu.memref_slice %arg7[%dma_wait3A, %dma_wait3A_16] : memref<96x768xf32, #tpu.memory_space<vmem>> -> memref<48x768xf32, #tpu.memory_space<vmem>>
    %dma_wait3A_18 = arith.constant 0 : i32
    %dma_wait3A_19 = tpu.memref_slice %arg6[%dma_wait3A_18] : memref<96xi32, #tpu.memory_space<vmem>> -> memref<48xi32, #tpu.memory_space<vmem>>
    %dma_wait3A_20 = arith.constant 0 : i32
    %dma_wait3A_21 = arith.constant 0 : i32
    %dma_wait3A_22 = tpu.memref_slice %arg4[%dma_wait3A_20, %dma_wait3A_21] : memref<65536x768xf32, #tpu.memory_space<hbm>> -> memref<65536x768xf32, #tpu.memory_space<hbm>>
    tpu.wait_indirect_dma semaphore(%arg10 : memref<!tpu.dma_semaphore, #tpu.memory_space<semaphore_mem>>) src(%dma_wait3A_22 : memref<65536x768xf32, #tpu.memory_space<hbm>>) dst(%dma_wait3A_17 : memref<48x768xf32, #tpu.memory_space<vmem>>)
    %get3A = arith.constant 0 : i32
    %get3A_23 = arith.index_cast %get3A : i32 to index
    %get3A_24 = arith.constant 0 : index
    %get3A_25 = tpu.vector_load %arg8[%get3A_23, %get3A_24] {strides = array<i32>} : memref<96x16xf32, #tpu.memory_space<vmem>>, vector<1x16xf32>,
    %get3A_26 = vector.shape_cast %get3A_25 : vector<1x16xf32> to vector<16xf32>
    %get3A_27 = arith.constant 1 : i32
    %get3A_28 = arith.index_cast %get3A_27 : i32 to index
    %get3A_29 = arith.constant 0 : index
    %get3A_30 = tpu.vector_load %arg8[%get3A_28, %get3A_29] {strides = array<i32>} : memref<96x16xf32, #tpu.memory_space<vmem>>, vector<1x16xf32>,
    %get3A_31 = vector.shape_cast %get3A_30 : vector<1x16xf32> to vector<16xf32>
    %get3A_32 = arith.constant 2 : i32
    %get3A_33 = arith.index_cast %get3A_32 : i32 to index
    %get3A_34 = arith.constant 0 : index
    %get3A_35 = tpu.vector_load %arg8[%get3A_33, %get3A_34] {strides = array<i32>} : memref<96x16xf32, #tpu.memory_space<vmem>>, vector<1x16xf32>,
    %get3A_36 = vector.shape_cast %get3A_35 : vector<1x16xf32> to vector<16xf32>
    %get3A_37 = arith.constant 3 : i32
    %get3A_38 = arith.index_cast %get3A_37 : i32 to index
    %get3A_39 = arith.constant 0 : index
    %get3A_40 = tpu.vector_load %arg8[%get3A_38, %get3A_39] {strides = array<i32>} : memref<96x16xf32, #tpu.memory_space<vmem>>, vector<1x16xf32>,
    %get3A_41 = vector.shape_cast %get3A_40 : vector<1x16xf32> to vector<16xf32>
    %get3A_42 = arith.constant 4 : i32
    %get3A_43 = arith.index_cast %get3A_42 : i32 to index
    %get3A_44 = arith.constant 0 : index
    %get3A_45 = tpu.vector_load %arg8[%get3A_43, %get3A_44] {strides = array<i32>} : memref<96x16xf32, #tpu.memory_space<vmem>>, vector<1x16xf32>,
    %get3A_46 = vector.shape_cast %get3A_45 : vector<1x16xf32> to vector<16xf32>
    %get3A_47 = arith.constant 5 : i32
    %get3A_48 = arith.index_cast %get3A_47 : i32 to index
    %get3A_49 = arith.constant 0 : index
    %get3A_50 = tpu.vector_load %arg8[%get3A_48, %get3A_49] {strides = array<i32>} : memref<96x16xf32, #tpu.memory_space<vmem>>, vector<1x16xf32>,
    %get3A_51 = vector.shape_cast %get3A_50 : vector<1x16xf32> to vector<16xf32>
    %get3A_52 = arith.constant 6 : i32
    %get3A_53 = arith.index_cast %get3A_52 : i32 to index
    %get3A_54 = arith.constant 0 : index
    %get3A_55 = tpu.vector_load %arg8[%get3A_53, %get3A_54] {strides = array<i32>} : memref<96x16xf32, #tpu.memory_space<vmem>>, vector<1x16xf32>,
    %get3A_56 = vector.shape_cast %get3A_55 : vector<1x16xf32> to vector<16xf32>
    %get3A_57 = arith.constant 7 : i32
    %get3A_58 = arith.index_cast %get3A_57 : i32 to index
    %get3A_59 = arith.constant 0 : index
    %get3A_60 = tpu.vector_load %arg8[%get3A_58, %get3A_59] {strides = array<i32>} : memref<96x16xf32, #tpu.memory_space<vmem>>, vector<1x16xf32>,
    %get3A_61 = vector.shape_cast %get3A_60 : vector<1x16xf32> to vector<16xf32>
    %get3A_62 = arith.constant 8 : i32
    %get3A_63 = arith.index_cast %get3A_62 : i32 to index
    %get3A_64 = arith.constant 0 : index
    %get3A_65 = tpu.vector_load %arg8[%get3A_63, %get3A_64] {strides = array<i32>} : memref<96x16xf32, #tpu.memory_space<vmem>>, vector<1x16xf32>,
    %get3A_66 = vector.shape_cast %get3A_65 : vector<1x16xf32> to vector<16xf32>
    %parallel_loop3A = arith.constant 0 : i32
    %parallel_loop3A_67 = arith.constant 48 : i32
    %parallel_loop3A_68 = arith.constant 1 : i32
    scf.for %parallel_loop3A_517 = %parallel_loop3A to %parallel_loop3A_67 step %parallel_loop3A_68  : i32 {
      %parallel_loop3A_518 = arith.constant 16 : i32
      %parallel_loop3A_519 = arith.muli %parallel_loop3A_517, %parallel_loop3A_518 : i32
      %parallel_loop3A_520 = arith.constant 0 : i32
      %parallel_loop3A_521 = arith.index_cast %parallel_loop3A_520 : i32 to index
      %parallel_loop3A_522 = arith.index_cast %parallel_loop3A_519 : i32 to index
      %parallel_loop3A_523 = tpu.vector_load %arg7[%parallel_loop3A_521, %parallel_loop3A_522] {strides = array<i32>} : memref<96x768xf32, #tpu.memory_space<vmem>>, vector<1x16xf32>,
      %parallel_loop3A_524 = vector.shape_cast %parallel_loop3A_523 : vector<1x16xf32> to vector<16xf32>
      %parallel_loop3A_525 = arith.mulf %parallel_loop3A_524, %get3A_26 : vector<16xf32>
      %parallel_loop3A_526 = arith.constant 1 : i32
      %parallel_loop3A_527 = arith.index_cast %parallel_loop3A_526 : i32 to index
      %parallel_loop3A_528 = arith.index_cast %parallel_loop3A_519 : i32 to index
      %parallel_loop3A_529 = tpu.vector_load %arg7[%parallel_loop3A_527, %parallel_loop3A_528] {strides = array<i32>} : memref<96x768xf32, #tpu.memory_space<vmem>>, vector<1x16xf32>,
      %parallel_loop3A_530 = vector.shape_cast %parallel_loop3A_529 : vector<1x16xf32> to vector<16xf32>
      %parallel_loop3A_531 = arith.mulf %parallel_loop3A_530, %get3A_31 : vector<16xf32>
      %parallel_loop3A_532 = arith.addf %parallel_loop3A_525, %parallel_loop3A_531 : vector<16xf32>
      %parallel_loop3A_533 = arith.constant 2 : i32
      %parallel_loop3A_534 = arith.index_cast %parallel_loop3A_533 : i32 to index
      %parallel_loop3A_535 = arith.index_cast %parallel_loop3A_519 : i32 to index
      %parallel_loop3A_536 = tpu.vector_load %arg7[%parallel_loop3A_534, %parallel_loop3A_535] {strides = array<i32>} : memref<96x768xf32, #tpu.memory_space<vmem>>, vector<1x16xf32>,
      %parallel_loop3A_537 = vector.shape_cast %parallel_loop3A_536 : vector<1x16xf32> to vector<16xf32>
      %parallel_loop3A_538 = arith.mulf %parallel_loop3A_537, %get3A_36 : vector<16xf32>
      %parallel_loop3A_539 = arith.addf %parallel_loop3A_532, %parallel_loop3A_538 : vector<16xf32>
      %parallel_loop3A_540 = arith.constant 3 : i32
      %parallel_loop3A_541 = arith.index_cast %parallel_loop3A_540 : i32 to index
      %parallel_loop3A_542 = arith.index_cast %parallel_loop3A_519 : i32 to index
      %parallel_loop3A_543 = tpu.vector_load %arg7[%parallel_loop3A_541, %parallel_loop3A_542] {strides = array<i32>} : memref<96x768xf32, #tpu.memory_space<vmem>>, vector<1x16xf32>,
      %parallel_loop3A_544 = vector.shape_cast %parallel_loop3A_543 : vector<1x16xf32> to vector<16xf32>
      %parallel_loop3A_545 = arith.mulf %parallel_loop3A_544, %get3A_41 : vector<16xf32>
      %parallel_loop3A_546 = arith.addf %parallel_loop3A_539, %parallel_loop3A_545 : vector<16xf32>
      %parallel_loop3A_547 = arith.constant 4 : i32
      %parallel_loop3A_548 = arith.index_cast %parallel_loop3A_547 : i32 to index
      %parallel_loop3A_549 = arith.index_cast %parallel_loop3A_519 : i32 to index
      %parallel_loop3A_550 = tpu.vector_load %arg7[%parallel_loop3A_548, %parallel_loop3A_549] {strides = array<i32>} : memref<96x768xf32, #tpu.memory_space<vmem>>, vector<1x16xf32>,
      %parallel_loop3A_551 = vector.shape_cast %parallel_loop3A_550 : vector<1x16xf32> to vector<16xf32>
      %parallel_loop3A_552 = arith.mulf %parallel_loop3A_551, %get3A_46 : vector<16xf32>
      %parallel_loop3A_553 = arith.addf %parallel_loop3A_546, %parallel_loop3A_552 : vector<16xf32>
      %parallel_loop3A_554 = arith.constant 5 : i32
      %parallel_loop3A_555 = arith.index_cast %parallel_loop3A_554 : i32 to index
      %parallel_loop3A_556 = arith.index_cast %parallel_loop3A_519 : i32 to index
      %parallel_loop3A_557 = tpu.vector_load %arg7[%parallel_loop3A_555, %parallel_loop3A_556] {strides = array<i32>} : memref<96x768xf32, #tpu.memory_space<vmem>>, vector<1x16xf32>,
      %parallel_loop3A_558 = vector.shape_cast %parallel_loop3A_557 : vector<1x16xf32> to vector<16xf32>
      %parallel_loop3A_559 = arith.mulf %parallel_loop3A_558, %get3A_51 : vector<16xf32>
      %parallel_loop3A_560 = arith.addf %parallel_loop3A_553, %parallel_loop3A_559 : vector<16xf32>
      %parallel_loop3A_561 = arith.constant 6 : i32
      %parallel_loop3A_562 = arith.index_cast %parallel_loop3A_561 : i32 to index
      %parallel_loop3A_563 = arith.index_cast %parallel_loop3A_519 : i32 to index
      %parallel_loop3A_564 = tpu.vector_load %arg7[%parallel_loop3A_562, %parallel_loop3A_563] {strides = array<i32>} : memref<96x768xf32, #tpu.memory_space<vmem>>, vector<1x16xf32>,
      %parallel_loop3A_565 = vector.shape_cast %parallel_loop3A_564 : vector<1x16xf32> to vector<16xf32>
      %parallel_loop3A_566 = arith.mulf %parallel_loop3A_565, %get3A_56 : vector<16xf32>
      %parallel_loop3A_567 = arith.addf %parallel_loop3A_560, %parallel_loop3A_566 : vector<16xf32>
      %parallel_loop3A_568 = arith.constant 7 : i32
      %parallel_loop3A_569 = arith.index_cast %parallel_loop3A_568 : i32 to index
      %parallel_loop3A_570 = arith.index_cast %parallel_loop3A_519 : i32 to index
      %parallel_loop3A_571 = tpu.vector_load %arg7[%parallel_loop3A_569, %parallel_loop3A_570] {strides = array<i32>} : memref<96x768xf32, #tpu.memory_space<vmem>>, vector<1x16xf32>,
      %parallel_loop3A_572 = vector.shape_cast %parallel_loop3A_571 : vector<1x16xf32> to vector<16xf32>
      %parallel_loop3A_573 = arith.mulf %parallel_loop3A_572, %get3A_61 : vector<16xf32>
      %parallel_loop3A_574 = arith.addf %parallel_loop3A_567, %parallel_loop3A_573 : vector<16xf32>
      %parallel_loop3A_575 = arith.constant 8 : i32
      %parallel_loop3A_576 = arith.index_cast %parallel_loop3A_575 : i32 to index
      %parallel_loop3A_577 = arith.index_cast %parallel_loop3A_519 : i32 to index
      %parallel_loop3A_578 = tpu.vector_load %arg7[%parallel_loop3A_576, %parallel_loop3A_577] {strides = array<i32>} : memref<96x768xf32, #tpu.memory_space<vmem>>, vector<1x16xf32>,
      %parallel_loop3A_579 = vector.shape_cast %parallel_loop3A_578 : vector<1x16xf32> to vector<16xf32>
      %parallel_loop3A_580 = arith.mulf %parallel_loop3A_579, %get3A_66 : vector<16xf32>
      %parallel_loop3A_581 = arith.addf %parallel_loop3A_574, %parallel_loop3A_580 : vector<16xf32>
      %parallel_loop3A_582 = arith.constant 0 : i32
      %parallel_loop3A_583 = arith.constant 0 : i32
      %parallel_loop3A_584 = arith.index_cast %parallel_loop3A_582 : i32 to index
      %parallel_loop3A_585 = arith.index_cast %parallel_loop3A_583 : i32 to index
      %parallel_loop3A_586 = arith.index_cast %parallel_loop3A_519 : i32 to index
      %parallel_loop3A_587 = tpu.vector_load %arg9[%parallel_loop3A_584, %parallel_loop3A_585, %parallel_loop3A_586] {strides = array<i32>} : memref<2x5x768xf32, #tpu.memory_space<vmem>>, vector<1x1x16xf32>,
      %parallel_loop3A_588 = vector.shape_cast %parallel_loop3A_587 : vector<1x1x16xf32> to vector<16xf32>
      %parallel_loop3A_589 = vector.shape_cast %parallel_loop3A_581 : vector<16xf32> to vector<1x1x16xf32>
      tpu.vector_store %arg9[%parallel_loop3A_584, %parallel_loop3A_585, %parallel_loop3A_586], %parallel_loop3A_589 {strides = array<i32>} : memref<2x5x768xf32, #tpu.memory_space<vmem>>, vector<1x1x16xf32>,
    } {sc.loop_unroll_factor = 4 : i64, sc.parallel_access}
    %get3A_69 = arith.constant 9 : i32
    %get3A_70 = arith.index_cast %get3A_69 : i32 to index
    %get3A_71 = arith.constant 0 : index
    %get3A_72 = tpu.vector_load %arg8[%get3A_70, %get3A_71] {strides = array<i32>} : memref<96x16xf32, #tpu.memory_space<vmem>>, vector<1x16xf32>,
    %get3A_73 = vector.shape_cast %get3A_72 : vector<1x16xf32> to vector<16xf32>
    %get3A_74 = arith.constant 10 : i32
    %get3A_75 = arith.index_cast %get3A_74 : i32 to index
    %get3A_76 = arith.constant 0 : index
    %get3A_77 = tpu.vector_load %arg8[%get3A_75, %get3A_76] {strides = array<i32>} : memref<96x16xf32, #tpu.memory_space<vmem>>, vector<1x16xf32>,
    %get3A_78 = vector.shape_cast %get3A_77 : vector<1x16xf32> to vector<16xf32>
    %get3A_79 = arith.constant 11 : i32
    %get3A_80 = arith.index_cast %get3A_79 : i32 to index
    %get3A_81 = arith.constant 0 : index
    %get3A_82 = tpu.vector_load %arg8[%get3A_80, %get3A_81] {strides = array<i32>} : memref<96x16xf32, #tpu.memory_space<vmem>>, vector<1x16xf32>,
    %get3A_83 = vector.shape_cast %get3A_82 : vector<1x16xf32> to vector<16xf32>
    %get3A_84 = arith.constant 12 : i32
    %get3A_85 = arith.index_cast %get3A_84 : i32 to index
    %get3A_86 = arith.constant 0 : index
    %get3A_87 = tpu.vector_load %arg8[%get3A_85, %get3A_86] {strides = array<i32>} : memref<96x16xf32, #tpu.memory_space<vmem>>, vector<1x16xf32>,
    %get3A_88 = vector.shape_cast %get3A_87 : vector<1x16xf32> to vector<16xf32>
    %get3A_89 = arith.constant 13 : i32
    %get3A_90 = arith.index_cast %get3A_89 : i32 to index
    %get3A_91 = arith.constant 0 : index
    %get3A_92 = tpu.vector_load %arg8[%get3A_90, %get3A_91] {strides = array<i32>} : memref<96x16xf32, #tpu.memory_space<vmem>>, vector<1x16xf32>,
    %get3A_93 = vector.shape_cast %get3A_92 : vector<1x16xf32> to vector<16xf32>
    %get3A_94 = arith.constant 14 : i32
    %get3A_95 = arith.index_cast %get3A_94 : i32 to index
    %get3A_96 = arith.constant 0 : index
    %get3A_97 = tpu.vector_load %arg8[%get3A_95, %get3A_96] {strides = array<i32>} : memref<96x16xf32, #tpu.memory_space<vmem>>, vector<1x16xf32>,
    %get3A_98 = vector.shape_cast %get3A_97 : vector<1x16xf32> to vector<16xf32>
    %get3A_99 = arith.constant 15 : i32
    %get3A_100 = arith.index_cast %get3A_99 : i32 to index
    %get3A_101 = arith.constant 0 : index
    %get3A_102 = tpu.vector_load %arg8[%get3A_100, %get3A_101] {strides = array<i32>} : memref<96x16xf32, #tpu.memory_space<vmem>>, vector<1x16xf32>,
    %get3A_103 = vector.shape_cast %get3A_102 : vector<1x16xf32> to vector<16xf32>
    %get3A_104 = arith.constant 16 : i32
    %get3A_105 = arith.index_cast %get3A_104 : i32 to index
    %get3A_106 = arith.constant 0 : index
    %get3A_107 = tpu.vector_load %arg8[%get3A_105, %get3A_106] {strides = array<i32>} : memref<96x16xf32, #tpu.memory_space<vmem>>, vector<1x16xf32>,
    %get3A_108 = vector.shape_cast %get3A_107 : vector<1x16xf32> to vector<16xf32>
    %get3A_109 = arith.constant 17 : i32
    %get3A_110 = arith.index_cast %get3A_109 : i32 to index
    %get3A_111 = arith.constant 0 : index
    %get3A_112 = tpu.vector_load %arg8[%get3A_110, %get3A_111] {strides = array<i32>} : memref<96x16xf32, #tpu.memory_space<vmem>>, vector<1x16xf32>,
    %get3A_113 = vector.shape_cast %get3A_112 : vector<1x16xf32> to vector<16xf32>
    %parallel_loop3A_114 = arith.constant 0 : i32
    %parallel_loop3A_115 = arith.constant 48 : i32
    %parallel_loop3A_116 = arith.constant 1 : i32
    scf.for %parallel_loop3A_517 = %parallel_loop3A_114 to %parallel_loop3A_115 step %parallel_loop3A_116  : i32 {
      %parallel_loop3A_518 = arith.constant 16 : i32
      %parallel_loop3A_519 = arith.muli %parallel_loop3A_517, %parallel_loop3A_518 : i32
      %parallel_loop3A_520 = arith.constant 9 : i32
      %parallel_loop3A_521 = arith.index_cast %parallel_loop3A_520 : i32 to index
      %parallel_loop3A_522 = arith.index_cast %parallel_loop3A_519 : i32 to index
      %parallel_loop3A_523 = tpu.vector_load %arg7[%parallel_loop3A_521, %parallel_loop3A_522] {strides = array<i32>} : memref<96x768xf32, #tpu.memory_space<vmem>>, vector<1x16xf32>,
      %parallel_loop3A_524 = vector.shape_cast %parallel_loop3A_523 : vector<1x16xf32> to vector<16xf32>
      %parallel_loop3A_525 = arith.mulf %parallel_loop3A_524, %get3A_73 : vector<16xf32>
      %parallel_loop3A_526 = arith.constant 10 : i32
      %parallel_loop3A_527 = arith.index_cast %parallel_loop3A_526 : i32 to index
      %parallel_loop3A_528 = arith.index_cast %parallel_loop3A_519 : i32 to index
      %parallel_loop3A_529 = tpu.vector_load %arg7[%parallel_loop3A_527, %parallel_loop3A_528] {strides = array<i32>} : memref<96x768xf32, #tpu.memory_space<vmem>>, vector<1x16xf32>,
      %parallel_loop3A_530 = vector.shape_cast %parallel_loop3A_529 : vector<1x16xf32> to vector<16xf32>
      %parallel_loop3A_531 = arith.mulf %parallel_loop3A_530, %get3A_78 : vector<16xf32>
      %parallel_loop3A_532 = arith.addf %parallel_loop3A_525, %parallel_loop3A_531 : vector<16xf32>
      %parallel_loop3A_533 = arith.constant 11 : i32
      %parallel_loop3A_534 = arith.index_cast %parallel_loop3A_533 : i32 to index
      %parallel_loop3A_535 = arith.index_cast %parallel_loop3A_519 : i32 to index
      %parallel_loop3A_536 = tpu.vector_load %arg7[%parallel_loop3A_534, %parallel_loop3A_535] {strides = array<i32>} : memref<96x768xf32, #tpu.memory_space<vmem>>, vector<1x16xf32>,
      %parallel_loop3A_537 = vector.shape_cast %parallel_loop3A_536 : vector<1x16xf32> to vector<16xf32>
      %parallel_loop3A_538 = arith.mulf %parallel_loop3A_537, %get3A_83 : vector<16xf32>
      %parallel_loop3A_539 = arith.addf %parallel_loop3A_532, %parallel_loop3A_538 : vector<16xf32>
      %parallel_loop3A_540 = arith.constant 12 : i32
      %parallel_loop3A_541 = arith.index_cast %parallel_loop3A_540 : i32 to index
      %parallel_loop3A_542 = arith.index_cast %parallel_loop3A_519 : i32 to index
      %parallel_loop3A_543 = tpu.vector_load %arg7[%parallel_loop3A_541, %parallel_loop3A_542] {strides = array<i32>} : memref<96x768xf32, #tpu.memory_space<vmem>>, vector<1x16xf32>,
      %parallel_loop3A_544 = vector.shape_cast %parallel_loop3A_543 : vector<1x16xf32> to vector<16xf32>
      %parallel_loop3A_545 = arith.mulf %parallel_loop3A_544, %get3A_88 : vector<16xf32>
      %parallel_loop3A_546 = arith.addf %parallel_loop3A_539, %parallel_loop3A_545 : vector<16xf32>
      %parallel_loop3A_547 = arith.constant 13 : i32
      %parallel_loop3A_548 = arith.index_cast %parallel_loop3A_547 : i32 to index
      %parallel_loop3A_549 = arith.index_cast %parallel_loop3A_519 : i32 to index
      %parallel_loop3A_550 = tpu.vector_load %arg7[%parallel_loop3A_548, %parallel_loop3A_549] {strides = array<i32>} : memref<96x768xf32, #tpu.memory_space<vmem>>, vector<1x16xf32>,
      %parallel_loop3A_551 = vector.shape_cast %parallel_loop3A_550 : vector<1x16xf32> to vector<16xf32>
      %parallel_loop3A_552 = arith.mulf %parallel_loop3A_551, %get3A_93 : vector<16xf32>
      %parallel_loop3A_553 = arith.addf %parallel_loop3A_546, %parallel_loop3A_552 : vector<16xf32>
      %parallel_loop3A_554 = arith.constant 14 : i32
      %parallel_loop3A_555 = arith.index_cast %parallel_loop3A_554 : i32 to index
      %parallel_loop3A_556 = arith.index_cast %parallel_loop3A_519 : i32 to index
      %parallel_loop3A_557 = tpu.vector_load %arg7[%parallel_loop3A_555, %parallel_loop3A_556] {strides = array<i32>} : memref<96x768xf32, #tpu.memory_space<vmem>>, vector<1x16xf32>,
      %parallel_loop3A_558 = vector.shape_cast %parallel_loop3A_557 : vector<1x16xf32> to vector<16xf32>
      %parallel_loop3A_559 = arith.mulf %parallel_loop3A_558, %get3A_98 : vector<16xf32>
      %parallel_loop3A_560 = arith.addf %parallel_loop3A_553, %parallel_loop3A_559 : vector<16xf32>
      %parallel_loop3A_561 = arith.constant 15 : i32
      %parallel_loop3A_562 = arith.index_cast %parallel_loop3A_561 : i32 to index
      %parallel_loop3A_563 = arith.index_cast %parallel_loop3A_519 : i32 to index
      %parallel_loop3A_564 = tpu.vector_load %arg7[%parallel_loop3A_562, %parallel_loop3A_563] {strides = array<i32>} : memref<96x768xf32, #tpu.memory_space<vmem>>, vector<1x16xf32>,
      %parallel_loop3A_565 = vector.shape_cast %parallel_loop3A_564 : vector<1x16xf32> to vector<16xf32>
      %parallel_loop3A_566 = arith.mulf %parallel_loop3A_565, %get3A_103 : vector<16xf32>
      %parallel_loop3A_567 = arith.addf %parallel_loop3A_560, %parallel_loop3A_566 : vector<16xf32>
      %parallel_loop3A_568 = arith.constant 16 : i32
      %parallel_loop3A_569 = arith.index_cast %parallel_loop3A_568 : i32 to index
      %parallel_loop3A_570 = arith.index_cast %parallel_loop3A_519 : i32 to index
      %parallel_loop3A_571 = tpu.vector_load %arg7[%parallel_loop3A_569, %parallel_loop3A_570] {strides = array<i32>} : memref<96x768xf32, #tpu.memory_space<vmem>>, vector<1x16xf32>,
      %parallel_loop3A_572 = vector.shape_cast %parallel_loop3A_571 : vector<1x16xf32> to vector<16xf32>
      %parallel_loop3A_573 = arith.mulf %parallel_loop3A_572, %get3A_108 : vector<16xf32>
      %parallel_loop3A_574 = arith.addf %parallel_loop3A_567, %parallel_loop3A_573 : vector<16xf32>
      %parallel_loop3A_575 = arith.constant 17 : i32
      %parallel_loop3A_576 = arith.index_cast %parallel_loop3A_575 : i32 to index
      %parallel_loop3A_577 = arith.index_cast %parallel_loop3A_519 : i32 to index
      %parallel_loop3A_578 = tpu.vector_load %arg7[%parallel_loop3A_576, %parallel_loop3A_577] {strides = array<i32>} : memref<96x768xf32, #tpu.memory_space<vmem>>, vector<1x16xf32>,
      %parallel_loop3A_579 = vector.shape_cast %parallel_loop3A_578 : vector<1x16xf32> to vector<16xf32>
      %parallel_loop3A_580 = arith.mulf %parallel_loop3A_579, %get3A_113 : vector<16xf32>
      %parallel_loop3A_581 = arith.addf %parallel_loop3A_574, %parallel_loop3A_580 : vector<16xf32>
      %parallel_loop3A_582 = arith.constant 0 : i32
      %parallel_loop3A_583 = arith.constant 1 : i32
      %parallel_loop3A_584 = arith.index_cast %parallel_loop3A_582 : i32 to index
      %parallel_loop3A_585 = arith.index_cast %parallel_loop3A_583 : i32 to index
      %parallel_loop3A_586 = arith.index_cast %parallel_loop3A_519 : i32 to index
      %parallel_loop3A_587 = tpu.vector_load %arg9[%parallel_loop3A_584, %parallel_loop3A_585, %parallel_loop3A_586] {strides = array<i32>} : memref<2x5x768xf32, #tpu.memory_space<vmem>>, vector<1x1x16xf32>,
      %parallel_loop3A_588 = vector.shape_cast %parallel_loop3A_587 : vector<1x1x16xf32> to vector<16xf32>
      %parallel_loop3A_589 = vector.shape_cast %parallel_loop3A_581 : vector<16xf32> to vector<1x1x16xf32>
      tpu.vector_store %arg9[%parallel_loop3A_584, %parallel_loop3A_585, %parallel_loop3A_586], %parallel_loop3A_589 {strides = array<i32>} : memref<2x5x768xf32, #tpu.memory_space<vmem>>, vector<1x1x16xf32>,
    } {sc.loop_unroll_factor = 4 : i64, sc.parallel_access}
    %get3A_117 = arith.constant 18 : i32
    %get3A_118 = arith.index_cast %get3A_117 : i32 to index
    %get3A_119 = arith.constant 0 : index
    %get3A_120 = tpu.vector_load %arg8[%get3A_118, %get3A_119] {strides = array<i32>} : memref<96x16xf32, #tpu.memory_space<vmem>>, vector<1x16xf32>,
    %get3A_121 = vector.shape_cast %get3A_120 : vector<1x16xf32> to vector<16xf32>
    %get3A_122 = arith.constant 19 : i32
    %get3A_123 = arith.index_cast %get3A_122 : i32 to index
    %get3A_124 = arith.constant 0 : index
    %get3A_125 = tpu.vector_load %arg8[%get3A_123, %get3A_124] {strides = array<i32>} : memref<96x16xf32, #tpu.memory_space<vmem>>, vector<1x16xf32>,
    %get3A_126 = vector.shape_cast %get3A_125 : vector<1x16xf32> to vector<16xf32>
    %get3A_127 = arith.constant 20 : i32
    %get3A_128 = arith.index_cast %get3A_127 : i32 to index
    %get3A_129 = arith.constant 0 : index
    %get3A_130 = tpu.vector_load %arg8[%get3A_128, %get3A_129] {strides = array<i32>} : memref<96x16xf32, #tpu.memory_space<vmem>>, vector<1x16xf32>,
    %get3A_131 = vector.shape_cast %get3A_130 : vector<1x16xf32> to vector<16xf32>
    %get3A_132 = arith.constant 21 : i32
    %get3A_133 = arith.index_cast %get3A_132 : i32 to index
    %get3A_134 = arith.constant 0 : index
    %get3A_135 = tpu.vector_load %arg8[%get3A_133, %get3A_134] {strides = array<i32>} : memref<96x16xf32, #tpu.memory_space<vmem>>, vector<1x16xf32>,
    %get3A_136 = vector.shape_cast %get3A_135 : vector<1x16xf32> to vector<16xf32>
    %get3A_137 = arith.constant 22 : i32
    %get3A_138 = arith.index_cast %get3A_137 : i32 to index
    %get3A_139 = arith.constant 0 : index
    %get3A_140 = tpu.vector_load %arg8[%get3A_138, %get3A_139] {strides = array<i32>} : memref<96x16xf32, #tpu.memory_space<vmem>>, vector<1x16xf32>,
    %get3A_141 = vector.shape_cast %get3A_140 : vector<1x16xf32> to vector<16xf32>
    %get3A_142 = arith.constant 23 : i32
    %get3A_143 = arith.index_cast %get3A_142 : i32 to index
    %get3A_144 = arith.constant 0 : index
    %get3A_145 = tpu.vector_load %arg8[%get3A_143, %get3A_144] {strides = array<i32>} : memref<96x16xf32, #tpu.memory_space<vmem>>, vector<1x16xf32>,
    %get3A_146 = vector.shape_cast %get3A_145 : vector<1x16xf32> to vector<16xf32>
    %get3A_147 = arith.constant 24 : i32
    %get3A_148 = arith.index_cast %get3A_147 : i32 to index
    %get3A_149 = arith.constant 0 : index
    %get3A_150 = tpu.vector_load %arg8[%get3A_148, %get3A_149] {strides = array<i32>} : memref<96x16xf32, #tpu.memory_space<vmem>>, vector<1x16xf32>,
    %get3A_151 = vector.shape_cast %get3A_150 : vector<1x16xf32> to vector<16xf32>
    %get3A_152 = arith.constant 25 : i32
    %get3A_153 = arith.index_cast %get3A_152 : i32 to index
    %get3A_154 = arith.constant 0 : index
    %get3A_155 = tpu.vector_load %arg8[%get3A_153, %get3A_154] {strides = array<i32>} : memref<96x16xf32, #tpu.memory_space<vmem>>, vector<1x16xf32>,
    %get3A_156 = vector.shape_cast %get3A_155 : vector<1x16xf32> to vector<16xf32>
    %get3A_157 = arith.constant 26 : i32
    %get3A_158 = arith.index_cast %get3A_157 : i32 to index
    %get3A_159 = arith.constant 0 : index
    %get3A_160 = tpu.vector_load %arg8[%get3A_158, %get3A_159] {strides = array<i32>} : memref<96x16xf32, #tpu.memory_space<vmem>>, vector<1x16xf32>,
    %get3A_161 = vector.shape_cast %get3A_160 : vector<1x16xf32> to vector<16xf32>
    %parallel_loop3A_162 = arith.constant 0 : i32
    %parallel_loop3A_163 = arith.constant 48 : i32
    %parallel_loop3A_164 = arith.constant 1 : i32
    scf.for %parallel_loop3A_517 = %parallel_loop3A_162 to %parallel_loop3A_163 step %parallel_loop3A_164  : i32 {
      %parallel_loop3A_518 = arith.constant 16 : i32
      %parallel_loop3A_519 = arith.muli %parallel_loop3A_517, %parallel_loop3A_518 : i32
      %parallel_loop3A_520 = arith.constant 18 : i32
      %parallel_loop3A_521 = arith.index_cast %parallel_loop3A_520 : i32 to index
      %parallel_loop3A_522 = arith.index_cast %parallel_loop3A_519 : i32 to index
      %parallel_loop3A_523 = tpu.vector_load %arg7[%parallel_loop3A_521, %parallel_loop3A_522] {strides = array<i32>} : memref<96x768xf32, #tpu.memory_space<vmem>>, vector<1x16xf32>,
      %parallel_loop3A_524 = vector.shape_cast %parallel_loop3A_523 : vector<1x16xf32> to vector<16xf32>
      %parallel_loop3A_525 = arith.mulf %parallel_loop3A_524, %get3A_121 : vector<16xf32>
      %parallel_loop3A_526 = arith.constant 19 : i32
      %parallel_loop3A_527 = arith.index_cast %parallel_loop3A_526 : i32 to index
      %parallel_loop3A_528 = arith.index_cast %parallel_loop3A_519 : i32 to index
      %parallel_loop3A_529 = tpu.vector_load %arg7[%parallel_loop3A_527, %parallel_loop3A_528] {strides = array<i32>} : memref<96x768xf32, #tpu.memory_space<vmem>>, vector<1x16xf32>,
      %parallel_loop3A_530 = vector.shape_cast %parallel_loop3A_529 : vector<1x16xf32> to vector<16xf32>
      %parallel_loop3A_531 = arith.mulf %parallel_loop3A_530, %get3A_126 : vector<16xf32>
      %parallel_loop3A_532 = arith.addf %parallel_loop3A_525, %parallel_loop3A_531 : vector<16xf32>
      %parallel_loop3A_533 = arith.constant 20 : i32
      %parallel_loop3A_534 = arith.index_cast %parallel_loop3A_533 : i32 to index
      %parallel_loop3A_535 = arith.index_cast %parallel_loop3A_519 : i32 to index
      %parallel_loop3A_536 = tpu.vector_load %arg7[%parallel_loop3A_534, %parallel_loop3A_535] {strides = array<i32>} : memref<96x768xf32, #tpu.memory_space<vmem>>, vector<1x16xf32>,
      %parallel_loop3A_537 = vector.shape_cast %parallel_loop3A_536 : vector<1x16xf32> to vector<16xf32>
      %parallel_loop3A_538 = arith.mulf %parallel_loop3A_537, %get3A_131 : vector<16xf32>
      %parallel_loop3A_539 = arith.addf %parallel_loop3A_532, %parallel_loop3A_538 : vector<16xf32>
      %parallel_loop3A_540 = arith.constant 21 : i32
      %parallel_loop3A_541 = arith.index_cast %parallel_loop3A_540 : i32 to index
      %parallel_loop3A_542 = arith.index_cast %parallel_loop3A_519 : i32 to index
      %parallel_loop3A_543 = tpu.vector_load %arg7[%parallel_loop3A_541, %parallel_loop3A_542] {strides = array<i32>} : memref<96x768xf32, #tpu.memory_space<vmem>>, vector<1x16xf32>,
      %parallel_loop3A_544 = vector.shape_cast %parallel_loop3A_543 : vector<1x16xf32> to vector<16xf32>
      %parallel_loop3A_545 = arith.mulf %parallel_loop3A_544, %get3A_136 : vector<16xf32>
      %parallel_loop3A_546 = arith.addf %parallel_loop3A_539, %parallel_loop3A_545 : vector<16xf32>
      %parallel_loop3A_547 = arith.constant 22 : i32
      %parallel_loop3A_548 = arith.index_cast %parallel_loop3A_547 : i32 to index
      %parallel_loop3A_549 = arith.index_cast %parallel_loop3A_519 : i32 to index
      %parallel_loop3A_550 = tpu.vector_load %arg7[%parallel_loop3A_548, %parallel_loop3A_549] {strides = array<i32>} : memref<96x768xf32, #tpu.memory_space<vmem>>, vector<1x16xf32>,
      %parallel_loop3A_551 = vector.shape_cast %parallel_loop3A_550 : vector<1x16xf32> to vector<16xf32>
      %parallel_loop3A_552 = arith.mulf %parallel_loop3A_551, %get3A_141 : vector<16xf32>
      %parallel_loop3A_553 = arith.addf %parallel_loop3A_546, %parallel_loop3A_552 : vector<16xf32>
      %parallel_loop3A_554 = arith.constant 23 : i32
      %parallel_loop3A_555 = arith.index_cast %parallel_loop3A_554 : i32 to index
      %parallel_loop3A_556 = arith.index_cast %parallel_loop3A_519 : i32 to index
      %parallel_loop3A_557 = tpu.vector_load %arg7[%parallel_loop3A_555, %parallel_loop3A_556] {strides = array<i32>} : memref<96x768xf32, #tpu.memory_space<vmem>>, vector<1x16xf32>,
      %parallel_loop3A_558 = vector.shape_cast %parallel_loop3A_557 : vector<1x16xf32> to vector<16xf32>
      %parallel_loop3A_559 = arith.mulf %parallel_loop3A_558, %get3A_146 : vector<16xf32>
      %parallel_loop3A_560 = arith.addf %parallel_loop3A_553, %parallel_loop3A_559 : vector<16xf32>
      %parallel_loop3A_561 = arith.constant 24 : i32
      %parallel_loop3A_562 = arith.index_cast %parallel_loop3A_561 : i32 to index
      %parallel_loop3A_563 = arith.index_cast %parallel_loop3A_519 : i32 to index
      %parallel_loop3A_564 = tpu.vector_load %arg7[%parallel_loop3A_562, %parallel_loop3A_563] {strides = array<i32>} : memref<96x768xf32, #tpu.memory_space<vmem>>, vector<1x16xf32>,
      %parallel_loop3A_565 = vector.shape_cast %parallel_loop3A_564 : vector<1x16xf32> to vector<16xf32>
      %parallel_loop3A_566 = arith.mulf %parallel_loop3A_565, %get3A_151 : vector<16xf32>
      %parallel_loop3A_567 = arith.addf %parallel_loop3A_560, %parallel_loop3A_566 : vector<16xf32>
      %parallel_loop3A_568 = arith.constant 25 : i32
      %parallel_loop3A_569 = arith.index_cast %parallel_loop3A_568 : i32 to index
      %parallel_loop3A_570 = arith.index_cast %parallel_loop3A_519 : i32 to index
      %parallel_loop3A_571 = tpu.vector_load %arg7[%parallel_loop3A_569, %parallel_loop3A_570] {strides = array<i32>} : memref<96x768xf32, #tpu.memory_space<vmem>>, vector<1x16xf32>,
      %parallel_loop3A_572 = vector.shape_cast %parallel_loop3A_571 : vector<1x16xf32> to vector<16xf32>
      %parallel_loop3A_573 = arith.mulf %parallel_loop3A_572, %get3A_156 : vector<16xf32>
      %parallel_loop3A_574 = arith.addf %parallel_loop3A_567, %parallel_loop3A_573 : vector<16xf32>
      %parallel_loop3A_575 = arith.constant 26 : i32
      %parallel_loop3A_576 = arith.index_cast %parallel_loop3A_575 : i32 to index
      %parallel_loop3A_577 = arith.index_cast %parallel_loop3A_519 : i32 to index
      %parallel_loop3A_578 = tpu.vector_load %arg7[%parallel_loop3A_576, %parallel_loop3A_577] {strides = array<i32>} : memref<96x768xf32, #tpu.memory_space<vmem>>, vector<1x16xf32>,
      %parallel_loop3A_579 = vector.shape_cast %parallel_loop3A_578 : vector<1x16xf32> to vector<16xf32>
      %parallel_loop3A_580 = arith.mulf %parallel_loop3A_579, %get3A_161 : vector<16xf32>
      %parallel_loop3A_581 = arith.addf %parallel_loop3A_574, %parallel_loop3A_580 : vector<16xf32>
      %parallel_loop3A_582 = arith.constant 0 : i32
      %parallel_loop3A_583 = arith.constant 2 : i32
      %parallel_loop3A_584 = arith.index_cast %parallel_loop3A_582 : i32 to index
      %parallel_loop3A_585 = arith.index_cast %parallel_loop3A_583 : i32 to index
      %parallel_loop3A_586 = arith.index_cast %parallel_loop3A_519 : i32 to index
      %parallel_loop3A_587 = tpu.vector_load %arg9[%parallel_loop3A_584, %parallel_loop3A_585, %parallel_loop3A_586] {strides = array<i32>} : memref<2x5x768xf32, #tpu.memory_space<vmem>>, vector<1x1x16xf32>,
      %parallel_loop3A_588 = vector.shape_cast %parallel_loop3A_587 : vector<1x1x16xf32> to vector<16xf32>
      %parallel_loop3A_589 = vector.shape_cast %parallel_loop3A_581 : vector<16xf32> to vector<1x1x16xf32>
      tpu.vector_store %arg9[%parallel_loop3A_584, %parallel_loop3A_585, %parallel_loop3A_586], %parallel_loop3A_589 {strides = array<i32>} : memref<2x5x768xf32, #tpu.memory_space<vmem>>, vector<1x1x16xf32>,
    } {sc.loop_unroll_factor = 4 : i64, sc.parallel_access}
    %get3A_165 = arith.constant 27 : i32
    %get3A_166 = arith.index_cast %get3A_165 : i32 to index
    %get3A_167 = arith.constant 0 : index
    %get3A_168 = tpu.vector_load %arg8[%get3A_166, %get3A_167] {strides = array<i32>} : memref<96x16xf32, #tpu.memory_space<vmem>>, vector<1x16xf32>,
    %get3A_169 = vector.shape_cast %get3A_168 : vector<1x16xf32> to vector<16xf32>
    %get3A_170 = arith.constant 28 : i32
    %get3A_171 = arith.index_cast %get3A_170 : i32 to index
    %get3A_172 = arith.constant 0 : index
    %get3A_173 = tpu.vector_load %arg8[%get3A_171, %get3A_172] {strides = array<i32>} : memref<96x16xf32, #tpu.memory_space<vmem>>, vector<1x16xf32>,
    %get3A_174 = vector.shape_cast %get3A_173 : vector<1x16xf32> to vector<16xf32>
    %get3A_175 = arith.constant 29 : i32
    %get3A_176 = arith.index_cast %get3A_175 : i32 to index
    %get3A_177 = arith.constant 0 : index
    %get3A_178 = tpu.vector_load %arg8[%get3A_176, %get3A_177] {strides = array<i32>} : memref<96x16xf32, #tpu.memory_space<vmem>>, vector<1x16xf32>,
    %get3A_179 = vector.shape_cast %get3A_178 : vector<1x16xf32> to vector<16xf32>
    %get3A_180 = arith.constant 30 : i32
    %get3A_181 = arith.index_cast %get3A_180 : i32 to index
    %get3A_182 = arith.constant 0 : index
    %get3A_183 = tpu.vector_load %arg8[%get3A_181, %get3A_182] {strides = array<i32>} : memref<96x16xf32, #tpu.memory_space<vmem>>, vector<1x16xf32>,
    %get3A_184 = vector.shape_cast %get3A_183 : vector<1x16xf32> to vector<16xf32>
    %get3A_185 = arith.constant 31 : i32
    %get3A_186 = arith.index_cast %get3A_185 : i32 to index
    %get3A_187 = arith.constant 0 : index
    %get3A_188 = tpu.vector_load %arg8[%get3A_186, %get3A_187] {strides = array<i32>} : memref<96x16xf32, #tpu.memory_space<vmem>>, vector<1x16xf32>,
    %get3A_189 = vector.shape_cast %get3A_188 : vector<1x16xf32> to vector<16xf32>
    %get3A_190 = arith.constant 32 : i32
    %get3A_191 = arith.index_cast %get3A_190 : i32 to index
    %get3A_192 = arith.constant 0 : index
    %get3A_193 = tpu.vector_load %arg8[%get3A_191, %get3A_192] {strides = array<i32>} : memref<96x16xf32, #tpu.memory_space<vmem>>, vector<1x16xf32>,
    %get3A_194 = vector.shape_cast %get3A_193 : vector<1x16xf32> to vector<16xf32>
    %get3A_195 = arith.constant 33 : i32
    %get3A_196 = arith.index_cast %get3A_195 : i32 to index
    %get3A_197 = arith.constant 0 : index
    %get3A_198 = tpu.vector_load %arg8[%get3A_196, %get3A_197] {strides = array<i32>} : memref<96x16xf32, #tpu.memory_space<vmem>>, vector<1x16xf32>,
    %get3A_199 = vector.shape_cast %get3A_198 : vector<1x16xf32> to vector<16xf32>
    %get3A_200 = arith.constant 34 : i32
    %get3A_201 = arith.index_cast %get3A_200 : i32 to index
    %get3A_202 = arith.constant 0 : index
    %get3A_203 = tpu.vector_load %arg8[%get3A_201, %get3A_202] {strides = array<i32>} : memref<96x16xf32, #tpu.memory_space<vmem>>, vector<1x16xf32>,
    %get3A_204 = vector.shape_cast %get3A_203 : vector<1x16xf32> to vector<16xf32>
    %get3A_205 = arith.constant 35 : i32
    %get3A_206 = arith.index_cast %get3A_205 : i32 to index
    %get3A_207 = arith.constant 0 : index
    %get3A_208 = tpu.vector_load %arg8[%get3A_206, %get3A_207] {strides = array<i32>} : memref<96x16xf32, #tpu.memory_space<vmem>>, vector<1x16xf32>,
    %get3A_209 = vector.shape_cast %get3A_208 : vector<1x16xf32> to vector<16xf32>
    %parallel_loop3A_210 = arith.constant 0 : i32
    %parallel_loop3A_211 = arith.constant 48 : i32
    %parallel_loop3A_212 = arith.constant 1 : i32
    scf.for %parallel_loop3A_517 = %parallel_loop3A_210 to %parallel_loop3A_211 step %parallel_loop3A_212  : i32 {
      %parallel_loop3A_518 = arith.constant 16 : i32
      %parallel_loop3A_519 = arith.muli %parallel_loop3A_517, %parallel_loop3A_518 : i32
      %parallel_loop3A_520 = arith.constant 27 : i32
      %parallel_loop3A_521 = arith.index_cast %parallel_loop3A_520 : i32 to index
      %parallel_loop3A_522 = arith.index_cast %parallel_loop3A_519 : i32 to index
      %parallel_loop3A_523 = tpu.vector_load %arg7[%parallel_loop3A_521, %parallel_loop3A_522] {strides = array<i32>} : memref<96x768xf32, #tpu.memory_space<vmem>>, vector<1x16xf32>,
      %parallel_loop3A_524 = vector.shape_cast %parallel_loop3A_523 : vector<1x16xf32> to vector<16xf32>
      %parallel_loop3A_525 = arith.mulf %parallel_loop3A_524, %get3A_169 : vector<16xf32>
      %parallel_loop3A_526 = arith.constant 28 : i32
      %parallel_loop3A_527 = arith.index_cast %parallel_loop3A_526 : i32 to index
      %parallel_loop3A_528 = arith.index_cast %parallel_loop3A_519 : i32 to index
      %parallel_loop3A_529 = tpu.vector_load %arg7[%parallel_loop3A_527, %parallel_loop3A_528] {strides = array<i32>} : memref<96x768xf32, #tpu.memory_space<vmem>>, vector<1x16xf32>,
      %parallel_loop3A_530 = vector.shape_cast %parallel_loop3A_529 : vector<1x16xf32> to vector<16xf32>
      %parallel_loop3A_531 = arith.mulf %parallel_loop3A_530, %get3A_174 : vector<16xf32>
      %parallel_loop3A_532 = arith.addf %parallel_loop3A_525, %parallel_loop3A_531 : vector<16xf32>
      %parallel_loop3A_533 = arith.constant 29 : i32
      %parallel_loop3A_534 = arith.index_cast %parallel_loop3A_533 : i32 to index
      %parallel_loop3A_535 = arith.index_cast %parallel_loop3A_519 : i32 to index
      %parallel_loop3A_536 = tpu.vector_load %arg7[%parallel_loop3A_534, %parallel_loop3A_535] {strides = array<i32>} : memref<96x768xf32, #tpu.memory_space<vmem>>, vector<1x16xf32>,
      %parallel_loop3A_537 = vector.shape_cast %parallel_loop3A_536 : vector<1x16xf32> to vector<16xf32>
      %parallel_loop3A_538 = arith.mulf %parallel_loop3A_537, %get3A_179 : vector<16xf32>
      %parallel_loop3A_539 = arith.addf %parallel_loop3A_532, %parallel_loop3A_538 : vector<16xf32>
      %parallel_loop3A_540 = arith.constant 30 : i32
      %parallel_loop3A_541 = arith.index_cast %parallel_loop3A_540 : i32 to index
      %parallel_loop3A_542 = arith.index_cast %parallel_loop3A_519 : i32 to index
      %parallel_loop3A_543 = tpu.vector_load %arg7[%parallel_loop3A_541, %parallel_loop3A_542] {strides = array<i32>} : memref<96x768xf32, #tpu.memory_space<vmem>>, vector<1x16xf32>,
      %parallel_loop3A_544 = vector.shape_cast %parallel_loop3A_543 : vector<1x16xf32> to vector<16xf32>
      %parallel_loop3A_545 = arith.mulf %parallel_loop3A_544, %get3A_184 : vector<16xf32>
      %parallel_loop3A_546 = arith.addf %parallel_loop3A_539, %parallel_loop3A_545 : vector<16xf32>
      %parallel_loop3A_547 = arith.constant 31 : i32
      %parallel_loop3A_548 = arith.index_cast %parallel_loop3A_547 : i32 to index
      %parallel_loop3A_549 = arith.index_cast %parallel_loop3A_519 : i32 to index
      %parallel_loop3A_550 = tpu.vector_load %arg7[%parallel_loop3A_548, %parallel_loop3A_549] {strides = array<i32>} : memref<96x768xf32, #tpu.memory_space<vmem>>, vector<1x16xf32>,
      %parallel_loop3A_551 = vector.shape_cast %parallel_loop3A_550 : vector<1x16xf32> to vector<16xf32>
      %parallel_loop3A_552 = arith.mulf %parallel_loop3A_551, %get3A_189 : vector<16xf32>
      %parallel_loop3A_553 = arith.addf %parallel_loop3A_546, %parallel_loop3A_552 : vector<16xf32>
      %parallel_loop3A_554 = arith.constant 32 : i32
      %parallel_loop3A_555 = arith.index_cast %parallel_loop3A_554 : i32 to index
      %parallel_loop3A_556 = arith.index_cast %parallel_loop3A_519 : i32 to index
      %parallel_loop3A_557 = tpu.vector_load %arg7[%parallel_loop3A_555, %parallel_loop3A_556] {strides = array<i32>} : memref<96x768xf32, #tpu.memory_space<vmem>>, vector<1x16xf32>,
      %parallel_loop3A_558 = vector.shape_cast %parallel_loop3A_557 : vector<1x16xf32> to vector<16xf32>
      %parallel_loop3A_559 = arith.mulf %parallel_loop3A_558, %get3A_194 : vector<16xf32>
      %parallel_loop3A_560 = arith.addf %parallel_loop3A_553, %parallel_loop3A_559 : vector<16xf32>
      %parallel_loop3A_561 = arith.constant 33 : i32
      %parallel_loop3A_562 = arith.index_cast %parallel_loop3A_561 : i32 to index
      %parallel_loop3A_563 = arith.index_cast %parallel_loop3A_519 : i32 to index
      %parallel_loop3A_564 = tpu.vector_load %arg7[%parallel_loop3A_562, %parallel_loop3A_563] {strides = array<i32>} : memref<96x768xf32, #tpu.memory_space<vmem>>, vector<1x16xf32>,
      %parallel_loop3A_565 = vector.shape_cast %parallel_loop3A_564 : vector<1x16xf32> to vector<16xf32>
      %parallel_loop3A_566 = arith.mulf %parallel_loop3A_565, %get3A_199 : vector<16xf32>
      %parallel_loop3A_567 = arith.addf %parallel_loop3A_560, %parallel_loop3A_566 : vector<16xf32>
      %parallel_loop3A_568 = arith.constant 34 : i32
      %parallel_loop3A_569 = arith.index_cast %parallel_loop3A_568 : i32 to index
      %parallel_loop3A_570 = arith.index_cast %parallel_loop3A_519 : i32 to index
      %parallel_loop3A_571 = tpu.vector_load %arg7[%parallel_loop3A_569, %parallel_loop3A_570] {strides = array<i32>} : memref<96x768xf32, #tpu.memory_space<vmem>>, vector<1x16xf32>,
      %parallel_loop3A_572 = vector.shape_cast %parallel_loop3A_571 : vector<1x16xf32> to vector<16xf32>
      %parallel_loop3A_573 = arith.mulf %parallel_loop3A_572, %get3A_204 : vector<16xf32>
      %parallel_loop3A_574 = arith.addf %parallel_loop3A_567, %parallel_loop3A_573 : vector<16xf32>
      %parallel_loop3A_575 = arith.constant 35 : i32
      %parallel_loop3A_576 = arith.index_cast %parallel_loop3A_575 : i32 to index
      %parallel_loop3A_577 = arith.index_cast %parallel_loop3A_519 : i32 to index
      %parallel_loop3A_578 = tpu.vector_load %arg7[%parallel_loop3A_576, %parallel_loop3A_577] {strides = array<i32>} : memref<96x768xf32, #tpu.memory_space<vmem>>, vector<1x16xf32>,
      %parallel_loop3A_579 = vector.shape_cast %parallel_loop3A_578 : vector<1x16xf32> to vector<16xf32>
      %parallel_loop3A_580 = arith.mulf %parallel_loop3A_579, %get3A_209 : vector<16xf32>
      %parallel_loop3A_581 = arith.addf %parallel_loop3A_574, %parallel_loop3A_580 : vector<16xf32>
      %parallel_loop3A_582 = arith.constant 0 : i32
      %parallel_loop3A_583 = arith.constant 3 : i32
      %parallel_loop3A_584 = arith.index_cast %parallel_loop3A_582 : i32 to index
      %parallel_loop3A_585 = arith.index_cast %parallel_loop3A_583 : i32 to index
      %parallel_loop3A_586 = arith.index_cast %parallel_loop3A_519 : i32 to index
      %parallel_loop3A_587 = tpu.vector_load %arg9[%parallel_loop3A_584, %parallel_loop3A_585, %parallel_loop3A_586] {strides = array<i32>} : memref<2x5x768xf32, #tpu.memory_space<vmem>>, vector<1x1x16xf32>,
      %parallel_loop3A_588 = vector.shape_cast %parallel_loop3A_587 : vector<1x1x16xf32> to vector<16xf32>
      %parallel_loop3A_589 = vector.shape_cast %parallel_loop3A_581 : vector<16xf32> to vector<1x1x16xf32>
      tpu.vector_store %arg9[%parallel_loop3A_584, %parallel_loop3A_585, %parallel_loop3A_586], %parallel_loop3A_589 {strides = array<i32>} : memref<2x5x768xf32, #tpu.memory_space<vmem>>, vector<1x1x16xf32>,
    } {sc.loop_unroll_factor = 4 : i64, sc.parallel_access}
    %get3A_213 = arith.constant 36 : i32
    %get3A_214 = arith.index_cast %get3A_213 : i32 to index
    %get3A_215 = arith.constant 0 : index
    %get3A_216 = tpu.vector_load %arg8[%get3A_214, %get3A_215] {strides = array<i32>} : memref<96x16xf32, #tpu.memory_space<vmem>>, vector<1x16xf32>,
    %get3A_217 = vector.shape_cast %get3A_216 : vector<1x16xf32> to vector<16xf32>
    %get3A_218 = arith.constant 37 : i32
    %get3A_219 = arith.index_cast %get3A_218 : i32 to index
    %get3A_220 = arith.constant 0 : index
    %get3A_221 = tpu.vector_load %arg8[%get3A_219, %get3A_220] {strides = array<i32>} : memref<96x16xf32, #tpu.memory_space<vmem>>, vector<1x16xf32>,
    %get3A_222 = vector.shape_cast %get3A_221 : vector<1x16xf32> to vector<16xf32>
    %get3A_223 = arith.constant 38 : i32
    %get3A_224 = arith.index_cast %get3A_223 : i32 to index
    %get3A_225 = arith.constant 0 : index
    %get3A_226 = tpu.vector_load %arg8[%get3A_224, %get3A_225] {strides = array<i32>} : memref<96x16xf32, #tpu.memory_space<vmem>>, vector<1x16xf32>,
    %get3A_227 = vector.shape_cast %get3A_226 : vector<1x16xf32> to vector<16xf32>
    %get3A_228 = arith.constant 39 : i32
    %get3A_229 = arith.index_cast %get3A_228 : i32 to index
    %get3A_230 = arith.constant 0 : index
    %get3A_231 = tpu.vector_load %arg8[%get3A_229, %get3A_230] {strides = array<i32>} : memref<96x16xf32, #tpu.memory_space<vmem>>, vector<1x16xf32>,
    %get3A_232 = vector.shape_cast %get3A_231 : vector<1x16xf32> to vector<16xf32>
    %get3A_233 = arith.constant 40 : i32
    %get3A_234 = arith.index_cast %get3A_233 : i32 to index
    %get3A_235 = arith.constant 0 : index
    %get3A_236 = tpu.vector_load %arg8[%get3A_234, %get3A_235] {strides = array<i32>} : memref<96x16xf32, #tpu.memory_space<vmem>>, vector<1x16xf32>,
    %get3A_237 = vector.shape_cast %get3A_236 : vector<1x16xf32> to vector<16xf32>
    %get3A_238 = arith.constant 41 : i32
    %get3A_239 = arith.index_cast %get3A_238 : i32 to index
    %get3A_240 = arith.constant 0 : index
    %get3A_241 = tpu.vector_load %arg8[%get3A_239, %get3A_240] {strides = array<i32>} : memref<96x16xf32, #tpu.memory_space<vmem>>, vector<1x16xf32>,
    %get3A_242 = vector.shape_cast %get3A_241 : vector<1x16xf32> to vector<16xf32>
    %get3A_243 = arith.constant 42 : i32
    %get3A_244 = arith.index_cast %get3A_243 : i32 to index
    %get3A_245 = arith.constant 0 : index
    %get3A_246 = tpu.vector_load %arg8[%get3A_244, %get3A_245] {strides = array<i32>} : memref<96x16xf32, #tpu.memory_space<vmem>>, vector<1x16xf32>,
    %get3A_247 = vector.shape_cast %get3A_246 : vector<1x16xf32> to vector<16xf32>
    %get3A_248 = arith.constant 43 : i32
    %get3A_249 = arith.index_cast %get3A_248 : i32 to index
    %get3A_250 = arith.constant 0 : index
    %get3A_251 = tpu.vector_load %arg8[%get3A_249, %get3A_250] {strides = array<i32>} : memref<96x16xf32, #tpu.memory_space<vmem>>, vector<1x16xf32>,
    %get3A_252 = vector.shape_cast %get3A_251 : vector<1x16xf32> to vector<16xf32>
    %get3A_253 = arith.constant 44 : i32
    %get3A_254 = arith.index_cast %get3A_253 : i32 to index
    %get3A_255 = arith.constant 0 : index
    %get3A_256 = tpu.vector_load %arg8[%get3A_254, %get3A_255] {strides = array<i32>} : memref<96x16xf32, #tpu.memory_space<vmem>>, vector<1x16xf32>,
    %get3A_257 = vector.shape_cast %get3A_256 : vector<1x16xf32> to vector<16xf32>
    %parallel_loop3A_258 = arith.constant 0 : i32
    %parallel_loop3A_259 = arith.constant 48 : i32
    %parallel_loop3A_260 = arith.constant 1 : i32
    scf.for %parallel_loop3A_517 = %parallel_loop3A_258 to %parallel_loop3A_259 step %parallel_loop3A_260  : i32 {
      %parallel_loop3A_518 = arith.constant 16 : i32
      %parallel_loop3A_519 = arith.muli %parallel_loop3A_517, %parallel_loop3A_518 : i32
      %parallel_loop3A_520 = arith.constant 36 : i32
      %parallel_loop3A_521 = arith.index_cast %parallel_loop3A_520 : i32 to index
      %parallel_loop3A_522 = arith.index_cast %parallel_loop3A_519 : i32 to index
      %parallel_loop3A_523 = tpu.vector_load %arg7[%parallel_loop3A_521, %parallel_loop3A_522] {strides = array<i32>} : memref<96x768xf32, #tpu.memory_space<vmem>>, vector<1x16xf32>,
      %parallel_loop3A_524 = vector.shape_cast %parallel_loop3A_523 : vector<1x16xf32> to vector<16xf32>
      %parallel_loop3A_525 = arith.mulf %parallel_loop3A_524, %get3A_217 : vector<16xf32>
      %parallel_loop3A_526 = arith.constant 37 : i32
      %parallel_loop3A_527 = arith.index_cast %parallel_loop3A_526 : i32 to index
      %parallel_loop3A_528 = arith.index_cast %parallel_loop3A_519 : i32 to index
      %parallel_loop3A_529 = tpu.vector_load %arg7[%parallel_loop3A_527, %parallel_loop3A_528] {strides = array<i32>} : memref<96x768xf32, #tpu.memory_space<vmem>>, vector<1x16xf32>,
      %parallel_loop3A_530 = vector.shape_cast %parallel_loop3A_529 : vector<1x16xf32> to vector<16xf32>
      %parallel_loop3A_531 = arith.mulf %parallel_loop3A_530, %get3A_222 : vector<16xf32>
      %parallel_loop3A_532 = arith.addf %parallel_loop3A_525, %parallel_loop3A_531 : vector<16xf32>
      %parallel_loop3A_533 = arith.constant 38 : i32
      %parallel_loop3A_534 = arith.index_cast %parallel_loop3A_533 : i32 to index
      %parallel_loop3A_535 = arith.index_cast %parallel_loop3A_519 : i32 to index
      %parallel_loop3A_536 = tpu.vector_load %arg7[%parallel_loop3A_534, %parallel_loop3A_535] {strides = array<i32>} : memref<96x768xf32, #tpu.memory_space<vmem>>, vector<1x16xf32>,
      %parallel_loop3A_537 = vector.shape_cast %parallel_loop3A_536 : vector<1x16xf32> to vector<16xf32>
      %parallel_loop3A_538 = arith.mulf %parallel_loop3A_537, %get3A_227 : vector<16xf32>
      %parallel_loop3A_539 = arith.addf %parallel_loop3A_532, %parallel_loop3A_538 : vector<16xf32>
      %parallel_loop3A_540 = arith.constant 39 : i32
      %parallel_loop3A_541 = arith.index_cast %parallel_loop3A_540 : i32 to index
      %parallel_loop3A_542 = arith.index_cast %parallel_loop3A_519 : i32 to index
      %parallel_loop3A_543 = tpu.vector_load %arg7[%parallel_loop3A_541, %parallel_loop3A_542] {strides = array<i32>} : memref<96x768xf32, #tpu.memory_space<vmem>>, vector<1x16xf32>,
      %parallel_loop3A_544 = vector.shape_cast %parallel_loop3A_543 : vector<1x16xf32> to vector<16xf32>
      %parallel_loop3A_545 = arith.mulf %parallel_loop3A_544, %get3A_232 : vector<16xf32>
      %parallel_loop3A_546 = arith.addf %parallel_loop3A_539, %parallel_loop3A_545 : vector<16xf32>
      %parallel_loop3A_547 = arith.constant 40 : i32
      %parallel_loop3A_548 = arith.index_cast %parallel_loop3A_547 : i32 to index
      %parallel_loop3A_549 = arith.index_cast %parallel_loop3A_519 : i32 to index
      %parallel_loop3A_550 = tpu.vector_load %arg7[%parallel_loop3A_548, %parallel_loop3A_549] {strides = array<i32>} : memref<96x768xf32, #tpu.memory_space<vmem>>, vector<1x16xf32>,
      %parallel_loop3A_551 = vector.shape_cast %parallel_loop3A_550 : vector<1x16xf32> to vector<16xf32>
      %parallel_loop3A_552 = arith.mulf %parallel_loop3A_551, %get3A_237 : vector<16xf32>
      %parallel_loop3A_553 = arith.addf %parallel_loop3A_546, %parallel_loop3A_552 : vector<16xf32>
      %parallel_loop3A_554 = arith.constant 41 : i32
      %parallel_loop3A_555 = arith.index_cast %parallel_loop3A_554 : i32 to index
      %parallel_loop3A_556 = arith.index_cast %parallel_loop3A_519 : i32 to index
      %parallel_loop3A_557 = tpu.vector_load %arg7[%parallel_loop3A_555, %parallel_loop3A_556] {strides = array<i32>} : memref<96x768xf32, #tpu.memory_space<vmem>>, vector<1x16xf32>,
      %parallel_loop3A_558 = vector.shape_cast %parallel_loop3A_557 : vector<1x16xf32> to vector<16xf32>
      %parallel_loop3A_559 = arith.mulf %parallel_loop3A_558, %get3A_242 : vector<16xf32>
      %parallel_loop3A_560 = arith.addf %parallel_loop3A_553, %parallel_loop3A_559 : vector<16xf32>
      %parallel_loop3A_561 = arith.constant 42 : i32
      %parallel_loop3A_562 = arith.index_cast %parallel_loop3A_561 : i32 to index
      %parallel_loop3A_563 = arith.index_cast %parallel_loop3A_519 : i32 to index
      %parallel_loop3A_564 = tpu.vector_load %arg7[%parallel_loop3A_562, %parallel_loop3A_563] {strides = array<i32>} : memref<96x768xf32, #tpu.memory_space<vmem>>, vector<1x16xf32>,
      %parallel_loop3A_565 = vector.shape_cast %parallel_loop3A_564 : vector<1x16xf32> to vector<16xf32>
      %parallel_loop3A_566 = arith.mulf %parallel_loop3A_565, %get3A_247 : vector<16xf32>
      %parallel_loop3A_567 = arith.addf %parallel_loop3A_560, %parallel_loop3A_566 : vector<16xf32>
      %parallel_loop3A_568 = arith.constant 43 : i32
      %parallel_loop3A_569 = arith.index_cast %parallel_loop3A_568 : i32 to index
      %parallel_loop3A_570 = arith.index_cast %parallel_loop3A_519 : i32 to index
      %parallel_loop3A_571 = tpu.vector_load %arg7[%parallel_loop3A_569, %parallel_loop3A_570] {strides = array<i32>} : memref<96x768xf32, #tpu.memory_space<vmem>>, vector<1x16xf32>,
      %parallel_loop3A_572 = vector.shape_cast %parallel_loop3A_571 : vector<1x16xf32> to vector<16xf32>
      %parallel_loop3A_573 = arith.mulf %parallel_loop3A_572, %get3A_252 : vector<16xf32>
      %parallel_loop3A_574 = arith.addf %parallel_loop3A_567, %parallel_loop3A_573 : vector<16xf32>
      %parallel_loop3A_575 = arith.constant 44 : i32
      %parallel_loop3A_576 = arith.index_cast %parallel_loop3A_575 : i32 to index
      %parallel_loop3A_577 = arith.index_cast %parallel_loop3A_519 : i32 to index
      %parallel_loop3A_578 = tpu.vector_load %arg7[%parallel_loop3A_576, %parallel_loop3A_577] {strides = array<i32>} : memref<96x768xf32, #tpu.memory_space<vmem>>, vector<1x16xf32>,
      %parallel_loop3A_579 = vector.shape_cast %parallel_loop3A_578 : vector<1x16xf32> to vector<16xf32>
      %parallel_loop3A_580 = arith.mulf %parallel_loop3A_579, %get3A_257 : vector<16xf32>
      %parallel_loop3A_581 = arith.addf %parallel_loop3A_574, %parallel_loop3A_580 : vector<16xf32>
      %parallel_loop3A_582 = arith.constant 0 : i32
      %parallel_loop3A_583 = arith.constant 4 : i32
      %parallel_loop3A_584 = arith.index_cast %parallel_loop3A_582 : i32 to index
      %parallel_loop3A_585 = arith.index_cast %parallel_loop3A_583 : i32 to index
      %parallel_loop3A_586 = arith.index_cast %parallel_loop3A_519 : i32 to index
      %parallel_loop3A_587 = tpu.vector_load %arg9[%parallel_loop3A_584, %parallel_loop3A_585, %parallel_loop3A_586] {strides = array<i32>} : memref<2x5x768xf32, #tpu.memory_space<vmem>>, vector<1x1x16xf32>,
      %parallel_loop3A_588 = vector.shape_cast %parallel_loop3A_587 : vector<1x1x16xf32> to vector<16xf32>
      %parallel_loop3A_589 = vector.shape_cast %parallel_loop3A_581 : vector<16xf32> to vector<1x1x16xf32>
      tpu.vector_store %arg9[%parallel_loop3A_584, %parallel_loop3A_585, %parallel_loop3A_586], %parallel_loop3A_589 {strides = array<i32>} : memref<2x5x768xf32, #tpu.memory_space<vmem>>, vector<1x1x16xf32>,
    } {sc.loop_unroll_factor = 4 : i64, sc.parallel_access}
    %dma_wait3A_261 = arith.constant 48 : i32
    %dma_wait3A_262 = arith.constant 0 : i32
    %dma_wait3A_263 = tpu.memref_slice %arg7[%dma_wait3A_261, %dma_wait3A_262] : memref<96x768xf32, #tpu.memory_space<vmem>> -> memref<48x768xf32, #tpu.memory_space<vmem>>
    %dma_wait3A_264 = arith.constant 48 : i32
    %dma_wait3A_265 = tpu.memref_slice %arg6[%dma_wait3A_264] : memref<96xi32, #tpu.memory_space<vmem>> -> memref<48xi32, #tpu.memory_space<vmem>>
    %dma_wait3A_266 = arith.constant 0 : i32
    %dma_wait3A_267 = arith.constant 0 : i32
    %dma_wait3A_268 = tpu.memref_slice %arg4[%dma_wait3A_266, %dma_wait3A_267] : memref<65536x768xf32, #tpu.memory_space<hbm>> -> memref<65536x768xf32, #tpu.memory_space<hbm>>
    tpu.wait_indirect_dma semaphore(%arg11 : memref<!tpu.dma_semaphore, #tpu.memory_space<semaphore_mem>>) src(%dma_wait3A_268 : memref<65536x768xf32, #tpu.memory_space<hbm>>) dst(%dma_wait3A_263 : memref<48x768xf32, #tpu.memory_space<vmem>>)
    %mul3A_269 = arith.constant 2 : i32
    %mul3A_270 = arith.muli %mul3A_269, %add3A : i32
    %run_scoped3A_271 = arith.constant 0 : i32
    "tpu.region"() ({
      %run_scoped3A_517 = tpu.sem_alloc : memref<!tpu.dma_semaphore, #tpu.memory_space<semaphore_mem>>
      %dma_start3A_518 = arith.constant 0 : i32
      %dma_start3A_519 = arith.constant 0 : i32
      %dma_start3A_520 = tpu.memref_slice %arg9[%run_scoped3A_271, %dma_start3A_518, %dma_start3A_519] : memref<2x5x768xf32, #tpu.memory_space<vmem>> -> memref<1x5x768xf32, #tpu.memory_space<vmem>>
      %dma_start3A_521 = tpu.memref_squeeze %dma_start3A_520 : memref<1x5x768xf32, #tpu.memory_space<vmem>> -> memref<5x768xf32, #tpu.memory_space<vmem>>
      %dma_start3A_522 = arith.constant 0 : i32
      %dma_start3A_523 = arith.constant 0 : i32
      %dma_start3A_524 = tpu.memref_slice %arg5[%mul3A_270, %dma_start3A_522, %dma_start3A_523] : memref<64x5x768xf32, #tpu.memory_space<hbm>> -> memref<1x5x768xf32, #tpu.memory_space<hbm>>
      %dma_start3A_525 = tpu.memref_squeeze %dma_start3A_524 : memref<1x5x768xf32, #tpu.memory_space<hbm>> -> memref<5x768xf32, #tpu.memory_space<hbm>>
      %dma_start3A_526 = arith.constant 0 : i32
      %dma_start3A_527 = arith.constant 0 : i32
      %dma_start3A_528 = tpu.memref_slice %arg5[%mul3A_270, %dma_start3A_526, %dma_start3A_527] : memref<64x5x768xf32, #tpu.memory_space<hbm>> -> memref<1x5x768xf32, #tpu.memory_space<hbm>>
      %dma_start3A_529 = tpu.memref_squeeze %dma_start3A_528 : memref<1x5x768xf32, #tpu.memory_space<hbm>> -> memref<5x768xf32, #tpu.memory_space<hbm>>
      %dma_start3A_530 = arith.constant 0 : i32
      %dma_start3A_531 = arith.constant 0 : i32
      %dma_start3A_532 = tpu.memref_slice %arg9[%run_scoped3A_271, %dma_start3A_530, %dma_start3A_531] : memref<2x5x768xf32, #tpu.memory_space<vmem>> -> memref<1x5x768xf32, #tpu.memory_space<vmem>>
      %dma_start3A_533 = tpu.memref_squeeze %dma_start3A_532 : memref<1x5x768xf32, #tpu.memory_space<vmem>> -> memref<5x768xf32, #tpu.memory_space<vmem>>
      tpu.enqueue_dma source(%dma_start3A_533 : memref<5x768xf32, #tpu.memory_space<vmem>>) target(%dma_start3A_529 : memref<5x768xf32, #tpu.memory_space<hbm>>) target_semaphore(%run_scoped3A_517 : memref<!tpu.dma_semaphore, #tpu.memory_space<semaphore_mem>>)
      %dma_wait3A_534 = arith.constant 0 : i32
      %dma_wait3A_535 = arith.constant 0 : i32
      %dma_wait3A_536 = tpu.memref_slice %arg9[%run_scoped3A_271, %dma_wait3A_534, %dma_wait3A_535] : memref<2x5x768xf32, #tpu.memory_space<vmem>> -> memref<1x5x768xf32, #tpu.memory_space<vmem>>
      %dma_wait3A_537 = tpu.memref_squeeze %dma_wait3A_536 : memref<1x5x768xf32, #tpu.memory_space<vmem>> -> memref<5x768xf32, #tpu.memory_space<vmem>>
      %dma_wait3A_538 = arith.constant 0 : i32
      %dma_wait3A_539 = arith.constant 0 : i32
      %dma_wait3A_540 = tpu.memref_slice %arg5[%mul3A_270, %dma_wait3A_538, %dma_wait3A_539] : memref<64x5x768xf32, #tpu.memory_space<hbm>> -> memref<1x5x768xf32, #tpu.memory_space<hbm>>
      %dma_wait3A_541 = tpu.memref_squeeze %dma_wait3A_540 : memref<1x5x768xf32, #tpu.memory_space<hbm>> -> memref<5x768xf32, #tpu.memory_space<hbm>>
      %dma_wait3A_542 = arith.constant 0 : i32
      %dma_wait3A_543 = arith.constant 0 : i32
      %dma_wait3A_544 = tpu.memref_slice %arg5[%mul3A_270, %dma_wait3A_542, %dma_wait3A_543] : memref<64x5x768xf32, #tpu.memory_space<hbm>> -> memref<1x5x768xf32, #tpu.memory_space<hbm>>
      %dma_wait3A_545 = tpu.memref_squeeze %dma_wait3A_544 : memref<1x5x768xf32, #tpu.memory_space<hbm>> -> memref<5x768xf32, #tpu.memory_space<hbm>>
      %dma_wait3A_546 = arith.constant 0 : i32
      %dma_wait3A_547 = arith.constant 0 : i32
      %dma_wait3A_548 = tpu.memref_slice %arg9[%run_scoped3A_271, %dma_wait3A_546, %dma_wait3A_547] : memref<2x5x768xf32, #tpu.memory_space<vmem>> -> memref<1x5x768xf32, #tpu.memory_space<vmem>>
      %dma_wait3A_549 = tpu.memref_squeeze %dma_wait3A_548 : memref<1x5x768xf32, #tpu.memory_space<vmem>> -> memref<5x768xf32, #tpu.memory_space<vmem>>
      tpu.wait_dma2 semaphore(%run_scoped3A_517 : memref<!tpu.dma_semaphore, #tpu.memory_space<semaphore_mem>>) src(%dma_wait3A_549 : memref<5x768xf32, #tpu.memory_space<vmem>>) dst(%dma_wait3A_545 : memref<5x768xf32, #tpu.memory_space<hbm>>)
      tpu.yield
    }) : () -> ()
    %get3A_272 = arith.constant 45 : i32
    %get3A_273 = arith.index_cast %get3A_272 : i32 to index
    %get3A_274 = arith.constant 0 : index
    %get3A_275 = tpu.vector_load %arg8[%get3A_273, %get3A_274] {strides = array<i32>} : memref<96x16xf32, #tpu.memory_space<vmem>>, vector<1x16xf32>,
    %get3A_276 = vector.shape_cast %get3A_275 : vector<1x16xf32> to vector<16xf32>
    %get3A_277 = arith.constant 46 : i32
    %get3A_278 = arith.index_cast %get3A_277 : i32 to index
    %get3A_279 = arith.constant 0 : index
    %get3A_280 = tpu.vector_load %arg8[%get3A_278, %get3A_279] {strides = array<i32>} : memref<96x16xf32, #tpu.memory_space<vmem>>, vector<1x16xf32>,
    %get3A_281 = vector.shape_cast %get3A_280 : vector<1x16xf32> to vector<16xf32>
    %get3A_282 = arith.constant 47 : i32
    %get3A_283 = arith.index_cast %get3A_282 : i32 to index
    %get3A_284 = arith.constant 0 : index
    %get3A_285 = tpu.vector_load %arg8[%get3A_283, %get3A_284] {strides = array<i32>} : memref<96x16xf32, #tpu.memory_space<vmem>>, vector<1x16xf32>,
    %get3A_286 = vector.shape_cast %get3A_285 : vector<1x16xf32> to vector<16xf32>
    %get3A_287 = arith.constant 48 : i32
    %get3A_288 = arith.index_cast %get3A_287 : i32 to index
    %get3A_289 = arith.constant 0 : index
    %get3A_290 = tpu.vector_load %arg8[%get3A_288, %get3A_289] {strides = array<i32>} : memref<96x16xf32, #tpu.memory_space<vmem>>, vector<1x16xf32>,
    %get3A_291 = vector.shape_cast %get3A_290 : vector<1x16xf32> to vector<16xf32>
    %get3A_292 = arith.constant 49 : i32
    %get3A_293 = arith.index_cast %get3A_292 : i32 to index
    %get3A_294 = arith.constant 0 : index
    %get3A_295 = tpu.vector_load %arg8[%get3A_293, %get3A_294] {strides = array<i32>} : memref<96x16xf32, #tpu.memory_space<vmem>>, vector<1x16xf32>,
    %get3A_296 = vector.shape_cast %get3A_295 : vector<1x16xf32> to vector<16xf32>
    %get3A_297 = arith.constant 50 : i32
    %get3A_298 = arith.index_cast %get3A_297 : i32 to index
    %get3A_299 = arith.constant 0 : index
    %get3A_300 = tpu.vector_load %arg8[%get3A_298, %get3A_299] {strides = array<i32>} : memref<96x16xf32, #tpu.memory_space<vmem>>, vector<1x16xf32>,
    %get3A_301 = vector.shape_cast %get3A_300 : vector<1x16xf32> to vector<16xf32>
    %get3A_302 = arith.constant 51 : i32
    %get3A_303 = arith.index_cast %get3A_302 : i32 to index
    %get3A_304 = arith.constant 0 : index
    %get3A_305 = tpu.vector_load %arg8[%get3A_303, %get3A_304] {strides = array<i32>} : memref<96x16xf32, #tpu.memory_space<vmem>>, vector<1x16xf32>,
    %get3A_306 = vector.shape_cast %get3A_305 : vector<1x16xf32> to vector<16xf32>
    %get3A_307 = arith.constant 52 : i32
    %get3A_308 = arith.index_cast %get3A_307 : i32 to index
    %get3A_309 = arith.constant 0 : index
    %get3A_310 = tpu.vector_load %arg8[%get3A_308, %get3A_309] {strides = array<i32>} : memref<96x16xf32, #tpu.memory_space<vmem>>, vector<1x16xf32>,
    %get3A_311 = vector.shape_cast %get3A_310 : vector<1x16xf32> to vector<16xf32>
    %get3A_312 = arith.constant 53 : i32
    %get3A_313 = arith.index_cast %get3A_312 : i32 to index
    %get3A_314 = arith.constant 0 : index
    %get3A_315 = tpu.vector_load %arg8[%get3A_313, %get3A_314] {strides = array<i32>} : memref<96x16xf32, #tpu.memory_space<vmem>>, vector<1x16xf32>,
    %get3A_316 = vector.shape_cast %get3A_315 : vector<1x16xf32> to vector<16xf32>
    %parallel_loop3A_317 = arith.constant 0 : i32
    %parallel_loop3A_318 = arith.constant 48 : i32
    %parallel_loop3A_319 = arith.constant 1 : i32
    scf.for %parallel_loop3A_517 = %parallel_loop3A_317 to %parallel_loop3A_318 step %parallel_loop3A_319  : i32 {
      %parallel_loop3A_518 = arith.constant 16 : i32
      %parallel_loop3A_519 = arith.muli %parallel_loop3A_517, %parallel_loop3A_518 : i32
      %parallel_loop3A_520 = arith.constant 45 : i32
      %parallel_loop3A_521 = arith.index_cast %parallel_loop3A_520 : i32 to index
      %parallel_loop3A_522 = arith.index_cast %parallel_loop3A_519 : i32 to index
      %parallel_loop3A_523 = tpu.vector_load %arg7[%parallel_loop3A_521, %parallel_loop3A_522] {strides = array<i32>} : memref<96x768xf32, #tpu.memory_space<vmem>>, vector<1x16xf32>,
      %parallel_loop3A_524 = vector.shape_cast %parallel_loop3A_523 : vector<1x16xf32> to vector<16xf32>
      %parallel_loop3A_525 = arith.mulf %parallel_loop3A_524, %get3A_276 : vector<16xf32>
      %parallel_loop3A_526 = arith.constant 46 : i32
      %parallel_loop3A_527 = arith.index_cast %parallel_loop3A_526 : i32 to index
      %parallel_loop3A_528 = arith.index_cast %parallel_loop3A_519 : i32 to index
      %parallel_loop3A_529 = tpu.vector_load %arg7[%parallel_loop3A_527, %parallel_loop3A_528] {strides = array<i32>} : memref<96x768xf32, #tpu.memory_space<vmem>>, vector<1x16xf32>,
      %parallel_loop3A_530 = vector.shape_cast %parallel_loop3A_529 : vector<1x16xf32> to vector<16xf32>
      %parallel_loop3A_531 = arith.mulf %parallel_loop3A_530, %get3A_281 : vector<16xf32>
      %parallel_loop3A_532 = arith.addf %parallel_loop3A_525, %parallel_loop3A_531 : vector<16xf32>
      %parallel_loop3A_533 = arith.constant 47 : i32
      %parallel_loop3A_534 = arith.index_cast %parallel_loop3A_533 : i32 to index
      %parallel_loop3A_535 = arith.index_cast %parallel_loop3A_519 : i32 to index
      %parallel_loop3A_536 = tpu.vector_load %arg7[%parallel_loop3A_534, %parallel_loop3A_535] {strides = array<i32>} : memref<96x768xf32, #tpu.memory_space<vmem>>, vector<1x16xf32>,
      %parallel_loop3A_537 = vector.shape_cast %parallel_loop3A_536 : vector<1x16xf32> to vector<16xf32>
      %parallel_loop3A_538 = arith.mulf %parallel_loop3A_537, %get3A_286 : vector<16xf32>
      %parallel_loop3A_539 = arith.addf %parallel_loop3A_532, %parallel_loop3A_538 : vector<16xf32>
      %parallel_loop3A_540 = arith.constant 48 : i32
      %parallel_loop3A_541 = arith.index_cast %parallel_loop3A_540 : i32 to index
      %parallel_loop3A_542 = arith.index_cast %parallel_loop3A_519 : i32 to index
      %parallel_loop3A_543 = tpu.vector_load %arg7[%parallel_loop3A_541, %parallel_loop3A_542] {strides = array<i32>} : memref<96x768xf32, #tpu.memory_space<vmem>>, vector<1x16xf32>,
      %parallel_loop3A_544 = vector.shape_cast %parallel_loop3A_543 : vector<1x16xf32> to vector<16xf32>
      %parallel_loop3A_545 = arith.mulf %parallel_loop3A_544, %get3A_291 : vector<16xf32>
      %parallel_loop3A_546 = arith.addf %parallel_loop3A_539, %parallel_loop3A_545 : vector<16xf32>
      %parallel_loop3A_547 = arith.constant 49 : i32
      %parallel_loop3A_548 = arith.index_cast %parallel_loop3A_547 : i32 to index
      %parallel_loop3A_549 = arith.index_cast %parallel_loop3A_519 : i32 to index
      %parallel_loop3A_550 = tpu.vector_load %arg7[%parallel_loop3A_548, %parallel_loop3A_549] {strides = array<i32>} : memref<96x768xf32, #tpu.memory_space<vmem>>, vector<1x16xf32>,
      %parallel_loop3A_551 = vector.shape_cast %parallel_loop3A_550 : vector<1x16xf32> to vector<16xf32>
      %parallel_loop3A_552 = arith.mulf %parallel_loop3A_551, %get3A_296 : vector<16xf32>
      %parallel_loop3A_553 = arith.addf %parallel_loop3A_546, %parallel_loop3A_552 : vector<16xf32>
      %parallel_loop3A_554 = arith.constant 50 : i32
      %parallel_loop3A_555 = arith.index_cast %parallel_loop3A_554 : i32 to index
      %parallel_loop3A_556 = arith.index_cast %parallel_loop3A_519 : i32 to index
      %parallel_loop3A_557 = tpu.vector_load %arg7[%parallel_loop3A_555, %parallel_loop3A_556] {strides = array<i32>} : memref<96x768xf32, #tpu.memory_space<vmem>>, vector<1x16xf32>,
      %parallel_loop3A_558 = vector.shape_cast %parallel_loop3A_557 : vector<1x16xf32> to vector<16xf32>
      %parallel_loop3A_559 = arith.mulf %parallel_loop3A_558, %get3A_301 : vector<16xf32>
      %parallel_loop3A_560 = arith.addf %parallel_loop3A_553, %parallel_loop3A_559 : vector<16xf32>
      %parallel_loop3A_561 = arith.constant 51 : i32
      %parallel_loop3A_562 = arith.index_cast %parallel_loop3A_561 : i32 to index
      %parallel_loop3A_563 = arith.index_cast %parallel_loop3A_519 : i32 to index
      %parallel_loop3A_564 = tpu.vector_load %arg7[%parallel_loop3A_562, %parallel_loop3A_563] {strides = array<i32>} : memref<96x768xf32, #tpu.memory_space<vmem>>, vector<1x16xf32>,
      %parallel_loop3A_565 = vector.shape_cast %parallel_loop3A_564 : vector<1x16xf32> to vector<16xf32>
      %parallel_loop3A_566 = arith.mulf %parallel_loop3A_565, %get3A_306 : vector<16xf32>
      %parallel_loop3A_567 = arith.addf %parallel_loop3A_560, %parallel_loop3A_566 : vector<16xf32>
      %parallel_loop3A_568 = arith.constant 52 : i32
      %parallel_loop3A_569 = arith.index_cast %parallel_loop3A_568 : i32 to index
      %parallel_loop3A_570 = arith.index_cast %parallel_loop3A_519 : i32 to index
      %parallel_loop3A_571 = tpu.vector_load %arg7[%parallel_loop3A_569, %parallel_loop3A_570] {strides = array<i32>} : memref<96x768xf32, #tpu.memory_space<vmem>>, vector<1x16xf32>,
      %parallel_loop3A_572 = vector.shape_cast %parallel_loop3A_571 : vector<1x16xf32> to vector<16xf32>
      %parallel_loop3A_573 = arith.mulf %parallel_loop3A_572, %get3A_311 : vector<16xf32>
      %parallel_loop3A_574 = arith.addf %parallel_loop3A_567, %parallel_loop3A_573 : vector<16xf32>
      %parallel_loop3A_575 = arith.constant 53 : i32
      %parallel_loop3A_576 = arith.index_cast %parallel_loop3A_575 : i32 to index
      %parallel_loop3A_577 = arith.index_cast %parallel_loop3A_519 : i32 to index
      %parallel_loop3A_578 = tpu.vector_load %arg7[%parallel_loop3A_576, %parallel_loop3A_577] {strides = array<i32>} : memref<96x768xf32, #tpu.memory_space<vmem>>, vector<1x16xf32>,
      %parallel_loop3A_579 = vector.shape_cast %parallel_loop3A_578 : vector<1x16xf32> to vector<16xf32>
      %parallel_loop3A_580 = arith.mulf %parallel_loop3A_579, %get3A_316 : vector<16xf32>
      %parallel_loop3A_581 = arith.addf %parallel_loop3A_574, %parallel_loop3A_580 : vector<16xf32>
      %parallel_loop3A_582 = arith.constant 1 : i32
      %parallel_loop3A_583 = arith.constant 0 : i32
      %parallel_loop3A_584 = arith.index_cast %parallel_loop3A_582 : i32 to index
      %parallel_loop3A_585 = arith.index_cast %parallel_loop3A_583 : i32 to index
      %parallel_loop3A_586 = arith.index_cast %parallel_loop3A_519 : i32 to index
      %parallel_loop3A_587 = tpu.vector_load %arg9[%parallel_loop3A_584, %parallel_loop3A_585, %parallel_loop3A_586] {strides = array<i32>} : memref<2x5x768xf32, #tpu.memory_space<vmem>>, vector<1x1x16xf32>,
      %parallel_loop3A_588 = vector.shape_cast %parallel_loop3A_587 : vector<1x1x16xf32> to vector<16xf32>
      %parallel_loop3A_589 = vector.shape_cast %parallel_loop3A_581 : vector<16xf32> to vector<1x1x16xf32>
      tpu.vector_store %arg9[%parallel_loop3A_584, %parallel_loop3A_585, %parallel_loop3A_586], %parallel_loop3A_589 {strides = array<i32>} : memref<2x5x768xf32, #tpu.memory_space<vmem>>, vector<1x1x16xf32>,
    } {sc.loop_unroll_factor = 4 : i64, sc.parallel_access}
    %get3A_320 = arith.constant 54 : i32
    %get3A_321 = arith.index_cast %get3A_320 : i32 to index
    %get3A_322 = arith.constant 0 : index
    %get3A_323 = tpu.vector_load %arg8[%get3A_321, %get3A_322] {strides = array<i32>} : memref<96x16xf32, #tpu.memory_space<vmem>>, vector<1x16xf32>,
    %get3A_324 = vector.shape_cast %get3A_323 : vector<1x16xf32> to vector<16xf32>
    %get3A_325 = arith.constant 55 : i32
    %get3A_326 = arith.index_cast %get3A_325 : i32 to index
    %get3A_327 = arith.constant 0 : index
    %get3A_328 = tpu.vector_load %arg8[%get3A_326, %get3A_327] {strides = array<i32>} : memref<96x16xf32, #tpu.memory_space<vmem>>, vector<1x16xf32>,
    %get3A_329 = vector.shape_cast %get3A_328 : vector<1x16xf32> to vector<16xf32>
    %get3A_330 = arith.constant 56 : i32
    %get3A_331 = arith.index_cast %get3A_330 : i32 to index
    %get3A_332 = arith.constant 0 : index
    %get3A_333 = tpu.vector_load %arg8[%get3A_331, %get3A_332] {strides = array<i32>} : memref<96x16xf32, #tpu.memory_space<vmem>>, vector<1x16xf32>,
    %get3A_334 = vector.shape_cast %get3A_333 : vector<1x16xf32> to vector<16xf32>
    %get3A_335 = arith.constant 57 : i32
    %get3A_336 = arith.index_cast %get3A_335 : i32 to index
    %get3A_337 = arith.constant 0 : index
    %get3A_338 = tpu.vector_load %arg8[%get3A_336, %get3A_337] {strides = array<i32>} : memref<96x16xf32, #tpu.memory_space<vmem>>, vector<1x16xf32>,
    %get3A_339 = vector.shape_cast %get3A_338 : vector<1x16xf32> to vector<16xf32>
    %get3A_340 = arith.constant 58 : i32
    %get3A_341 = arith.index_cast %get3A_340 : i32 to index
    %get3A_342 = arith.constant 0 : index
    %get3A_343 = tpu.vector_load %arg8[%get3A_341, %get3A_342] {strides = array<i32>} : memref<96x16xf32, #tpu.memory_space<vmem>>, vector<1x16xf32>,
    %get3A_344 = vector.shape_cast %get3A_343 : vector<1x16xf32> to vector<16xf32>
    %get3A_345 = arith.constant 59 : i32
    %get3A_346 = arith.index_cast %get3A_345 : i32 to index
    %get3A_347 = arith.constant 0 : index
    %get3A_348 = tpu.vector_load %arg8[%get3A_346, %get3A_347] {strides = array<i32>} : memref<96x16xf32, #tpu.memory_space<vmem>>, vector<1x16xf32>,
    %get3A_349 = vector.shape_cast %get3A_348 : vector<1x16xf32> to vector<16xf32>
    %get3A_350 = arith.constant 60 : i32
    %get3A_351 = arith.index_cast %get3A_350 : i32 to index
    %get3A_352 = arith.constant 0 : index
    %get3A_353 = tpu.vector_load %arg8[%get3A_351, %get3A_352] {strides = array<i32>} : memref<96x16xf32, #tpu.memory_space<vmem>>, vector<1x16xf32>,
    %get3A_354 = vector.shape_cast %get3A_353 : vector<1x16xf32> to vector<16xf32>
    %get3A_355 = arith.constant 61 : i32
    %get3A_356 = arith.index_cast %get3A_355 : i32 to index
    %get3A_357 = arith.constant 0 : index
    %get3A_358 = tpu.vector_load %arg8[%get3A_356, %get3A_357] {strides = array<i32>} : memref<96x16xf32, #tpu.memory_space<vmem>>, vector<1x16xf32>,
    %get3A_359 = vector.shape_cast %get3A_358 : vector<1x16xf32> to vector<16xf32>
    %get3A_360 = arith.constant 62 : i32
    %get3A_361 = arith.index_cast %get3A_360 : i32 to index
    %get3A_362 = arith.constant 0 : index
    %get3A_363 = tpu.vector_load %arg8[%get3A_361, %get3A_362] {strides = array<i32>} : memref<96x16xf32, #tpu.memory_space<vmem>>, vector<1x16xf32>,
    %get3A_364 = vector.shape_cast %get3A_363 : vector<1x16xf32> to vector<16xf32>
    %parallel_loop3A_365 = arith.constant 0 : i32
    %parallel_loop3A_366 = arith.constant 48 : i32
    %parallel_loop3A_367 = arith.constant 1 : i32
    scf.for %parallel_loop3A_517 = %parallel_loop3A_365 to %parallel_loop3A_366 step %parallel_loop3A_367  : i32 {
      %parallel_loop3A_518 = arith.constant 16 : i32
      %parallel_loop3A_519 = arith.muli %parallel_loop3A_517, %parallel_loop3A_518 : i32
      %parallel_loop3A_520 = arith.constant 54 : i32
      %parallel_loop3A_521 = arith.index_cast %parallel_loop3A_520 : i32 to index
      %parallel_loop3A_522 = arith.index_cast %parallel_loop3A_519 : i32 to index
      %parallel_loop3A_523 = tpu.vector_load %arg7[%parallel_loop3A_521, %parallel_loop3A_522] {strides = array<i32>} : memref<96x768xf32, #tpu.memory_space<vmem>>, vector<1x16xf32>,
      %parallel_loop3A_524 = vector.shape_cast %parallel_loop3A_523 : vector<1x16xf32> to vector<16xf32>
      %parallel_loop3A_525 = arith.mulf %parallel_loop3A_524, %get3A_324 : vector<16xf32>
      %parallel_loop3A_526 = arith.constant 55 : i32
      %parallel_loop3A_527 = arith.index_cast %parallel_loop3A_526 : i32 to index
      %parallel_loop3A_528 = arith.index_cast %parallel_loop3A_519 : i32 to index
      %parallel_loop3A_529 = tpu.vector_load %arg7[%parallel_loop3A_527, %parallel_loop3A_528] {strides = array<i32>} : memref<96x768xf32, #tpu.memory_space<vmem>>, vector<1x16xf32>,
      %parallel_loop3A_530 = vector.shape_cast %parallel_loop3A_529 : vector<1x16xf32> to vector<16xf32>
      %parallel_loop3A_531 = arith.mulf %parallel_loop3A_530, %get3A_329 : vector<16xf32>
      %parallel_loop3A_532 = arith.addf %parallel_loop3A_525, %parallel_loop3A_531 : vector<16xf32>
      %parallel_loop3A_533 = arith.constant 56 : i32
      %parallel_loop3A_534 = arith.index_cast %parallel_loop3A_533 : i32 to index
      %parallel_loop3A_535 = arith.index_cast %parallel_loop3A_519 : i32 to index
      %parallel_loop3A_536 = tpu.vector_load %arg7[%parallel_loop3A_534, %parallel_loop3A_535] {strides = array<i32>} : memref<96x768xf32, #tpu.memory_space<vmem>>, vector<1x16xf32>,
      %parallel_loop3A_537 = vector.shape_cast %parallel_loop3A_536 : vector<1x16xf32> to vector<16xf32>
      %parallel_loop3A_538 = arith.mulf %parallel_loop3A_537, %get3A_334 : vector<16xf32>
      %parallel_loop3A_539 = arith.addf %parallel_loop3A_532, %parallel_loop3A_538 : vector<16xf32>
      %parallel_loop3A_540 = arith.constant 57 : i32
      %parallel_loop3A_541 = arith.index_cast %parallel_loop3A_540 : i32 to index
      %parallel_loop3A_542 = arith.index_cast %parallel_loop3A_519 : i32 to index
      %parallel_loop3A_543 = tpu.vector_load %arg7[%parallel_loop3A_541, %parallel_loop3A_542] {strides = array<i32>} : memref<96x768xf32, #tpu.memory_space<vmem>>, vector<1x16xf32>,
      %parallel_loop3A_544 = vector.shape_cast %parallel_loop3A_543 : vector<1x16xf32> to vector<16xf32>
      %parallel_loop3A_545 = arith.mulf %parallel_loop3A_544, %get3A_339 : vector<16xf32>
      %parallel_loop3A_546 = arith.addf %parallel_loop3A_539, %parallel_loop3A_545 : vector<16xf32>
      %parallel_loop3A_547 = arith.constant 58 : i32
      %parallel_loop3A_548 = arith.index_cast %parallel_loop3A_547 : i32 to index
      %parallel_loop3A_549 = arith.index_cast %parallel_loop3A_519 : i32 to index
      %parallel_loop3A_550 = tpu.vector_load %arg7[%parallel_loop3A_548, %parallel_loop3A_549] {strides = array<i32>} : memref<96x768xf32, #tpu.memory_space<vmem>>, vector<1x16xf32>,
      %parallel_loop3A_551 = vector.shape_cast %parallel_loop3A_550 : vector<1x16xf32> to vector<16xf32>
      %parallel_loop3A_552 = arith.mulf %parallel_loop3A_551, %get3A_344 : vector<16xf32>
      %parallel_loop3A_553 = arith.addf %parallel_loop3A_546, %parallel_loop3A_552 : vector<16xf32>
      %parallel_loop3A_554 = arith.constant 59 : i32
      %parallel_loop3A_555 = arith.index_cast %parallel_loop3A_554 : i32 to index
      %parallel_loop3A_556 = arith.index_cast %parallel_loop3A_519 : i32 to index
      %parallel_loop3A_557 = tpu.vector_load %arg7[%parallel_loop3A_555, %parallel_loop3A_556] {strides = array<i32>} : memref<96x768xf32, #tpu.memory_space<vmem>>, vector<1x16xf32>,
      %parallel_loop3A_558 = vector.shape_cast %parallel_loop3A_557 : vector<1x16xf32> to vector<16xf32>
      %parallel_loop3A_559 = arith.mulf %parallel_loop3A_558, %get3A_349 : vector<16xf32>
      %parallel_loop3A_560 = arith.addf %parallel_loop3A_553, %parallel_loop3A_559 : vector<16xf32>
      %parallel_loop3A_561 = arith.constant 60 : i32
      %parallel_loop3A_562 = arith.index_cast %parallel_loop3A_561 : i32 to index
      %parallel_loop3A_563 = arith.index_cast %parallel_loop3A_519 : i32 to index
      %parallel_loop3A_564 = tpu.vector_load %arg7[%parallel_loop3A_562, %parallel_loop3A_563] {strides = array<i32>} : memref<96x768xf32, #tpu.memory_space<vmem>>, vector<1x16xf32>,
      %parallel_loop3A_565 = vector.shape_cast %parallel_loop3A_564 : vector<1x16xf32> to vector<16xf32>
      %parallel_loop3A_566 = arith.mulf %parallel_loop3A_565, %get3A_354 : vector<16xf32>
      %parallel_loop3A_567 = arith.addf %parallel_loop3A_560, %parallel_loop3A_566 : vector<16xf32>
      %parallel_loop3A_568 = arith.constant 61 : i32
      %parallel_loop3A_569 = arith.index_cast %parallel_loop3A_568 : i32 to index
      %parallel_loop3A_570 = arith.index_cast %parallel_loop3A_519 : i32 to index
      %parallel_loop3A_571 = tpu.vector_load %arg7[%parallel_loop3A_569, %parallel_loop3A_570] {strides = array<i32>} : memref<96x768xf32, #tpu.memory_space<vmem>>, vector<1x16xf32>,
      %parallel_loop3A_572 = vector.shape_cast %parallel_loop3A_571 : vector<1x16xf32> to vector<16xf32>
      %parallel_loop3A_573 = arith.mulf %parallel_loop3A_572, %get3A_359 : vector<16xf32>
      %parallel_loop3A_574 = arith.addf %parallel_loop3A_567, %parallel_loop3A_573 : vector<16xf32>
      %parallel_loop3A_575 = arith.constant 62 : i32
      %parallel_loop3A_576 = arith.index_cast %parallel_loop3A_575 : i32 to index
      %parallel_loop3A_577 = arith.index_cast %parallel_loop3A_519 : i32 to index
      %parallel_loop3A_578 = tpu.vector_load %arg7[%parallel_loop3A_576, %parallel_loop3A_577] {strides = array<i32>} : memref<96x768xf32, #tpu.memory_space<vmem>>, vector<1x16xf32>,
      %parallel_loop3A_579 = vector.shape_cast %parallel_loop3A_578 : vector<1x16xf32> to vector<16xf32>
      %parallel_loop3A_580 = arith.mulf %parallel_loop3A_579, %get3A_364 : vector<16xf32>
      %parallel_loop3A_581 = arith.addf %parallel_loop3A_574, %parallel_loop3A_580 : vector<16xf32>
      %parallel_loop3A_582 = arith.constant 1 : i32
      %parallel_loop3A_583 = arith.constant 1 : i32
      %parallel_loop3A_584 = arith.index_cast %parallel_loop3A_582 : i32 to index
      %parallel_loop3A_585 = arith.index_cast %parallel_loop3A_583 : i32 to index
      %parallel_loop3A_586 = arith.index_cast %parallel_loop3A_519 : i32 to index
      %parallel_loop3A_587 = tpu.vector_load %arg9[%parallel_loop3A_584, %parallel_loop3A_585, %parallel_loop3A_586] {strides = array<i32>} : memref<2x5x768xf32, #tpu.memory_space<vmem>>, vector<1x1x16xf32>,
      %parallel_loop3A_588 = vector.shape_cast %parallel_loop3A_587 : vector<1x1x16xf32> to vector<16xf32>
      %parallel_loop3A_589 = vector.shape_cast %parallel_loop3A_581 : vector<16xf32> to vector<1x1x16xf32>
      tpu.vector_store %arg9[%parallel_loop3A_584, %parallel_loop3A_585, %parallel_loop3A_586], %parallel_loop3A_589 {strides = array<i32>} : memref<2x5x768xf32, #tpu.memory_space<vmem>>, vector<1x1x16xf32>,
    } {sc.loop_unroll_factor = 4 : i64, sc.parallel_access}
    %get3A_368 = arith.constant 63 : i32
    %get3A_369 = arith.index_cast %get3A_368 : i32 to index
    %get3A_370 = arith.constant 0 : index
    %get3A_371 = tpu.vector_load %arg8[%get3A_369, %get3A_370] {strides = array<i32>} : memref<96x16xf32, #tpu.memory_space<vmem>>, vector<1x16xf32>,
    %get3A_372 = vector.shape_cast %get3A_371 : vector<1x16xf32> to vector<16xf32>
    %get3A_373 = arith.constant 64 : i32
    %get3A_374 = arith.index_cast %get3A_373 : i32 to index
    %get3A_375 = arith.constant 0 : index
    %get3A_376 = tpu.vector_load %arg8[%get3A_374, %get3A_375] {strides = array<i32>} : memref<96x16xf32, #tpu.memory_space<vmem>>, vector<1x16xf32>,
    %get3A_377 = vector.shape_cast %get3A_376 : vector<1x16xf32> to vector<16xf32>
    %get3A_378 = arith.constant 65 : i32
    %get3A_379 = arith.index_cast %get3A_378 : i32 to index
    %get3A_380 = arith.constant 0 : index
    %get3A_381 = tpu.vector_load %arg8[%get3A_379, %get3A_380] {strides = array<i32>} : memref<96x16xf32, #tpu.memory_space<vmem>>, vector<1x16xf32>,
    %get3A_382 = vector.shape_cast %get3A_381 : vector<1x16xf32> to vector<16xf32>
    %get3A_383 = arith.constant 66 : i32
    %get3A_384 = arith.index_cast %get3A_383 : i32 to index
    %get3A_385 = arith.constant 0 : index
    %get3A_386 = tpu.vector_load %arg8[%get3A_384, %get3A_385] {strides = array<i32>} : memref<96x16xf32, #tpu.memory_space<vmem>>, vector<1x16xf32>,
    %get3A_387 = vector.shape_cast %get3A_386 : vector<1x16xf32> to vector<16xf32>
    %get3A_388 = arith.constant 67 : i32
    %get3A_389 = arith.index_cast %get3A_388 : i32 to index
    %get3A_390 = arith.constant 0 : index
    %get3A_391 = tpu.vector_load %arg8[%get3A_389, %get3A_390] {strides = array<i32>} : memref<96x16xf32, #tpu.memory_space<vmem>>, vector<1x16xf32>,
    %get3A_392 = vector.shape_cast %get3A_391 : vector<1x16xf32> to vector<16xf32>
    %get3A_393 = arith.constant 68 : i32
    %get3A_394 = arith.index_cast %get3A_393 : i32 to index
    %get3A_395 = arith.constant 0 : index
    %get3A_396 = tpu.vector_load %arg8[%get3A_394, %get3A_395] {strides = array<i32>} : memref<96x16xf32, #tpu.memory_space<vmem>>, vector<1x16xf32>,
    %get3A_397 = vector.shape_cast %get3A_396 : vector<1x16xf32> to vector<16xf32>
    %get3A_398 = arith.constant 69 : i32
    %get3A_399 = arith.index_cast %get3A_398 : i32 to index
    %get3A_400 = arith.constant 0 : index
    %get3A_401 = tpu.vector_load %arg8[%get3A_399, %get3A_400] {strides = array<i32>} : memref<96x16xf32, #tpu.memory_space<vmem>>, vector<1x16xf32>,
    %get3A_402 = vector.shape_cast %get3A_401 : vector<1x16xf32> to vector<16xf32>
    %get3A_403 = arith.constant 70 : i32
    %get3A_404 = arith.index_cast %get3A_403 : i32 to index
    %get3A_405 = arith.constant 0 : index
    %get3A_406 = tpu.vector_load %arg8[%get3A_404, %get3A_405] {strides = array<i32>} : memref<96x16xf32, #tpu.memory_space<vmem>>, vector<1x16xf32>,
    %get3A_407 = vector.shape_cast %get3A_406 : vector<1x16xf32> to vector<16xf32>
    %get3A_408 = arith.constant 71 : i32
    %get3A_409 = arith.index_cast %get3A_408 : i32 to index
    %get3A_410 = arith.constant 0 : index
    %get3A_411 = tpu.vector_load %arg8[%get3A_409, %get3A_410] {strides = array<i32>} : memref<96x16xf32, #tpu.memory_space<vmem>>, vector<1x16xf32>,
    %get3A_412 = vector.shape_cast %get3A_411 : vector<1x16xf32> to vector<16xf32>
    %parallel_loop3A_413 = arith.constant 0 : i32
    %parallel_loop3A_414 = arith.constant 48 : i32
    %parallel_loop3A_415 = arith.constant 1 : i32
    scf.for %parallel_loop3A_517 = %parallel_loop3A_413 to %parallel_loop3A_414 step %parallel_loop3A_415  : i32 {
      %parallel_loop3A_518 = arith.constant 16 : i32
      %parallel_loop3A_519 = arith.muli %parallel_loop3A_517, %parallel_loop3A_518 : i32
      %parallel_loop3A_520 = arith.constant 63 : i32
      %parallel_loop3A_521 = arith.index_cast %parallel_loop3A_520 : i32 to index
      %parallel_loop3A_522 = arith.index_cast %parallel_loop3A_519 : i32 to index
      %parallel_loop3A_523 = tpu.vector_load %arg7[%parallel_loop3A_521, %parallel_loop3A_522] {strides = array<i32>} : memref<96x768xf32, #tpu.memory_space<vmem>>, vector<1x16xf32>,
      %parallel_loop3A_524 = vector.shape_cast %parallel_loop3A_523 : vector<1x16xf32> to vector<16xf32>
      %parallel_loop3A_525 = arith.mulf %parallel_loop3A_524, %get3A_372 : vector<16xf32>
      %parallel_loop3A_526 = arith.constant 64 : i32
      %parallel_loop3A_527 = arith.index_cast %parallel_loop3A_526 : i32 to index
      %parallel_loop3A_528 = arith.index_cast %parallel_loop3A_519 : i32 to index
      %parallel_loop3A_529 = tpu.vector_load %arg7[%parallel_loop3A_527, %parallel_loop3A_528] {strides = array<i32>} : memref<96x768xf32, #tpu.memory_space<vmem>>, vector<1x16xf32>,
      %parallel_loop3A_530 = vector.shape_cast %parallel_loop3A_529 : vector<1x16xf32> to vector<16xf32>
      %parallel_loop3A_531 = arith.mulf %parallel_loop3A_530, %get3A_377 : vector<16xf32>
      %parallel_loop3A_532 = arith.addf %parallel_loop3A_525, %parallel_loop3A_531 : vector<16xf32>
      %parallel_loop3A_533 = arith.constant 65 : i32
      %parallel_loop3A_534 = arith.index_cast %parallel_loop3A_533 : i32 to index
      %parallel_loop3A_535 = arith.index_cast %parallel_loop3A_519 : i32 to index
      %parallel_loop3A_536 = tpu.vector_load %arg7[%parallel_loop3A_534, %parallel_loop3A_535] {strides = array<i32>} : memref<96x768xf32, #tpu.memory_space<vmem>>, vector<1x16xf32>,
      %parallel_loop3A_537 = vector.shape_cast %parallel_loop3A_536 : vector<1x16xf32> to vector<16xf32>
      %parallel_loop3A_538 = arith.mulf %parallel_loop3A_537, %get3A_382 : vector<16xf32>
      %parallel_loop3A_539 = arith.addf %parallel_loop3A_532, %parallel_loop3A_538 : vector<16xf32>
      %parallel_loop3A_540 = arith.constant 66 : i32
      %parallel_loop3A_541 = arith.index_cast %parallel_loop3A_540 : i32 to index
      %parallel_loop3A_542 = arith.index_cast %parallel_loop3A_519 : i32 to index
      %parallel_loop3A_543 = tpu.vector_load %arg7[%parallel_loop3A_541, %parallel_loop3A_542] {strides = array<i32>} : memref<96x768xf32, #tpu.memory_space<vmem>>, vector<1x16xf32>,
      %parallel_loop3A_544 = vector.shape_cast %parallel_loop3A_543 : vector<1x16xf32> to vector<16xf32>
      %parallel_loop3A_545 = arith.mulf %parallel_loop3A_544, %get3A_387 : vector<16xf32>
      %parallel_loop3A_546 = arith.addf %parallel_loop3A_539, %parallel_loop3A_545 : vector<16xf32>
      %parallel_loop3A_547 = arith.constant 67 : i32
      %parallel_loop3A_548 = arith.index_cast %parallel_loop3A_547 : i32 to index
      %parallel_loop3A_549 = arith.index_cast %parallel_loop3A_519 : i32 to index
      %parallel_loop3A_550 = tpu.vector_load %arg7[%parallel_loop3A_548, %parallel_loop3A_549] {strides = array<i32>} : memref<96x768xf32, #tpu.memory_space<vmem>>, vector<1x16xf32>,
      %parallel_loop3A_551 = vector.shape_cast %parallel_loop3A_550 : vector<1x16xf32> to vector<16xf32>
      %parallel_loop3A_552 = arith.mulf %parallel_loop3A_551, %get3A_392 : vector<16xf32>
      %parallel_loop3A_553 = arith.addf %parallel_loop3A_546, %parallel_loop3A_552 : vector<16xf32>
      %parallel_loop3A_554 = arith.constant 68 : i32
      %parallel_loop3A_555 = arith.index_cast %parallel_loop3A_554 : i32 to index
      %parallel_loop3A_556 = arith.index_cast %parallel_loop3A_519 : i32 to index
      %parallel_loop3A_557 = tpu.vector_load %arg7[%parallel_loop3A_555, %parallel_loop3A_556] {strides = array<i32>} : memref<96x768xf32, #tpu.memory_space<vmem>>, vector<1x16xf32>,
      %parallel_loop3A_558 = vector.shape_cast %parallel_loop3A_557 : vector<1x16xf32> to vector<16xf32>
      %parallel_loop3A_559 = arith.mulf %parallel_loop3A_558, %get3A_397 : vector<16xf32>
      %parallel_loop3A_560 = arith.addf %parallel_loop3A_553, %parallel_loop3A_559 : vector<16xf32>
      %parallel_loop3A_561 = arith.constant 69 : i32
      %parallel_loop3A_562 = arith.index_cast %parallel_loop3A_561 : i32 to index
      %parallel_loop3A_563 = arith.index_cast %parallel_loop3A_519 : i32 to index
      %parallel_loop3A_564 = tpu.vector_load %arg7[%parallel_loop3A_562, %parallel_loop3A_563] {strides = array<i32>} : memref<96x768xf32, #tpu.memory_space<vmem>>, vector<1x16xf32>,
      %parallel_loop3A_565 = vector.shape_cast %parallel_loop3A_564 : vector<1x16xf32> to vector<16xf32>
      %parallel_loop3A_566 = arith.mulf %parallel_loop3A_565, %get3A_402 : vector<16xf32>
      %parallel_loop3A_567 = arith.addf %parallel_loop3A_560, %parallel_loop3A_566 : vector<16xf32>
      %parallel_loop3A_568 = arith.constant 70 : i32
      %parallel_loop3A_569 = arith.index_cast %parallel_loop3A_568 : i32 to index
      %parallel_loop3A_570 = arith.index_cast %parallel_loop3A_519 : i32 to index
      %parallel_loop3A_571 = tpu.vector_load %arg7[%parallel_loop3A_569, %parallel_loop3A_570] {strides = array<i32>} : memref<96x768xf32, #tpu.memory_space<vmem>>, vector<1x16xf32>,
      %parallel_loop3A_572 = vector.shape_cast %parallel_loop3A_571 : vector<1x16xf32> to vector<16xf32>
      %parallel_loop3A_573 = arith.mulf %parallel_loop3A_572, %get3A_407 : vector<16xf32>
      %parallel_loop3A_574 = arith.addf %parallel_loop3A_567, %parallel_loop3A_573 : vector<16xf32>
      %parallel_loop3A_575 = arith.constant 71 : i32
      %parallel_loop3A_576 = arith.index_cast %parallel_loop3A_575 : i32 to index
      %parallel_loop3A_577 = arith.index_cast %parallel_loop3A_519 : i32 to index
      %parallel_loop3A_578 = tpu.vector_load %arg7[%parallel_loop3A_576, %parallel_loop3A_577] {strides = array<i32>} : memref<96x768xf32, #tpu.memory_space<vmem>>, vector<1x16xf32>,
      %parallel_loop3A_579 = vector.shape_cast %parallel_loop3A_578 : vector<1x16xf32> to vector<16xf32>
      %parallel_loop3A_580 = arith.mulf %parallel_loop3A_579, %get3A_412 : vector<16xf32>
      %parallel_loop3A_581 = arith.addf %parallel_loop3A_574, %parallel_loop3A_580 : vector<16xf32>
      %parallel_loop3A_582 = arith.constant 1 : i32
      %parallel_loop3A_583 = arith.constant 2 : i32
      %parallel_loop3A_584 = arith.index_cast %parallel_loop3A_582 : i32 to index
      %parallel_loop3A_585 = arith.index_cast %parallel_loop3A_583 : i32 to index
      %parallel_loop3A_586 = arith.index_cast %parallel_loop3A_519 : i32 to index
      %parallel_loop3A_587 = tpu.vector_load %arg9[%parallel_loop3A_584, %parallel_loop3A_585, %parallel_loop3A_586] {strides = array<i32>} : memref<2x5x768xf32, #tpu.memory_space<vmem>>, vector<1x1x16xf32>,
      %parallel_loop3A_588 = vector.shape_cast %parallel_loop3A_587 : vector<1x1x16xf32> to vector<16xf32>
      %parallel_loop3A_589 = vector.shape_cast %parallel_loop3A_581 : vector<16xf32> to vector<1x1x16xf32>
      tpu.vector_store %arg9[%parallel_loop3A_584, %parallel_loop3A_585, %parallel_loop3A_586], %parallel_loop3A_589 {strides = array<i32>} : memref<2x5x768xf32, #tpu.memory_space<vmem>>, vector<1x1x16xf32>,
    } {sc.loop_unroll_factor = 4 : i64, sc.parallel_access}
    %get3A_416 = arith.constant 72 : i32
    %get3A_417 = arith.index_cast %get3A_416 : i32 to index
    %get3A_418 = arith.constant 0 : index
    %get3A_419 = tpu.vector_load %arg8[%get3A_417, %get3A_418] {strides = array<i32>} : memref<96x16xf32, #tpu.memory_space<vmem>>, vector<1x16xf32>,
    %get3A_420 = vector.shape_cast %get3A_419 : vector<1x16xf32> to vector<16xf32>
    %get3A_421 = arith.constant 73 : i32
    %get3A_422 = arith.index_cast %get3A_421 : i32 to index
    %get3A_423 = arith.constant 0 : index
    %get3A_424 = tpu.vector_load %arg8[%get3A_422, %get3A_423] {strides = array<i32>} : memref<96x16xf32, #tpu.memory_space<vmem>>, vector<1x16xf32>,
    %get3A_425 = vector.shape_cast %get3A_424 : vector<1x16xf32> to vector<16xf32>
    %get3A_426 = arith.constant 74 : i32
    %get3A_427 = arith.index_cast %get3A_426 : i32 to index
    %get3A_428 = arith.constant 0 : index
    %get3A_429 = tpu.vector_load %arg8[%get3A_427, %get3A_428] {strides = array<i32>} : memref<96x16xf32, #tpu.memory_space<vmem>>, vector<1x16xf32>,
    %get3A_430 = vector.shape_cast %get3A_429 : vector<1x16xf32> to vector<16xf32>
    %get3A_431 = arith.constant 75 : i32
    %get3A_432 = arith.index_cast %get3A_431 : i32 to index
    %get3A_433 = arith.constant 0 : index
    %get3A_434 = tpu.vector_load %arg8[%get3A_432, %get3A_433] {strides = array<i32>} : memref<96x16xf32, #tpu.memory_space<vmem>>, vector<1x16xf32>,
    %get3A_435 = vector.shape_cast %get3A_434 : vector<1x16xf32> to vector<16xf32>
    %get3A_436 = arith.constant 76 : i32
    %get3A_437 = arith.index_cast %get3A_436 : i32 to index
    %get3A_438 = arith.constant 0 : index
    %get3A_439 = tpu.vector_load %arg8[%get3A_437, %get3A_438] {strides = array<i32>} : memref<96x16xf32, #tpu.memory_space<vmem>>, vector<1x16xf32>,
    %get3A_440 = vector.shape_cast %get3A_439 : vector<1x16xf32> to vector<16xf32>
    %get3A_441 = arith.constant 77 : i32
    %get3A_442 = arith.index_cast %get3A_441 : i32 to index
    %get3A_443 = arith.constant 0 : index
    %get3A_444 = tpu.vector_load %arg8[%get3A_442, %get3A_443] {strides = array<i32>} : memref<96x16xf32, #tpu.memory_space<vmem>>, vector<1x16xf32>,
    %get3A_445 = vector.shape_cast %get3A_444 : vector<1x16xf32> to vector<16xf32>
    %get3A_446 = arith.constant 78 : i32
    %get3A_447 = arith.index_cast %get3A_446 : i32 to index
    %get3A_448 = arith.constant 0 : index
    %get3A_449 = tpu.vector_load %arg8[%get3A_447, %get3A_448] {strides = array<i32>} : memref<96x16xf32, #tpu.memory_space<vmem>>, vector<1x16xf32>,
    %get3A_450 = vector.shape_cast %get3A_449 : vector<1x16xf32> to vector<16xf32>
    %get3A_451 = arith.constant 79 : i32
    %get3A_452 = arith.index_cast %get3A_451 : i32 to index
    %get3A_453 = arith.constant 0 : index
    %get3A_454 = tpu.vector_load %arg8[%get3A_452, %get3A_453] {strides = array<i32>} : memref<96x16xf32, #tpu.memory_space<vmem>>, vector<1x16xf32>,
    %get3A_455 = vector.shape_cast %get3A_454 : vector<1x16xf32> to vector<16xf32>
    %get3A_456 = arith.constant 80 : i32
    %get3A_457 = arith.index_cast %get3A_456 : i32 to index
    %get3A_458 = arith.constant 0 : index
    %get3A_459 = tpu.vector_load %arg8[%get3A_457, %get3A_458] {strides = array<i32>} : memref<96x16xf32, #tpu.memory_space<vmem>>, vector<1x16xf32>,
    %get3A_460 = vector.shape_cast %get3A_459 : vector<1x16xf32> to vector<16xf32>
    %parallel_loop3A_461 = arith.constant 0 : i32
    %parallel_loop3A_462 = arith.constant 48 : i32
    %parallel_loop3A_463 = arith.constant 1 : i32
    scf.for %parallel_loop3A_517 = %parallel_loop3A_461 to %parallel_loop3A_462 step %parallel_loop3A_463  : i32 {
      %parallel_loop3A_518 = arith.constant 16 : i32
      %parallel_loop3A_519 = arith.muli %parallel_loop3A_517, %parallel_loop3A_518 : i32
      %parallel_loop3A_520 = arith.constant 72 : i32
      %parallel_loop3A_521 = arith.index_cast %parallel_loop3A_520 : i32 to index
      %parallel_loop3A_522 = arith.index_cast %parallel_loop3A_519 : i32 to index
      %parallel_loop3A_523 = tpu.vector_load %arg7[%parallel_loop3A_521, %parallel_loop3A_522] {strides = array<i32>} : memref<96x768xf32, #tpu.memory_space<vmem>>, vector<1x16xf32>,
      %parallel_loop3A_524 = vector.shape_cast %parallel_loop3A_523 : vector<1x16xf32> to vector<16xf32>
      %parallel_loop3A_525 = arith.mulf %parallel_loop3A_524, %get3A_420 : vector<16xf32>
      %parallel_loop3A_526 = arith.constant 73 : i32
      %parallel_loop3A_527 = arith.index_cast %parallel_loop3A_526 : i32 to index
      %parallel_loop3A_528 = arith.index_cast %parallel_loop3A_519 : i32 to index
      %parallel_loop3A_529 = tpu.vector_load %arg7[%parallel_loop3A_527, %parallel_loop3A_528] {strides = array<i32>} : memref<96x768xf32, #tpu.memory_space<vmem>>, vector<1x16xf32>,
      %parallel_loop3A_530 = vector.shape_cast %parallel_loop3A_529 : vector<1x16xf32> to vector<16xf32>
      %parallel_loop3A_531 = arith.mulf %parallel_loop3A_530, %get3A_425 : vector<16xf32>
      %parallel_loop3A_532 = arith.addf %parallel_loop3A_525, %parallel_loop3A_531 : vector<16xf32>
      %parallel_loop3A_533 = arith.constant 74 : i32
      %parallel_loop3A_534 = arith.index_cast %parallel_loop3A_533 : i32 to index
      %parallel_loop3A_535 = arith.index_cast %parallel_loop3A_519 : i32 to index
      %parallel_loop3A_536 = tpu.vector_load %arg7[%parallel_loop3A_534, %parallel_loop3A_535] {strides = array<i32>} : memref<96x768xf32, #tpu.memory_space<vmem>>, vector<1x16xf32>,
      %parallel_loop3A_537 = vector.shape_cast %parallel_loop3A_536 : vector<1x16xf32> to vector<16xf32>
      %parallel_loop3A_538 = arith.mulf %parallel_loop3A_537, %get3A_430 : vector<16xf32>
      %parallel_loop3A_539 = arith.addf %parallel_loop3A_532, %parallel_loop3A_538 : vector<16xf32>
      %parallel_loop3A_540 = arith.constant 75 : i32
      %parallel_loop3A_541 = arith.index_cast %parallel_loop3A_540 : i32 to index
      %parallel_loop3A_542 = arith.index_cast %parallel_loop3A_519 : i32 to index
      %parallel_loop3A_543 = tpu.vector_load %arg7[%parallel_loop3A_541, %parallel_loop3A_542] {strides = array<i32>} : memref<96x768xf32, #tpu.memory_space<vmem>>, vector<1x16xf32>,
      %parallel_loop3A_544 = vector.shape_cast %parallel_loop3A_543 : vector<1x16xf32> to vector<16xf32>
      %parallel_loop3A_545 = arith.mulf %parallel_loop3A_544, %get3A_435 : vector<16xf32>
      %parallel_loop3A_546 = arith.addf %parallel_loop3A_539, %parallel_loop3A_545 : vector<16xf32>
      %parallel_loop3A_547 = arith.constant 76 : i32
      %parallel_loop3A_548 = arith.index_cast %parallel_loop3A_547 : i32 to index
      %parallel_loop3A_549 = arith.index_cast %parallel_loop3A_519 : i32 to index
      %parallel_loop3A_550 = tpu.vector_load %arg7[%parallel_loop3A_548, %parallel_loop3A_549] {strides = array<i32>} : memref<96x768xf32, #tpu.memory_space<vmem>>, vector<1x16xf32>,
      %parallel_loop3A_551 = vector.shape_cast %parallel_loop3A_550 : vector<1x16xf32> to vector<16xf32>
      %parallel_loop3A_552 = arith.mulf %parallel_loop3A_551, %get3A_440 : vector<16xf32>
      %parallel_loop3A_553 = arith.addf %parallel_loop3A_546, %parallel_loop3A_552 : vector<16xf32>
      %parallel_loop3A_554 = arith.constant 77 : i32
      %parallel_loop3A_555 = arith.index_cast %parallel_loop3A_554 : i32 to index
      %parallel_loop3A_556 = arith.index_cast %parallel_loop3A_519 : i32 to index
      %parallel_loop3A_557 = tpu.vector_load %arg7[%parallel_loop3A_555, %parallel_loop3A_556] {strides = array<i32>} : memref<96x768xf32, #tpu.memory_space<vmem>>, vector<1x16xf32>,
      %parallel_loop3A_558 = vector.shape_cast %parallel_loop3A_557 : vector<1x16xf32> to vector<16xf32>
      %parallel_loop3A_559 = arith.mulf %parallel_loop3A_558, %get3A_445 : vector<16xf32>
      %parallel_loop3A_560 = arith.addf %parallel_loop3A_553, %parallel_loop3A_559 : vector<16xf32>
      %parallel_loop3A_561 = arith.constant 78 : i32
      %parallel_loop3A_562 = arith.index_cast %parallel_loop3A_561 : i32 to index
      %parallel_loop3A_563 = arith.index_cast %parallel_loop3A_519 : i32 to index
      %parallel_loop3A_564 = tpu.vector_load %arg7[%parallel_loop3A_562, %parallel_loop3A_563] {strides = array<i32>} : memref<96x768xf32, #tpu.memory_space<vmem>>, vector<1x16xf32>,
      %parallel_loop3A_565 = vector.shape_cast %parallel_loop3A_564 : vector<1x16xf32> to vector<16xf32>
      %parallel_loop3A_566 = arith.mulf %parallel_loop3A_565, %get3A_450 : vector<16xf32>
      %parallel_loop3A_567 = arith.addf %parallel_loop3A_560, %parallel_loop3A_566 : vector<16xf32>
      %parallel_loop3A_568 = arith.constant 79 : i32
      %parallel_loop3A_569 = arith.index_cast %parallel_loop3A_568 : i32 to index
      %parallel_loop3A_570 = arith.index_cast %parallel_loop3A_519 : i32 to index
      %parallel_loop3A_571 = tpu.vector_load %arg7[%parallel_loop3A_569, %parallel_loop3A_570] {strides = array<i32>} : memref<96x768xf32, #tpu.memory_space<vmem>>, vector<1x16xf32>,
      %parallel_loop3A_572 = vector.shape_cast %parallel_loop3A_571 : vector<1x16xf32> to vector<16xf32>
      %parallel_loop3A_573 = arith.mulf %parallel_loop3A_572, %get3A_455 : vector<16xf32>
      %parallel_loop3A_574 = arith.addf %parallel_loop3A_567, %parallel_loop3A_573 : vector<16xf32>
      %parallel_loop3A_575 = arith.constant 80 : i32
      %parallel_loop3A_576 = arith.index_cast %parallel_loop3A_575 : i32 to index
      %parallel_loop3A_577 = arith.index_cast %parallel_loop3A_519 : i32 to index
      %parallel_loop3A_578 = tpu.vector_load %arg7[%parallel_loop3A_576, %parallel_loop3A_577] {strides = array<i32>} : memref<96x768xf32, #tpu.memory_space<vmem>>, vector<1x16xf32>,
      %parallel_loop3A_579 = vector.shape_cast %parallel_loop3A_578 : vector<1x16xf32> to vector<16xf32>
      %parallel_loop3A_580 = arith.mulf %parallel_loop3A_579, %get3A_460 : vector<16xf32>
      %parallel_loop3A_581 = arith.addf %parallel_loop3A_574, %parallel_loop3A_580 : vector<16xf32>
      %parallel_loop3A_582 = arith.constant 1 : i32
      %parallel_loop3A_583 = arith.constant 3 : i32
      %parallel_loop3A_584 = arith.index_cast %parallel_loop3A_582 : i32 to index
      %parallel_loop3A_585 = arith.index_cast %parallel_loop3A_583 : i32 to index
      %parallel_loop3A_586 = arith.index_cast %parallel_loop3A_519 : i32 to index
      %parallel_loop3A_587 = tpu.vector_load %arg9[%parallel_loop3A_584, %parallel_loop3A_585, %parallel_loop3A_586] {strides = array<i32>} : memref<2x5x768xf32, #tpu.memory_space<vmem>>, vector<1x1x16xf32>,
      %parallel_loop3A_588 = vector.shape_cast %parallel_loop3A_587 : vector<1x1x16xf32> to vector<16xf32>
      %parallel_loop3A_589 = vector.shape_cast %parallel_loop3A_581 : vector<16xf32> to vector<1x1x16xf32>
      tpu.vector_store %arg9[%parallel_loop3A_584, %parallel_loop3A_585, %parallel_loop3A_586], %parallel_loop3A_589 {strides = array<i32>} : memref<2x5x768xf32, #tpu.memory_space<vmem>>, vector<1x1x16xf32>,
    } {sc.loop_unroll_factor = 4 : i64, sc.parallel_access}
    %get3A_464 = arith.constant 81 : i32
    %get3A_465 = arith.index_cast %get3A_464 : i32 to index
    %get3A_466 = arith.constant 0 : index
    %get3A_467 = tpu.vector_load %arg8[%get3A_465, %get3A_466] {strides = array<i32>} : memref<96x16xf32, #tpu.memory_space<vmem>>, vector<1x16xf32>,
    %get3A_468 = vector.shape_cast %get3A_467 : vector<1x16xf32> to vector<16xf32>
    %get3A_469 = arith.constant 82 : i32
    %get3A_470 = arith.index_cast %get3A_469 : i32 to index
    %get3A_471 = arith.constant 0 : index
    %get3A_472 = tpu.vector_load %arg8[%get3A_470, %get3A_471] {strides = array<i32>} : memref<96x16xf32, #tpu.memory_space<vmem>>, vector<1x16xf32>,
    %get3A_473 = vector.shape_cast %get3A_472 : vector<1x16xf32> to vector<16xf32>
    %get3A_474 = arith.constant 83 : i32
    %get3A_475 = arith.index_cast %get3A_474 : i32 to index
    %get3A_476 = arith.constant 0 : index
    %get3A_477 = tpu.vector_load %arg8[%get3A_475, %get3A_476] {strides = array<i32>} : memref<96x16xf32, #tpu.memory_space<vmem>>, vector<1x16xf32>,
    %get3A_478 = vector.shape_cast %get3A_477 : vector<1x16xf32> to vector<16xf32>
    %get3A_479 = arith.constant 84 : i32
    %get3A_480 = arith.index_cast %get3A_479 : i32 to index
    %get3A_481 = arith.constant 0 : index
    %get3A_482 = tpu.vector_load %arg8[%get3A_480, %get3A_481] {strides = array<i32>} : memref<96x16xf32, #tpu.memory_space<vmem>>, vector<1x16xf32>,
    %get3A_483 = vector.shape_cast %get3A_482 : vector<1x16xf32> to vector<16xf32>
    %get3A_484 = arith.constant 85 : i32
    %get3A_485 = arith.index_cast %get3A_484 : i32 to index
    %get3A_486 = arith.constant 0 : index
    %get3A_487 = tpu.vector_load %arg8[%get3A_485, %get3A_486] {strides = array<i32>} : memref<96x16xf32, #tpu.memory_space<vmem>>, vector<1x16xf32>,
    %get3A_488 = vector.shape_cast %get3A_487 : vector<1x16xf32> to vector<16xf32>
    %get3A_489 = arith.constant 86 : i32
    %get3A_490 = arith.index_cast %get3A_489 : i32 to index
    %get3A_491 = arith.constant 0 : index
    %get3A_492 = tpu.vector_load %arg8[%get3A_490, %get3A_491] {strides = array<i32>} : memref<96x16xf32, #tpu.memory_space<vmem>>, vector<1x16xf32>,
    %get3A_493 = vector.shape_cast %get3A_492 : vector<1x16xf32> to vector<16xf32>
    %get3A_494 = arith.constant 87 : i32
    %get3A_495 = arith.index_cast %get3A_494 : i32 to index
    %get3A_496 = arith.constant 0 : index
    %get3A_497 = tpu.vector_load %arg8[%get3A_495, %get3A_496] {strides = array<i32>} : memref<96x16xf32, #tpu.memory_space<vmem>>, vector<1x16xf32>,
    %get3A_498 = vector.shape_cast %get3A_497 : vector<1x16xf32> to vector<16xf32>
    %get3A_499 = arith.constant 88 : i32
    %get3A_500 = arith.index_cast %get3A_499 : i32 to index
    %get3A_501 = arith.constant 0 : index
    %get3A_502 = tpu.vector_load %arg8[%get3A_500, %get3A_501] {strides = array<i32>} : memref<96x16xf32, #tpu.memory_space<vmem>>, vector<1x16xf32>,
    %get3A_503 = vector.shape_cast %get3A_502 : vector<1x16xf32> to vector<16xf32>
    %get3A_504 = arith.constant 89 : i32
    %get3A_505 = arith.index_cast %get3A_504 : i32 to index
    %get3A_506 = arith.constant 0 : index
    %get3A_507 = tpu.vector_load %arg8[%get3A_505, %get3A_506] {strides = array<i32>} : memref<96x16xf32, #tpu.memory_space<vmem>>, vector<1x16xf32>,
    %get3A_508 = vector.shape_cast %get3A_507 : vector<1x16xf32> to vector<16xf32>
    %parallel_loop3A_509 = arith.constant 0 : i32
    %parallel_loop3A_510 = arith.constant 48 : i32
    %parallel_loop3A_511 = arith.constant 1 : i32
    scf.for %parallel_loop3A_517 = %parallel_loop3A_509 to %parallel_loop3A_510 step %parallel_loop3A_511  : i32 {
      %parallel_loop3A_518 = arith.constant 16 : i32
      %parallel_loop3A_519 = arith.muli %parallel_loop3A_517, %parallel_loop3A_518 : i32
      %parallel_loop3A_520 = arith.constant 81 : i32
      %parallel_loop3A_521 = arith.index_cast %parallel_loop3A_520 : i32 to index
      %parallel_loop3A_522 = arith.index_cast %parallel_loop3A_519 : i32 to index
      %parallel_loop3A_523 = tpu.vector_load %arg7[%parallel_loop3A_521, %parallel_loop3A_522] {strides = array<i32>} : memref<96x768xf32, #tpu.memory_space<vmem>>, vector<1x16xf32>,
      %parallel_loop3A_524 = vector.shape_cast %parallel_loop3A_523 : vector<1x16xf32> to vector<16xf32>
      %parallel_loop3A_525 = arith.mulf %parallel_loop3A_524, %get3A_468 : vector<16xf32>
      %parallel_loop3A_526 = arith.constant 82 : i32
      %parallel_loop3A_527 = arith.index_cast %parallel_loop3A_526 : i32 to index
      %parallel_loop3A_528 = arith.index_cast %parallel_loop3A_519 : i32 to index
      %parallel_loop3A_529 = tpu.vector_load %arg7[%parallel_loop3A_527, %parallel_loop3A_528] {strides = array<i32>} : memref<96x768xf32, #tpu.memory_space<vmem>>, vector<1x16xf32>,
      %parallel_loop3A_530 = vector.shape_cast %parallel_loop3A_529 : vector<1x16xf32> to vector<16xf32>
      %parallel_loop3A_531 = arith.mulf %parallel_loop3A_530, %get3A_473 : vector<16xf32>
      %parallel_loop3A_532 = arith.addf %parallel_loop3A_525, %parallel_loop3A_531 : vector<16xf32>
      %parallel_loop3A_533 = arith.constant 83 : i32
      %parallel_loop3A_534 = arith.index_cast %parallel_loop3A_533 : i32 to index
      %parallel_loop3A_535 = arith.index_cast %parallel_loop3A_519 : i32 to index
      %parallel_loop3A_536 = tpu.vector_load %arg7[%parallel_loop3A_534, %parallel_loop3A_535] {strides = array<i32>} : memref<96x768xf32, #tpu.memory_space<vmem>>, vector<1x16xf32>,
      %parallel_loop3A_537 = vector.shape_cast %parallel_loop3A_536 : vector<1x16xf32> to vector<16xf32>
      %parallel_loop3A_538 = arith.mulf %parallel_loop3A_537, %get3A_478 : vector<16xf32>
      %parallel_loop3A_539 = arith.addf %parallel_loop3A_532, %parallel_loop3A_538 : vector<16xf32>
      %parallel_loop3A_540 = arith.constant 84 : i32
      %parallel_loop3A_541 = arith.index_cast %parallel_loop3A_540 : i32 to index
      %parallel_loop3A_542 = arith.index_cast %parallel_loop3A_519 : i32 to index
      %parallel_loop3A_543 = tpu.vector_load %arg7[%parallel_loop3A_541, %parallel_loop3A_542] {strides = array<i32>} : memref<96x768xf32, #tpu.memory_space<vmem>>, vector<1x16xf32>,
      %parallel_loop3A_544 = vector.shape_cast %parallel_loop3A_543 : vector<1x16xf32> to vector<16xf32>
      %parallel_loop3A_545 = arith.mulf %parallel_loop3A_544, %get3A_483 : vector<16xf32>
      %parallel_loop3A_546 = arith.addf %parallel_loop3A_539, %parallel_loop3A_545 : vector<16xf32>
      %parallel_loop3A_547 = arith.constant 85 : i32
      %parallel_loop3A_548 = arith.index_cast %parallel_loop3A_547 : i32 to index
      %parallel_loop3A_549 = arith.index_cast %parallel_loop3A_519 : i32 to index
      %parallel_loop3A_550 = tpu.vector_load %arg7[%parallel_loop3A_548, %parallel_loop3A_549] {strides = array<i32>} : memref<96x768xf32, #tpu.memory_space<vmem>>, vector<1x16xf32>,
      %parallel_loop3A_551 = vector.shape_cast %parallel_loop3A_550 : vector<1x16xf32> to vector<16xf32>
      %parallel_loop3A_552 = arith.mulf %parallel_loop3A_551, %get3A_488 : vector<16xf32>
      %parallel_loop3A_553 = arith.addf %parallel_loop3A_546, %parallel_loop3A_552 : vector<16xf32>
      %parallel_loop3A_554 = arith.constant 86 : i32
      %parallel_loop3A_555 = arith.index_cast %parallel_loop3A_554 : i32 to index
      %parallel_loop3A_556 = arith.index_cast %parallel_loop3A_519 : i32 to index
      %parallel_loop3A_557 = tpu.vector_load %arg7[%parallel_loop3A_555, %parallel_loop3A_556] {strides = array<i32>} : memref<96x768xf32, #tpu.memory_space<vmem>>, vector<1x16xf32>,
      %parallel_loop3A_558 = vector.shape_cast %parallel_loop3A_557 : vector<1x16xf32> to vector<16xf32>
      %parallel_loop3A_559 = arith.mulf %parallel_loop3A_558, %get3A_493 : vector<16xf32>
      %parallel_loop3A_560 = arith.addf %parallel_loop3A_553, %parallel_loop3A_559 : vector<16xf32>
      %parallel_loop3A_561 = arith.constant 87 : i32
      %parallel_loop3A_562 = arith.index_cast %parallel_loop3A_561 : i32 to index
      %parallel_loop3A_563 = arith.index_cast %parallel_loop3A_519 : i32 to index
      %parallel_loop3A_564 = tpu.vector_load %arg7[%parallel_loop3A_562, %parallel_loop3A_563] {strides = array<i32>} : memref<96x768xf32, #tpu.memory_space<vmem>>, vector<1x16xf32>,
      %parallel_loop3A_565 = vector.shape_cast %parallel_loop3A_564 : vector<1x16xf32> to vector<16xf32>
      %parallel_loop3A_566 = arith.mulf %parallel_loop3A_565, %get3A_498 : vector<16xf32>
      %parallel_loop3A_567 = arith.addf %parallel_loop3A_560, %parallel_loop3A_566 : vector<16xf32>
      %parallel_loop3A_568 = arith.constant 88 : i32
      %parallel_loop3A_569 = arith.index_cast %parallel_loop3A_568 : i32 to index
      %parallel_loop3A_570 = arith.index_cast %parallel_loop3A_519 : i32 to index
      %parallel_loop3A_571 = tpu.vector_load %arg7[%parallel_loop3A_569, %parallel_loop3A_570] {strides = array<i32>} : memref<96x768xf32, #tpu.memory_space<vmem>>, vector<1x16xf32>,
      %parallel_loop3A_572 = vector.shape_cast %parallel_loop3A_571 : vector<1x16xf32> to vector<16xf32>
      %parallel_loop3A_573 = arith.mulf %parallel_loop3A_572, %get3A_503 : vector<16xf32>
      %parallel_loop3A_574 = arith.addf %parallel_loop3A_567, %parallel_loop3A_573 : vector<16xf32>
      %parallel_loop3A_575 = arith.constant 89 : i32
      %parallel_loop3A_576 = arith.index_cast %parallel_loop3A_575 : i32 to index
      %parallel_loop3A_577 = arith.index_cast %parallel_loop3A_519 : i32 to index
      %parallel_loop3A_578 = tpu.vector_load %arg7[%parallel_loop3A_576, %parallel_loop3A_577] {strides = array<i32>} : memref<96x768xf32, #tpu.memory_space<vmem>>, vector<1x16xf32>,
      %parallel_loop3A_579 = vector.shape_cast %parallel_loop3A_578 : vector<1x16xf32> to vector<16xf32>
      %parallel_loop3A_580 = arith.mulf %parallel_loop3A_579, %get3A_508 : vector<16xf32>
      %parallel_loop3A_581 = arith.addf %parallel_loop3A_574, %parallel_loop3A_580 : vector<16xf32>
      %parallel_loop3A_582 = arith.constant 1 : i32
      %parallel_loop3A_583 = arith.constant 4 : i32
      %parallel_loop3A_584 = arith.index_cast %parallel_loop3A_582 : i32 to index
      %parallel_loop3A_585 = arith.index_cast %parallel_loop3A_583 : i32 to index
      %parallel_loop3A_586 = arith.index_cast %parallel_loop3A_519 : i32 to index
      %parallel_loop3A_587 = tpu.vector_load %arg9[%parallel_loop3A_584, %parallel_loop3A_585, %parallel_loop3A_586] {strides = array<i32>} : memref<2x5x768xf32, #tpu.memory_space<vmem>>, vector<1x1x16xf32>,
      %parallel_loop3A_588 = vector.shape_cast %parallel_loop3A_587 : vector<1x1x16xf32> to vector<16xf32>
      %parallel_loop3A_589 = vector.shape_cast %parallel_loop3A_581 : vector<16xf32> to vector<1x1x16xf32>
      tpu.vector_store %arg9[%parallel_loop3A_584, %parallel_loop3A_585, %parallel_loop3A_586], %parallel_loop3A_589 {strides = array<i32>} : memref<2x5x768xf32, #tpu.memory_space<vmem>>, vector<1x1x16xf32>,
    } {sc.loop_unroll_factor = 4 : i64, sc.parallel_access}
    %mul3A_512 = arith.constant 2 : i32
    %mul3A_513 = arith.muli %mul3A_512, %add3A : i32
    %add3A_514 = arith.constant 1 : i32
    %add3A_515 = arith.addi %mul3A_513, %add3A_514 : i32
    %run_scoped3A_516 = arith.constant 1 : i32
    "tpu.region"() ({
      %run_scoped3A_517 = tpu.sem_alloc : memref<!tpu.dma_semaphore, #tpu.memory_space<semaphore_mem>>
      %dma_start3A_518 = arith.constant 0 : i32
      %dma_start3A_519 = arith.constant 0 : i32
      %dma_start3A_520 = tpu.memref_slice %arg9[%run_scoped3A_516, %dma_start3A_518, %dma_start3A_519] : memref<2x5x768xf32, #tpu.memory_space<vmem>> -> memref<1x5x768xf32, #tpu.memory_space<vmem>>
      %dma_start3A_521 = tpu.memref_squeeze %dma_start3A_520 : memref<1x5x768xf32, #tpu.memory_space<vmem>> -> memref<5x768xf32, #tpu.memory_space<vmem>>
      %dma_start3A_522 = arith.constant 0 : i32
      %dma_start3A_523 = arith.constant 0 : i32
      %dma_start3A_524 = tpu.memref_slice %arg5[%add3A_515, %dma_start3A_522, %dma_start3A_523] : memref<64x5x768xf32, #tpu.memory_space<hbm>> -> memref<1x5x768xf32, #tpu.memory_space<hbm>>
      %dma_start3A_525 = tpu.memref_squeeze %dma_start3A_524 : memref<1x5x768xf32, #tpu.memory_space<hbm>> -> memref<5x768xf32, #tpu.memory_space<hbm>>
      %dma_start3A_526 = arith.constant 0 : i32
      %dma_start3A_527 = arith.constant 0 : i32
      %dma_start3A_528 = tpu.memref_slice %arg5[%add3A_515, %dma_start3A_526, %dma_start3A_527] : memref<64x5x768xf32, #tpu.memory_space<hbm>> -> memref<1x5x768xf32, #tpu.memory_space<hbm>>
      %dma_start3A_529 = tpu.memref_squeeze %dma_start3A_528 : memref<1x5x768xf32, #tpu.memory_space<hbm>> -> memref<5x768xf32, #tpu.memory_space<hbm>>
      %dma_start3A_530 = arith.constant 0 : i32
      %dma_start3A_531 = arith.constant 0 : i32
      %dma_start3A_532 = tpu.memref_slice %arg9[%run_scoped3A_516, %dma_start3A_530, %dma_start3A_531] : memref<2x5x768xf32, #tpu.memory_space<vmem>> -> memref<1x5x768xf32, #tpu.memory_space<vmem>>
      %dma_start3A_533 = tpu.memref_squeeze %dma_start3A_532 : memref<1x5x768xf32, #tpu.memory_space<vmem>> -> memref<5x768xf32, #tpu.memory_space<vmem>>
      tpu.enqueue_dma source(%dma_start3A_533 : memref<5x768xf32, #tpu.memory_space<vmem>>) target(%dma_start3A_529 : memref<5x768xf32, #tpu.memory_space<hbm>>) target_semaphore(%run_scoped3A_517 : memref<!tpu.dma_semaphore, #tpu.memory_space<semaphore_mem>>)
      %dma_wait3A_534 = arith.constant 0 : i32
      %dma_wait3A_535 = arith.constant 0 : i32
      %dma_wait3A_536 = tpu.memref_slice %arg9[%run_scoped3A_516, %dma_wait3A_534, %dma_wait3A_535] : memref<2x5x768xf32, #tpu.memory_space<vmem>> -> memref<1x5x768xf32, #tpu.memory_space<vmem>>
      %dma_wait3A_537 = tpu.memref_squeeze %dma_wait3A_536 : memref<1x5x768xf32, #tpu.memory_space<vmem>> -> memref<5x768xf32, #tpu.memory_space<vmem>>
      %dma_wait3A_538 = arith.constant 0 : i32
      %dma_wait3A_539 = arith.constant 0 : i32
      %dma_wait3A_540 = tpu.memref_slice %arg5[%add3A_515, %dma_wait3A_538, %dma_wait3A_539] : memref<64x5x768xf32, #tpu.memory_space<hbm>> -> memref<1x5x768xf32, #tpu.memory_space<hbm>>
      %dma_wait3A_541 = tpu.memref_squeeze %dma_wait3A_540 : memref<1x5x768xf32, #tpu.memory_space<hbm>> -> memref<5x768xf32, #tpu.memory_space<hbm>>
      %dma_wait3A_542 = arith.constant 0 : i32
      %dma_wait3A_543 = arith.constant 0 : i32
      %dma_wait3A_544 = tpu.memref_slice %arg5[%add3A_515, %dma_wait3A_542, %dma_wait3A_543] : memref<64x5x768xf32, #tpu.memory_space<hbm>> -> memref<1x5x768xf32, #tpu.memory_space<hbm>>
      %dma_wait3A_545 = tpu.memref_squeeze %dma_wait3A_544 : memref<1x5x768xf32, #tpu.memory_space<hbm>> -> memref<5x768xf32, #tpu.memory_space<hbm>>
      %dma_wait3A_546 = arith.constant 0 : i32
      %dma_wait3A_547 = arith.constant 0 : i32
      %dma_wait3A_548 = tpu.memref_slice %arg9[%run_scoped3A_516, %dma_wait3A_546, %dma_wait3A_547] : memref<2x5x768xf32, #tpu.memory_space<vmem>> -> memref<1x5x768xf32, #tpu.memory_space<vmem>>
      %dma_wait3A_549 = tpu.memref_squeeze %dma_wait3A_548 : memref<1x5x768xf32, #tpu.memory_space<vmem>> -> memref<5x768xf32, #tpu.memory_space<vmem>>
      tpu.wait_dma2 semaphore(%run_scoped3A_517 : memref<!tpu.dma_semaphore, #tpu.memory_space<semaphore_mem>>) src(%dma_wait3A_549 : memref<5x768xf32, #tpu.memory_space<vmem>>) dst(%dma_wait3A_545 : memref<5x768xf32, #tpu.memory_space<hbm>>)
      tpu.yield
    }) : () -> ()
    return
  }
}

module attributes {stable_mosaic.version = 14 : i64} {
  func.func @_sims_argmax_body(%arg0: i32, %arg1: memref<4x5x768xf32, #tpu.memory_space<vmem>>, %arg2: memref<4x32x32x768xf32, #tpu.memory_space<vmem>>, %arg3: memref<4x1x8xi32, #tpu.memory_space<vmem>>) attributes {dimension_semantics = [#tpu.dimension_semantics<arbitrary>], iteration_bounds = array<i64: 16>, scalar_prefetch = 0 : i64, scratch_operands = 0 : i64, tpu.core_type = #tpu.core_type<tc>, window_params = [{transform_indices = @transform_0, window_bounds = array<i64: 4, 5, 768>}, {transform_indices = @transform_1, window_bounds = array<i64: 4, 32, 32, 768>}, {transform_indices = @transform_2, window_bounds = array<i64: 4, 1, 8>}]} {
    %get3A = arith.constant 0 : index
    %get3A_0 = arith.constant 0 : index
    %get3A_1 = arith.constant 0 : index
    %get3A_2 = arith.constant 0 : index
    %get3A_3 = vector.load %arg2[%get3A, %get3A_0, %get3A_1, %get3A_2] : memref<4x32x32x768xf32, #tpu.memory_space<vmem>>, vector<1x32x32x768xf32>
    %get3A_4 = vector.shape_cast %get3A_3 : vector<1x32x32x768xf32> to vector<32x32x768xf32>
    %reshape3A = vector.shape_cast %get3A_4 : vector<32x32x768xf32> to vector<1024x768xf32>
    %get3A_5 = arith.constant 0 : index
    %get3A_6 = arith.constant 0 : index
    %get3A_7 = arith.constant 0 : index
    %get3A_8 = vector.load %arg1[%get3A_5, %get3A_6, %get3A_7] : memref<4x5x768xf32, #tpu.memory_space<vmem>>, vector<1x5x768xf32>
    %get3A_9 = vector.shape_cast %get3A_8 : vector<1x5x768xf32> to vector<5x768xf32>
    %mul3A = arith.mulf %reshape3A, %reshape3A : vector<1024x768xf32>
    %reduce_sum3A = arith.constant dense<0.000000e+00> : vector<1024xf32>
    %reduce_sum3A_10 = vector.multi_reduction <add>, %mul3A, %reduce_sum3A [1] : vector<1024x768xf32> to vector<1024xf32>
    %broadcast_in_dim3A = vector.shape_cast %reduce_sum3A_10 : vector<1024xf32> to vector<1024x1xf32>
    %sqrt3A = math.sqrt %broadcast_in_dim3A : vector<1024x1xf32>
    %max3A = arith.constant 9.99999996E-13 : f32
    %max3A_11 = vector.broadcast %max3A : f32 to vector<1024x1xf32>
    %max3A_12 = arith.maximumf %sqrt3A, %max3A_11 : vector<1024x1xf32>
    %div3A = arith.constant 1.000000e+00 : f32
    %div3A_13 = vector.broadcast %div3A : f32 to vector<1024x1xf32>
    %div3A_14 = arith.divf %div3A_13, %max3A_12 : vector<1024x1xf32>
    %mul3A_15 = arith.mulf %get3A_9, %get3A_9 : vector<5x768xf32>
    %reduce_sum3A_16 = arith.constant dense<0.000000e+00> : vector<5xf32>
    %reduce_sum3A_17 = vector.multi_reduction <add>, %mul3A_15, %reduce_sum3A_16 [1] : vector<5x768xf32> to vector<5xf32>
    %broadcast_in_dim3A_18 = vector.shape_cast %reduce_sum3A_17 : vector<5xf32> to vector<5x1xf32>
    %sqrt3A_19 = math.sqrt %broadcast_in_dim3A_18 : vector<5x1xf32>
    %max3A_20 = arith.constant 9.99999996E-13 : f32
    %max3A_21 = vector.broadcast %max3A_20 : f32 to vector<5x1xf32>
    %max3A_22 = arith.maximumf %sqrt3A_19, %max3A_21 : vector<5x1xf32>
    %div3A_23 = arith.constant 1.000000e+00 : f32
    %div3A_24 = vector.broadcast %div3A_23 : f32 to vector<5x1xf32>
    %div3A_25 = arith.divf %div3A_24, %max3A_22 : vector<5x1xf32>
    %mul3A_26 = vector.broadcast %div3A_14 : vector<1024x1xf32> to vector<1024x768xf32>
    %mul3A_27 = arith.mulf %reshape3A, %mul3A_26 : vector<1024x768xf32>
    %convert_element_type3A = arith.truncf %mul3A_27 : vector<1024x768xf32> to vector<1024x768xbf16>
    %mul3A_28 = vector.broadcast %div3A_25 : vector<5x1xf32> to vector<5x768xf32>
    %mul3A_29 = arith.mulf %get3A_9, %mul3A_28 : vector<5x768xf32>
    %convert_element_type3A_30 = arith.truncf %mul3A_29 : vector<5x768xf32> to vector<5x768xbf16>
    %dot_general3A = arith.constant dense<0.000000e+00> : vector<1024x5xf32>
    %dot_general3A_31 = tpu.matmul %convert_element_type3A, %convert_element_type3A_30, %dot_general3A {dimension_numbers = #tpu.dot_dimension_numbers<[1], [1], [0], [0], [0, 0, 1, 0], [], []>, transpose_lhs_hint = false} : vector<1024x768xbf16>, vector<5x768xbf16>, vector<1024x5xf32> -> vector<1024x5xf32>
    %reduce_max3A = arith.constant dense<0xFF800000> : vector<5xf32>
    %reduce_max3A_32 = vector.multi_reduction <maximumf>, %dot_general3A_31, %reduce_max3A [0] : vector<1024x5xf32> to vector<5xf32>
    %broadcast_in_dim3A_33 = vector.shape_cast %reduce_max3A_32 : vector<5xf32> to vector<1x5xf32>
    %iota3A = tpu.iota {dimensions = array<i32: 0>} : vector<1024x5xi32>
    %eq3A = vector.broadcast %broadcast_in_dim3A_33 : vector<1x5xf32> to vector<1024x5xf32>
    %eq3A_34 = arith.cmpf oeq, %dot_general3A_31, %eq3A : vector<1024x5xf32>
    %jit3A = arith.constant 1024 : i32
    %broadcast_in_dim3A_35 = vector.broadcast %jit3A : i32 to vector<1024x5xi32>
    %select_n3A = arith.select %eq3A_34, %iota3A, %broadcast_in_dim3A_35 : vector<1024x5xi1>, vector<1024x5xi32>
    %reduce_min3A = arith.constant dense<2147483647> : vector<5xi32>
    %reduce_min3A_36 = vector.multi_reduction <minsi>, %select_n3A, %reduce_min3A [0] : vector<1024x5xi32> to vector<5xi32>
    %broadcast_in_dim3A_37 = vector.shape_cast %reduce_min3A_36 : vector<5xi32> to vector<1x5xi32>
    %broadcast_in_dim3A_38 = arith.constant 0 : i32
    %broadcast_in_dim3A_39 = vector.broadcast %broadcast_in_dim3A_38 : i32 to vector<1x3xi32>
    %concatenate3A = tpu.concatenate %broadcast_in_dim3A_37, %broadcast_in_dim3A_39 in 1 : vector<1x5xi32>, vector<1x3xi32> -> vector<1x8xi32>
    %swap3A = arith.constant 0 : index
    %swap3A_40 = arith.constant 0 : index
    %swap3A_41 = arith.constant 0 : index
    %swap3A_42 = vector.load %arg3[%swap3A, %swap3A_40, %swap3A_41] : memref<4x1x8xi32, #tpu.memory_space<vmem>>, vector<1x1x8xi32>
    %swap3A_43 = vector.shape_cast %swap3A_42 : vector<1x1x8xi32> to vector<1x8xi32>
    %swap3A_44 = vector.shape_cast %concatenate3A : vector<1x8xi32> to vector<1x1x8xi32>
    tpu.vector_store %arg3[%swap3A, %swap3A_40, %swap3A_41], %swap3A_44 {strides = array<i32>} : memref<4x1x8xi32, #tpu.memory_space<vmem>>, vector<1x1x8xi32>,
    %get3A_45 = arith.constant 1 : index
    %get3A_46 = arith.constant 0 : index
    %get3A_47 = arith.constant 0 : index
    %get3A_48 = arith.constant 0 : index
    %get3A_49 = vector.load %arg2[%get3A_45, %get3A_46, %get3A_47, %get3A_48] : memref<4x32x32x768xf32, #tpu.memory_space<vmem>>, vector<1x32x32x768xf32>
    %get3A_50 = vector.shape_cast %get3A_49 : vector<1x32x32x768xf32> to vector<32x32x768xf32>
    %reshape3A_51 = vector.shape_cast %get3A_50 : vector<32x32x768xf32> to vector<1024x768xf32>
    %get3A_52 = arith.constant 1 : index
    %get3A_53 = arith.constant 0 : index
    %get3A_54 = arith.constant 0 : index
    %get3A_55 = vector.load %arg1[%get3A_52, %get3A_53, %get3A_54] : memref<4x5x768xf32, #tpu.memory_space<vmem>>, vector<1x5x768xf32>
    %get3A_56 = vector.shape_cast %get3A_55 : vector<1x5x768xf32> to vector<5x768xf32>
    %mul3A_57 = arith.mulf %reshape3A_51, %reshape3A_51 : vector<1024x768xf32>
    %reduce_sum3A_58 = arith.constant dense<0.000000e+00> : vector<1024xf32>
    %reduce_sum3A_59 = vector.multi_reduction <add>, %mul3A_57, %reduce_sum3A_58 [1] : vector<1024x768xf32> to vector<1024xf32>
    %broadcast_in_dim3A_60 = vector.shape_cast %reduce_sum3A_59 : vector<1024xf32> to vector<1024x1xf32>
    %sqrt3A_61 = math.sqrt %broadcast_in_dim3A_60 : vector<1024x1xf32>
    %max3A_62 = arith.constant 9.99999996E-13 : f32
    %max3A_63 = vector.broadcast %max3A_62 : f32 to vector<1024x1xf32>
    %max3A_64 = arith.maximumf %sqrt3A_61, %max3A_63 : vector<1024x1xf32>
    %div3A_65 = arith.constant 1.000000e+00 : f32
    %div3A_66 = vector.broadcast %div3A_65 : f32 to vector<1024x1xf32>
    %div3A_67 = arith.divf %div3A_66, %max3A_64 : vector<1024x1xf32>
    %mul3A_68 = arith.mulf %get3A_56, %get3A_56 : vector<5x768xf32>
    %reduce_sum3A_69 = arith.constant dense<0.000000e+00> : vector<5xf32>
    %reduce_sum3A_70 = vector.multi_reduction <add>, %mul3A_68, %reduce_sum3A_69 [1] : vector<5x768xf32> to vector<5xf32>
    %broadcast_in_dim3A_71 = vector.shape_cast %reduce_sum3A_70 : vector<5xf32> to vector<5x1xf32>
    %sqrt3A_72 = math.sqrt %broadcast_in_dim3A_71 : vector<5x1xf32>
    %max3A_73 = arith.constant 9.99999996E-13 : f32
    %max3A_74 = vector.broadcast %max3A_73 : f32 to vector<5x1xf32>
    %max3A_75 = arith.maximumf %sqrt3A_72, %max3A_74 : vector<5x1xf32>
    %div3A_76 = arith.constant 1.000000e+00 : f32
    %div3A_77 = vector.broadcast %div3A_76 : f32 to vector<5x1xf32>
    %div3A_78 = arith.divf %div3A_77, %max3A_75 : vector<5x1xf32>
    %mul3A_79 = vector.broadcast %div3A_67 : vector<1024x1xf32> to vector<1024x768xf32>
    %mul3A_80 = arith.mulf %reshape3A_51, %mul3A_79 : vector<1024x768xf32>
    %convert_element_type3A_81 = arith.truncf %mul3A_80 : vector<1024x768xf32> to vector<1024x768xbf16>
    %mul3A_82 = vector.broadcast %div3A_78 : vector<5x1xf32> to vector<5x768xf32>
    %mul3A_83 = arith.mulf %get3A_56, %mul3A_82 : vector<5x768xf32>
    %convert_element_type3A_84 = arith.truncf %mul3A_83 : vector<5x768xf32> to vector<5x768xbf16>
    %dot_general3A_85 = arith.constant dense<0.000000e+00> : vector<1024x5xf32>
    %dot_general3A_86 = tpu.matmul %convert_element_type3A_81, %convert_element_type3A_84, %dot_general3A_85 {dimension_numbers = #tpu.dot_dimension_numbers<[1], [1], [0], [0], [0, 0, 1, 0], [], []>, transpose_lhs_hint = false} : vector<1024x768xbf16>, vector<5x768xbf16>, vector<1024x5xf32> -> vector<1024x5xf32>
    %reduce_max3A_87 = arith.constant dense<0xFF800000> : vector<5xf32>
    %reduce_max3A_88 = vector.multi_reduction <maximumf>, %dot_general3A_86, %reduce_max3A_87 [0] : vector<1024x5xf32> to vector<5xf32>
    %broadcast_in_dim3A_89 = vector.shape_cast %reduce_max3A_88 : vector<5xf32> to vector<1x5xf32>
    %iota3A_90 = tpu.iota {dimensions = array<i32: 0>} : vector<1024x5xi32>
    %eq3A_91 = vector.broadcast %broadcast_in_dim3A_89 : vector<1x5xf32> to vector<1024x5xf32>
    %eq3A_92 = arith.cmpf oeq, %dot_general3A_86, %eq3A_91 : vector<1024x5xf32>
    %jit3A_93 = arith.constant 1024 : i32
    %broadcast_in_dim3A_94 = vector.broadcast %jit3A_93 : i32 to vector<1024x5xi32>
    %select_n3A_95 = arith.select %eq3A_92, %iota3A_90, %broadcast_in_dim3A_94 : vector<1024x5xi1>, vector<1024x5xi32>
    %reduce_min3A_96 = arith.constant dense<2147483647> : vector<5xi32>
    %reduce_min3A_97 = vector.multi_reduction <minsi>, %select_n3A_95, %reduce_min3A_96 [0] : vector<1024x5xi32> to vector<5xi32>
    %broadcast_in_dim3A_98 = vector.shape_cast %reduce_min3A_97 : vector<5xi32> to vector<1x5xi32>
    %broadcast_in_dim3A_99 = arith.constant 0 : i32
    %broadcast_in_dim3A_100 = vector.broadcast %broadcast_in_dim3A_99 : i32 to vector<1x3xi32>
    %concatenate3A_101 = tpu.concatenate %broadcast_in_dim3A_98, %broadcast_in_dim3A_100 in 1 : vector<1x5xi32>, vector<1x3xi32> -> vector<1x8xi32>
    %swap3A_102 = arith.constant 1 : index
    %swap3A_103 = arith.constant 0 : index
    %swap3A_104 = arith.constant 0 : index
    %swap3A_105 = vector.load %arg3[%swap3A_102, %swap3A_103, %swap3A_104] : memref<4x1x8xi32, #tpu.memory_space<vmem>>, vector<1x1x8xi32>
    %swap3A_106 = vector.shape_cast %swap3A_105 : vector<1x1x8xi32> to vector<1x8xi32>
    %swap3A_107 = vector.shape_cast %concatenate3A_101 : vector<1x8xi32> to vector<1x1x8xi32>
    tpu.vector_store %arg3[%swap3A_102, %swap3A_103, %swap3A_104], %swap3A_107 {strides = array<i32>} : memref<4x1x8xi32, #tpu.memory_space<vmem>>, vector<1x1x8xi32>,
    %get3A_108 = arith.constant 2 : index
    %get3A_109 = arith.constant 0 : index
    %get3A_110 = arith.constant 0 : index
    %get3A_111 = arith.constant 0 : index
    %get3A_112 = vector.load %arg2[%get3A_108, %get3A_109, %get3A_110, %get3A_111] : memref<4x32x32x768xf32, #tpu.memory_space<vmem>>, vector<1x32x32x768xf32>
    %get3A_113 = vector.shape_cast %get3A_112 : vector<1x32x32x768xf32> to vector<32x32x768xf32>
    %reshape3A_114 = vector.shape_cast %get3A_113 : vector<32x32x768xf32> to vector<1024x768xf32>
    %get3A_115 = arith.constant 2 : index
    %get3A_116 = arith.constant 0 : index
    %get3A_117 = arith.constant 0 : index
    %get3A_118 = vector.load %arg1[%get3A_115, %get3A_116, %get3A_117] : memref<4x5x768xf32, #tpu.memory_space<vmem>>, vector<1x5x768xf32>
    %get3A_119 = vector.shape_cast %get3A_118 : vector<1x5x768xf32> to vector<5x768xf32>
    %mul3A_120 = arith.mulf %reshape3A_114, %reshape3A_114 : vector<1024x768xf32>
    %reduce_sum3A_121 = arith.constant dense<0.000000e+00> : vector<1024xf32>
    %reduce_sum3A_122 = vector.multi_reduction <add>, %mul3A_120, %reduce_sum3A_121 [1] : vector<1024x768xf32> to vector<1024xf32>
    %broadcast_in_dim3A_123 = vector.shape_cast %reduce_sum3A_122 : vector<1024xf32> to vector<1024x1xf32>
    %sqrt3A_124 = math.sqrt %broadcast_in_dim3A_123 : vector<1024x1xf32>
    %max3A_125 = arith.constant 9.99999996E-13 : f32
    %max3A_126 = vector.broadcast %max3A_125 : f32 to vector<1024x1xf32>
    %max3A_127 = arith.maximumf %sqrt3A_124, %max3A_126 : vector<1024x1xf32>
    %div3A_128 = arith.constant 1.000000e+00 : f32
    %div3A_129 = vector.broadcast %div3A_128 : f32 to vector<1024x1xf32>
    %div3A_130 = arith.divf %div3A_129, %max3A_127 : vector<1024x1xf32>
    %mul3A_131 = arith.mulf %get3A_119, %get3A_119 : vector<5x768xf32>
    %reduce_sum3A_132 = arith.constant dense<0.000000e+00> : vector<5xf32>
    %reduce_sum3A_133 = vector.multi_reduction <add>, %mul3A_131, %reduce_sum3A_132 [1] : vector<5x768xf32> to vector<5xf32>
    %broadcast_in_dim3A_134 = vector.shape_cast %reduce_sum3A_133 : vector<5xf32> to vector<5x1xf32>
    %sqrt3A_135 = math.sqrt %broadcast_in_dim3A_134 : vector<5x1xf32>
    %max3A_136 = arith.constant 9.99999996E-13 : f32
    %max3A_137 = vector.broadcast %max3A_136 : f32 to vector<5x1xf32>
    %max3A_138 = arith.maximumf %sqrt3A_135, %max3A_137 : vector<5x1xf32>
    %div3A_139 = arith.constant 1.000000e+00 : f32
    %div3A_140 = vector.broadcast %div3A_139 : f32 to vector<5x1xf32>
    %div3A_141 = arith.divf %div3A_140, %max3A_138 : vector<5x1xf32>
    %mul3A_142 = vector.broadcast %div3A_130 : vector<1024x1xf32> to vector<1024x768xf32>
    %mul3A_143 = arith.mulf %reshape3A_114, %mul3A_142 : vector<1024x768xf32>
    %convert_element_type3A_144 = arith.truncf %mul3A_143 : vector<1024x768xf32> to vector<1024x768xbf16>
    %mul3A_145 = vector.broadcast %div3A_141 : vector<5x1xf32> to vector<5x768xf32>
    %mul3A_146 = arith.mulf %get3A_119, %mul3A_145 : vector<5x768xf32>
    %convert_element_type3A_147 = arith.truncf %mul3A_146 : vector<5x768xf32> to vector<5x768xbf16>
    %dot_general3A_148 = arith.constant dense<0.000000e+00> : vector<1024x5xf32>
    %dot_general3A_149 = tpu.matmul %convert_element_type3A_144, %convert_element_type3A_147, %dot_general3A_148 {dimension_numbers = #tpu.dot_dimension_numbers<[1], [1], [0], [0], [0, 0, 1, 0], [], []>, transpose_lhs_hint = false} : vector<1024x768xbf16>, vector<5x768xbf16>, vector<1024x5xf32> -> vector<1024x5xf32>
    %reduce_max3A_150 = arith.constant dense<0xFF800000> : vector<5xf32>
    %reduce_max3A_151 = vector.multi_reduction <maximumf>, %dot_general3A_149, %reduce_max3A_150 [0] : vector<1024x5xf32> to vector<5xf32>
    %broadcast_in_dim3A_152 = vector.shape_cast %reduce_max3A_151 : vector<5xf32> to vector<1x5xf32>
    %iota3A_153 = tpu.iota {dimensions = array<i32: 0>} : vector<1024x5xi32>
    %eq3A_154 = vector.broadcast %broadcast_in_dim3A_152 : vector<1x5xf32> to vector<1024x5xf32>
    %eq3A_155 = arith.cmpf oeq, %dot_general3A_149, %eq3A_154 : vector<1024x5xf32>
    %jit3A_156 = arith.constant 1024 : i32
    %broadcast_in_dim3A_157 = vector.broadcast %jit3A_156 : i32 to vector<1024x5xi32>
    %select_n3A_158 = arith.select %eq3A_155, %iota3A_153, %broadcast_in_dim3A_157 : vector<1024x5xi1>, vector<1024x5xi32>
    %reduce_min3A_159 = arith.constant dense<2147483647> : vector<5xi32>
    %reduce_min3A_160 = vector.multi_reduction <minsi>, %select_n3A_158, %reduce_min3A_159 [0] : vector<1024x5xi32> to vector<5xi32>
    %broadcast_in_dim3A_161 = vector.shape_cast %reduce_min3A_160 : vector<5xi32> to vector<1x5xi32>
    %broadcast_in_dim3A_162 = arith.constant 0 : i32
    %broadcast_in_dim3A_163 = vector.broadcast %broadcast_in_dim3A_162 : i32 to vector<1x3xi32>
    %concatenate3A_164 = tpu.concatenate %broadcast_in_dim3A_161, %broadcast_in_dim3A_163 in 1 : vector<1x5xi32>, vector<1x3xi32> -> vector<1x8xi32>
    %swap3A_165 = arith.constant 2 : index
    %swap3A_166 = arith.constant 0 : index
    %swap3A_167 = arith.constant 0 : index
    %swap3A_168 = vector.load %arg3[%swap3A_165, %swap3A_166, %swap3A_167] : memref<4x1x8xi32, #tpu.memory_space<vmem>>, vector<1x1x8xi32>
    %swap3A_169 = vector.shape_cast %swap3A_168 : vector<1x1x8xi32> to vector<1x8xi32>
    %swap3A_170 = vector.shape_cast %concatenate3A_164 : vector<1x8xi32> to vector<1x1x8xi32>
    tpu.vector_store %arg3[%swap3A_165, %swap3A_166, %swap3A_167], %swap3A_170 {strides = array<i32>} : memref<4x1x8xi32, #tpu.memory_space<vmem>>, vector<1x1x8xi32>,
    %get3A_171 = arith.constant 3 : index
    %get3A_172 = arith.constant 0 : index
    %get3A_173 = arith.constant 0 : index
    %get3A_174 = arith.constant 0 : index
    %get3A_175 = vector.load %arg2[%get3A_171, %get3A_172, %get3A_173, %get3A_174] : memref<4x32x32x768xf32, #tpu.memory_space<vmem>>, vector<1x32x32x768xf32>
    %get3A_176 = vector.shape_cast %get3A_175 : vector<1x32x32x768xf32> to vector<32x32x768xf32>
    %reshape3A_177 = vector.shape_cast %get3A_176 : vector<32x32x768xf32> to vector<1024x768xf32>
    %get3A_178 = arith.constant 3 : index
    %get3A_179 = arith.constant 0 : index
    %get3A_180 = arith.constant 0 : index
    %get3A_181 = vector.load %arg1[%get3A_178, %get3A_179, %get3A_180] : memref<4x5x768xf32, #tpu.memory_space<vmem>>, vector<1x5x768xf32>
    %get3A_182 = vector.shape_cast %get3A_181 : vector<1x5x768xf32> to vector<5x768xf32>
    %mul3A_183 = arith.mulf %reshape3A_177, %reshape3A_177 : vector<1024x768xf32>
    %reduce_sum3A_184 = arith.constant dense<0.000000e+00> : vector<1024xf32>
    %reduce_sum3A_185 = vector.multi_reduction <add>, %mul3A_183, %reduce_sum3A_184 [1] : vector<1024x768xf32> to vector<1024xf32>
    %broadcast_in_dim3A_186 = vector.shape_cast %reduce_sum3A_185 : vector<1024xf32> to vector<1024x1xf32>
    %sqrt3A_187 = math.sqrt %broadcast_in_dim3A_186 : vector<1024x1xf32>
    %max3A_188 = arith.constant 9.99999996E-13 : f32
    %max3A_189 = vector.broadcast %max3A_188 : f32 to vector<1024x1xf32>
    %max3A_190 = arith.maximumf %sqrt3A_187, %max3A_189 : vector<1024x1xf32>
    %div3A_191 = arith.constant 1.000000e+00 : f32
    %div3A_192 = vector.broadcast %div3A_191 : f32 to vector<1024x1xf32>
    %div3A_193 = arith.divf %div3A_192, %max3A_190 : vector<1024x1xf32>
    %mul3A_194 = arith.mulf %get3A_182, %get3A_182 : vector<5x768xf32>
    %reduce_sum3A_195 = arith.constant dense<0.000000e+00> : vector<5xf32>
    %reduce_sum3A_196 = vector.multi_reduction <add>, %mul3A_194, %reduce_sum3A_195 [1] : vector<5x768xf32> to vector<5xf32>
    %broadcast_in_dim3A_197 = vector.shape_cast %reduce_sum3A_196 : vector<5xf32> to vector<5x1xf32>
    %sqrt3A_198 = math.sqrt %broadcast_in_dim3A_197 : vector<5x1xf32>
    %max3A_199 = arith.constant 9.99999996E-13 : f32
    %max3A_200 = vector.broadcast %max3A_199 : f32 to vector<5x1xf32>
    %max3A_201 = arith.maximumf %sqrt3A_198, %max3A_200 : vector<5x1xf32>
    %div3A_202 = arith.constant 1.000000e+00 : f32
    %div3A_203 = vector.broadcast %div3A_202 : f32 to vector<5x1xf32>
    %div3A_204 = arith.divf %div3A_203, %max3A_201 : vector<5x1xf32>
    %mul3A_205 = vector.broadcast %div3A_193 : vector<1024x1xf32> to vector<1024x768xf32>
    %mul3A_206 = arith.mulf %reshape3A_177, %mul3A_205 : vector<1024x768xf32>
    %convert_element_type3A_207 = arith.truncf %mul3A_206 : vector<1024x768xf32> to vector<1024x768xbf16>
    %mul3A_208 = vector.broadcast %div3A_204 : vector<5x1xf32> to vector<5x768xf32>
    %mul3A_209 = arith.mulf %get3A_182, %mul3A_208 : vector<5x768xf32>
    %convert_element_type3A_210 = arith.truncf %mul3A_209 : vector<5x768xf32> to vector<5x768xbf16>
    %dot_general3A_211 = arith.constant dense<0.000000e+00> : vector<1024x5xf32>
    %dot_general3A_212 = tpu.matmul %convert_element_type3A_207, %convert_element_type3A_210, %dot_general3A_211 {dimension_numbers = #tpu.dot_dimension_numbers<[1], [1], [0], [0], [0, 0, 1, 0], [], []>, transpose_lhs_hint = false} : vector<1024x768xbf16>, vector<5x768xbf16>, vector<1024x5xf32> -> vector<1024x5xf32>
    %reduce_max3A_213 = arith.constant dense<0xFF800000> : vector<5xf32>
    %reduce_max3A_214 = vector.multi_reduction <maximumf>, %dot_general3A_212, %reduce_max3A_213 [0] : vector<1024x5xf32> to vector<5xf32>
    %broadcast_in_dim3A_215 = vector.shape_cast %reduce_max3A_214 : vector<5xf32> to vector<1x5xf32>
    %iota3A_216 = tpu.iota {dimensions = array<i32: 0>} : vector<1024x5xi32>
    %eq3A_217 = vector.broadcast %broadcast_in_dim3A_215 : vector<1x5xf32> to vector<1024x5xf32>
    %eq3A_218 = arith.cmpf oeq, %dot_general3A_212, %eq3A_217 : vector<1024x5xf32>
    %jit3A_219 = arith.constant 1024 : i32
    %broadcast_in_dim3A_220 = vector.broadcast %jit3A_219 : i32 to vector<1024x5xi32>
    %select_n3A_221 = arith.select %eq3A_218, %iota3A_216, %broadcast_in_dim3A_220 : vector<1024x5xi1>, vector<1024x5xi32>
    %reduce_min3A_222 = arith.constant dense<2147483647> : vector<5xi32>
    %reduce_min3A_223 = vector.multi_reduction <minsi>, %select_n3A_221, %reduce_min3A_222 [0] : vector<1024x5xi32> to vector<5xi32>
    %broadcast_in_dim3A_224 = vector.shape_cast %reduce_min3A_223 : vector<5xi32> to vector<1x5xi32>
    %broadcast_in_dim3A_225 = arith.constant 0 : i32
    %broadcast_in_dim3A_226 = vector.broadcast %broadcast_in_dim3A_225 : i32 to vector<1x3xi32>
    %concatenate3A_227 = tpu.concatenate %broadcast_in_dim3A_224, %broadcast_in_dim3A_226 in 1 : vector<1x5xi32>, vector<1x3xi32> -> vector<1x8xi32>
    %swap3A_228 = arith.constant 3 : index
    %swap3A_229 = arith.constant 0 : index
    %swap3A_230 = arith.constant 0 : index
    %swap3A_231 = vector.load %arg3[%swap3A_228, %swap3A_229, %swap3A_230] : memref<4x1x8xi32, #tpu.memory_space<vmem>>, vector<1x1x8xi32>
    %swap3A_232 = vector.shape_cast %swap3A_231 : vector<1x1x8xi32> to vector<1x8xi32>
    %swap3A_233 = vector.shape_cast %concatenate3A_227 : vector<1x8xi32> to vector<1x1x8xi32>
    tpu.vector_store %arg3[%swap3A_228, %swap3A_229, %swap3A_230], %swap3A_233 {strides = array<i32>} : memref<4x1x8xi32, #tpu.memory_space<vmem>>, vector<1x1x8xi32>,
    return
  }
  func.func @transform_0(%arg0: i32) -> (i32, i32, i32) {
    %c0_i32 = arith.constant 0 : i32
    %c0_i32_0 = arith.constant 0 : i32
    %c0_i32_1 = arith.constant 0 : i32
    return %arg0, %c0_i32, %c0_i32_0 : i32, i32, i32
  }
  func.func @transform_1(%arg0: i32) -> (i32, i32, i32, i32) {
    %c0_i32 = arith.constant 0 : i32
    %c0_i32_0 = arith.constant 0 : i32
    %c0_i32_1 = arith.constant 0 : i32
    %c0_i32_2 = arith.constant 0 : i32
    return %arg0, %c0_i32, %c0_i32_0, %c0_i32_1 : i32, i32, i32, i32
  }
  func.func @transform_2(%arg0: i32) -> (i32, i32, i32) {
    %c0_i32 = arith.constant 0 : i32
    %c0_i32_0 = arith.constant 0 : i32
    %c0_i32_1 = arith.constant 0 : i32
    return %arg0, %c0_i32, %c0_i32_0 : i32, i32, i32
  }
}

</mosaic_0001>

<sc_bundles>
// kernel: kernel.4.cloned.1.call-start
scs
__scs_entry_jumppad:
0x0: {  	(pc) =	sbr.rel $0x88, $3  }
0x1: {  	(tag) =	ssettag $0x0;
	lr =	simm.s32 $0x1  }
0x2: {  	[smem:$0x3F9F] =	sst lr;
	_ =	strace $0xD0000000  }
0x3: {  	_ = 	snop  }
0x4: {  	_ = 	snop  }
0x5: {  	_ = 	snop  }
0x6: {  	_ = 	snop  }
0x7: {  	_ = 	snop  }
__scs_overlays_trampoline_lowered:
0x8: {  	[smem:$0x3FAE] =	sst s0  }
0x9: {  	[smem:$0x3FAF] =	sst s1  }
0xa: {  	[smem:$0x3FB0] =	sst s2  }
0xb: {  	[smem:$0x3FB1] =	sst s3  }
0xc: {  	[smem:$0x3FB2] =	sst s4  }
0xd: {  	[smem:$0x3FB3] =	sst s5  }
0xe: {  	[smem:$0x3FB4] =	sst s6  }
0xf: {  	[smem:$0x3FB5] =	sst s7  }
0x10: {  	[smem:$0x3FB6] =	sst s8  }
0x11: {  	[smem:$0x3FB7] =	sst s9;
	s0 =	simm.s32 @!p0 $0x0  }
0x12: {  	s1 =	sld [smem:$0x3F9D];
	s0 =	simm.s32 @p0 $0x1  }
0x13: {  	[smem:$0x3FB8] =	sst s0;
	s0 =	simm.s32 @!p1 $0x0  }
0x14: {  	s2 =	sld [smem:$0x3F9C];
	s0 =	simm.s32 @p1 $0x1  }
0x15: {  	[smem:$0x3FB9] =	sst s0;
	s0 =	simm.s32 @!p2 $0x0  }
0x16: {  	s3 =	sld [smem:$0x3FDB];
	s0 =	simm.s32 @p2 $0x1  }
0x17: {  	s4 =	simm.s32 $0x1BF5;
	[smem:$0x3FBB] =	sst s0  }
0x18: {  	s0 =	sld [smem:$0x3F9E];
	_ =	swait.ge [sflag:s4], $0x0  }
0x19: {  	s7 =	sld [smem:$0x3F9F]  }
0x1a: {  	s8 =	sadd.s32 $0xFFFFE003, lr  }
0x1b: {  	s9 =	sadd.s32 $0xFFFFFEF7, lr;
	s5 =	simm.s32 $0xFFFFFFFF;
	p2 =	slt.u32 s8, $0xFFFFF086  }
0x1c: {  	p1 =	slt.u32 s9, $0xF7A;
	s5 =	simm.s32 @!p2 $0x0  }
0x1d: {  	s5 =	simm.s32 @p1 $0x1;
	p0 =	seq.s32 s7, s2  }
0x1e: {  	s7 =	smul.u32 @!p0 $0xF7A, s2;
	p2 =	seq.s32 @!p0 s5, $0x0  }
0x1f: {  	s9 =	smul.u32 $0xF7A, s1;
	s8 =	simm.s32 @!p0 $0x1BF5;
	p2 =	por !p2, p0  }
0x20: {  	[sflag:s8] =	ssyncset.s32 @!p0 $0xFFFFF086;
	s6 =	sadd.s32 @!p0 s3, s7;
	s7 =	simm.s32 @!p0 $0x108  }
0x21: {  	s3 =	sadd.s32 s3, s9;
	s6 =	sadd.s32 @!p0 $0x88, s6;
	s7 =	simm.s32 @p2 $0x1082  }
0x22: {  	[simem:s7], [sflag:s8] =	dma.local @!p0 [hbm:s6], $0xF7A  }
0x23: {  	s9 =	sor.u32 $0xD0000000, s2;
	s6 =	simm.s32 $0x108;
	_ =	swait.ge @!p0 [sflag:s8], $0x0  }
0x24: {  	s3 =	sadd.s32 $0x88, s3;
	s6 =	simm.s32 @!p1 $0x1082;
	[sflag:s4] =	ssyncset.s32 $0xFFFFF086  }
0x25: {  	[simem:s6], [sflag:s4] =	dma.local [hbm:s3], $0xF7A  }
0x26: {  	[smem:$0x3F9F] =	sst s1;
	(tag) =	ssettag s2;
	_ =	strace s9  }
0x27: {  	s1 =	sld [smem:$0x3FAF]  }
0x28: {  	s2 =	sld [smem:$0x3FB0]  }
0x29: {  	s4 =	sld [smem:$0x3FB2]  }
0x2a: {  	p0 =	seq.s32 s5, $0x0;
	s5 =	sld [smem:$0x3FB3]  }
0x2b: {  	s6 =	sld [smem:$0x3FB4]  }
0x2c: {  	s7 =	sld [smem:$0x3FB5]  }
0x2d: {  	s3 =	simm.s32 $0x108;
	s8 =	sld [smem:$0x3FB6]  }
0x2e: {  	s3 =	simm.s32 @!p0 $0x1082;
	s9 =	sld [smem:$0x3FB7]  }
0x2f: {  	lr =	sadd.s32 s0, s3;
	s0 =	sld [smem:$0x3FAE]  }
0x30: {  	s3 =	sld [smem:$0x3FB1]  }
0x31: {  	[smem:$0x3FBA] =	sst s10  }
0x32: {  	s10 =	sld [smem:$0x3FB8];
	_ =	sdelay $0x3  }
0x33: {  	p0 =	seq.s32 s10, $0x1;
	s10 =	sld [smem:$0x3FBA];
	_ =	sdelay $0x3  }
0x34: {  	[smem:$0x3FBA] =	sst s10  }
0x35: {  	s10 =	sld [smem:$0x3FB9];
	_ =	sdelay $0x3  }
0x36: {  	p1 =	seq.s32 s10, $0x1;
	s10 =	sld [smem:$0x3FBA];
	_ =	sdelay $0x3  }
0x37: {  	[smem:$0x3FBA] =	sst s10  }
0x38: {  	s10 =	sld [smem:$0x3FBB]  }
0x39: {  	_ = 	snop;
	(pc) =	sbr.ind lr, $3  }
0x3a: {  	_ = 	snop  }
0x3b: {  	_ = 	snop  }
0x3c: {  	p2 =	seq.s32 s10, $0x1;
	s10 =	sld [smem:$0x3FBA]  }
0x3d: {  	_ =	shalt  }
0x3e: {  	_ =	shalt  }
0x3f: {  	_ =	shalt  }
0x40: {  	_ =	shalt  }
0x41: {  	_ =	shalt  }
0x42: {  	_ =	shalt  }
0x43: {  	_ =	shalt  }
0x44: {  	_ =	shalt  }
0x45: {  	_ =	shalt  }
0x46: {  	_ =	shalt  }
0x47: {  	_ =	shalt  }
0x48: {  	_ =	shalt  }
0x49: {  	_ =	shalt  }
0x4a: {  	_ =	shalt  }
0x4b: {  	_ =	shalt  }
0x4c: {  	_ =	shalt  }
0x4d: {  	_ =	shalt  }
0x4e: {  	_ =	shalt  }
0x4f: {  	_ =	shalt  }
0x50: {  	_ =	shalt  }
0x51: {  	_ =	shalt  }
0x52: {  	_ =	shalt  }
0x53: {  	_ =	shalt  }
0x54: {  	_ =	shalt  }
0x55: {  	_ =	shalt  }
0x56: {  	_ =	shalt  }
0x57: {  	_ =	shalt  }
0x58: {  	_ =	shalt  }
0x59: {  	_ =	shalt  }
0x5a: {  	_ =	shalt  }
0x5b: {  	_ =	shalt  }
0x5c: {  	_ =	shalt  }
0x5d: {  	_ =	shalt  }
0x5e: {  	_ =	shalt  }
0x5f: {  	_ =	shalt  }
0x60: {  	_ =	shalt  }
0x61: {  	_ =	shalt  }
0x62: {  	_ =	shalt  }
0x63: {  	_ =	shalt  }
0x64: {  	_ =	shalt  }
0x65: {  	_ =	shalt  }
0x66: {  	_ =	shalt  }
0x67: {  	_ =	shalt  }
0x68: {  	_ =	shalt  }
0x69: {  	_ =	shalt  }
0x6a: {  	_ =	shalt  }
0x6b: {  	_ =	shalt  }
0x6c: {  	_ =	shalt  }
0x6d: {  	_ =	shalt  }
0x6e: {  	_ =	shalt  }
0x6f: {  	_ =	shalt  }
0x70: {  	_ =	shalt  }
0x71: {  	_ =	shalt  }
0x72: {  	_ =	shalt  }
0x73: {  	_ =	shalt  }
0x74: {  	_ =	shalt  }
0x75: {  	_ =	shalt  }
0x76: {  	_ =	shalt  }
0x77: {  	_ =	shalt  }
0x78: {  	_ =	shalt  }
0x79: {  	_ =	shalt  }
0x7a: {  	_ =	shalt  }
0x7b: {  	_ =	shalt  }
0x7c: {  	_ =	shalt  }
0x7d: {  	_ =	shalt  }
0x7e: {  	_ =	shalt  }
0x7f: {  	_ =	shalt  }
0x80: {  	_ =	shalt  }
0x81: {  	_ =	shalt  }
0x82: {  	_ =	shalt  }
0x83: {  	_ =	shalt  }
0x84: {  	_ =	shalt  }
0x85: {  	_ =	shalt  }
0x86: {  	_ =	shalt  }
0x87: {  	_ =	shalt  }
.Lfunc_end0:
.L_simem_size_0:
called_computation_lowered:
.L_overlay_start_0:
0x88: {  	s2 =	sld [smem:$0x3FD9]  }
0x89: {  	s3 =	sld [smem:$0x3FFE];
	_ =	sdelay $0x1  }
0x8a: {  	s1 =	srdreg.scid  }
0x8b: {  	s0 =	sand.u32 $0x1, s1  }
0x8c: {  	s17 =	sshll.u32 s0, $0xA;
	s2 =	sadd.s32 s3, s2  }
0x8d: {  	s2 =	sadd.s32 s2, s17  }
0x8e: {  	[smem:$0x3FC6] =	sst s2  }
0x8f: {  	_ = 	snop  }
0x90: {  	s2 =	sld [smem:$0x3FC8]  }
0x91: {  	s18 =	sld [smem:$0x3FD0];
	(tm) =	ssettm $0x1  }
0x92: {  	s4 =	sld [smem:$0x3FFB];
	_ =	sdelay $0x3  }
0x93: {  	_ =	strace s4  }
0x94: {  	s4 =	sld [smem:$0x3FFC];
	_ =	sdelay $0x3  }
0x95: {  	_ =	strace s4  }
0x96: {  	s4 =	sld [smem:$0x3FFD];
	_ =	sdelay $0x3  }
0x97: {  	_ =	strace s4  }
0x98: {  	_ =	strace $0x8FFFFFFF  }
0x99: {  	s19 =	sld [smem:$0x3FDB];
	_ =	sdelay $0x1  }
0x9a: {  	s5 =	simm.s32 $_scs_section_size  }
0x9b: {  	s6 =	simm.s32 $_size__tile_overlayer_lowered;
	s7 =	simm.s32 $_tile_overlayer_lowered  }
0x9c: {  	s22 =	simm.s32 $0x1BFF;
	s21 =	sshll.u32 s7, $0x1;
	s4 =	sadd.s32 s5, s19  }
0x9d: {  	s8 =	simm.s32 $0x0;
	s20 =	sshll.u32 s6, $0x1;
	s6 =	sadd.s32 s21, s4  }
0x9e: {  	[timem:s8], [sflag:s22] =	dma.local [hbm:s6], s20  }
0x9f: {  	_ =	swait.ge [sflag:s22], s20  }
0xa0: {  	s5 =	ssub.s32 $0x0, s20;
	[sflag:s22] =	ssyncset.done $0x0  }
0xa1: {  	[sflag:s22] =	ssyncadd.s32 s5;
	_ =	sdelay $0x1  }
0xa2: {  	s23 =	simm.s32 $0x1B8B  }
0xa3: {  	_ =	swait.ge [sflag:s23], $0x1  }
0xa4: {  	[sflag:s23] =	ssyncset.done $0x0  }
0xa5: {  	s25 =	simm.s32 $0x1B8E;
	s24 =	sld [smem:$0x3FFE];
	[sflag:s23] =	ssyncadd.s32 $0xFFFFFFFF  }
0xa6: {  	s26 =	simm.s32 $execute0_lowered;
	[smem:$0x3FD2] =	sst s25  }
0xa7: {  	s6 =	sshll.u32 s26, $0x1;
	_ =	strace $0x80000046;
	[dreg:$0x1] =	wrdreg $0xFFFFFFFF  }
0xa8: {  	s28 =	simm.s32 $_size_execute0_lowered;
	s4 =	sadd.s32 s4, s6;
	[dreg:$0x0] =	wrdreg $0x0  }
0xa9: {  	s6 =	sshll.u32 s28, $0x1;
	[dreg:$0x2] =	wrdreg s4  }
0xaa: {  	[dreg:$0x3] =	wrdreg s6  }
0xab: {  	[dreg:$0x4] =	wrdreg $0xC0  }
0xac: {  	_ =	task [dreg:s8], $0x5FFFF  }
0xad: {  	[dreg:$0x1] =	wrdreg $0xFFFFFFFF  }
0xae: {  	[dreg:$0x0] =	wrdreg $0x60  }
0xaf: {  	[dreg:$0x2] =	wrdreg s18  }
0xb0: {  	[dreg:$0x3] =	wrdreg s24  }
0xb1: {  	[dreg:$0x4] =	wrdreg s2  }
0xb2: {  	[dreg:$0x5] =	wrdreg $0x9  }
0xb3: {  	_ =	task.clear_ibuf [dreg:s8], $0x6FFFF;
	_ =	strace $0x90000046  }
0xb4: {  	s29 =	simm.s32 $0x9;
	_ =	strace $0x80000048  }
0xb5: {  	_ =	swait.ge [sflag:s29], $0x1  }
0xb6: {  	[sflag:s29] =	ssyncadd.s32 $0xFFFFFFFF  }
0xb7: {  	_ =	strace $0x90000048  }
0xb8: {  	_ =	sfence  }
0xb9: {  	s30 =	sld [smem:$0x0];
	_ =	sdelay $0x2  }
0xba: {  	s31 =	sshll.u32 s1, $0xD;
	s1 =	sshrl.u32 s1, $0x2  }
0xbb: {  	s3 =	sand.u32 $0x4000, s31;
	s1 =	sadd.s32 s1, s30  }
0xbc: {  	s0 =	sor.u32 s3, s0;
	s1 =	sshll.u32 s1, $0x11  }
0xbd: {  	s0 =	sor.u32 s1, s0  }
0xbe: {  	s0 =	sadd.s32 $0x8F2B, s0  }
0xbf: {  	[sflag:s0] =	ssyncadd.remote.s32 $0x1  }
0xc0: {  	_ =	sfence.sel $0xFFFF  }
0xc1: {  	[dreg:$0x0] =	wrdreg $0xFFFFFFFF;
	(pc) =	sbr.abs _section_cstart, $3  }
0xc2: {  	[dreg:$0x1] =	wrdreg $0xFFFFFFFF  }
0xc3: {  	_ =	task.clear_ibuf [dreg:s8], $0x2FFFF;
	_ =	strace $0x9FFFFFFF  }
0xc4: {  	(tm) =	ssettm $0x7FFFFFFF  }
0xc5: {  	_ =	shalt  }
tec
execute0_lowered:
.L_overlay_start_1:
0x0: {  	(tag) =	ssettag $0x1  }
0x1: {  	s0 =	rddreg [dreg:$0x0]  }
0x2: {  	s1 =	srdreg.scid;
	s2 =	rddreg [dreg:$0x1]  }
0x3: {  	s3 =	stileid.u32;
	s9 =	rddreg [dreg:$0x2]  }
0x4: {  	s1 =	sand.u32 $0x1, s1;
	s3 =	sshll.u32 s3, $0x1;
	s25 =	sadd.s32 $0x100, s9  }
0x5: {  	s26 =	sadd.s32 $0x200, s9;
	s4 =	sor.u32 s1, s3;
	s3 =	simm.s32 $0x0  }
0x6: {  	s1 =	ssub.s32 $0x2, s1;
	s5 =	smul.u32 $0x600, s4;
	[smem:$0x7FF] =	sst s3  }
0x7: {  	s7 =	sshrl.u32 s1, $0x1;
	s8 =	sshll.u32 s4, $0x4;
	s4 =	smul.u32 $0x3000, s4  }
0x8: {  	_ =	strace $0x80000047;
	s1 =	ssub.s32 s1, s7;
	[dreg:$0x6] =	wrdreg s25  }
0x9: {  	s0 =	sadd.s32 s0, s8;
	[dreg:$0x7] =	wrdreg s26;
	s6 =	sadd.s32 s5, s2  }
0xa: {  	s2 =	sadd.s32 $0xCA00, s2;
	[dreg:$0x5] =	wrdreg s0;
	s31 =	smax.u32 s1, $0x1  }
0xb: {  	s28 =	sshrl.u32 s4, $0x3;
	s29 =	sadd.s32 $0xA00, s6;
	[dreg:$0xb] =	wrdreg s31  }
0xc: {  	v2 =	vlaneseq.u32;
	s30 =	sadd.s32 s2, s5;
	s0 =	sadd.s32 s2, s28;
	[dreg:$0x8] =	wrdreg s29  }
0xd: {  	vm0 =	vmmov $0xffff;
	v1 =	vshrl.u32 v2, $0x3;
	[dreg:$0x9] =	wrdreg s30;
	s0 =	sadd.s32 $0x300, s0  }
0xe: {  	v0 =	vand.u32 $0x7, v2;
	v2 =	vor.u32 $0x8, v2;
	v1 =	vmul.u32 $0x8, v1;
	s4 =	simm.s32 $0x3;
	s1 =	simm.s32 $0x0;
	[dreg:$0xa] =	wrdreg s0  }
.LBB2_1:
0xf: {  	[dreg:$0xc] =	wrdreg s1  }
0x10: {  	s0 =	rddreg [dreg:$0x5]  }
0x11: {  	[tilespmem:s3], [sflag:$0x3] =	stream.linear.gather [hbm4b:s0+s3], $0x80, $0x38;
	[tilespmem:$0x18080] =	vst v63  }
0x12: {  	_ =	swait.ge [sflag:s4], $0x80  }
0x13: {  	[sflag:s4] =	ssyncset.done $0x0  }
0x14: {  	[sflag:s4] =	ssyncadd.s32 $0xFFFFFF80  }
0x15: {  	v3 =	vld [tilespmem:$0x0];
	_ =	sdelay $0x4  }
0x16: {  	v4 =	vshrl.u32 v3, $0x3  }
0x17: {  	v4 =	vmul.u32 $0x30, v4  }
0x18: {  	v3 =	vand.u32 $0x7, v3  }
0x19: {  	v3 =	vor.u32 v3, v4  }
0x1a: {  	v4 =	vperm.xlane v3, v0;
	_ =	sdelay $0x1  }
0x1b: {  	v4 =	vadd.s32 v1, v4;
	_ =	sdelay $0x3  }
0x1c: {  	s13 =	simm.s32 $0x80;
	s0 =	rddreg [dreg:$0x2];
	v3 =	vperm.xlane v3, v2  }
0x1d: {  	[tilespmem:s13], [sflag:$0x1] =	stream.indirect_vreg.gather [hbm4b:s0+s3], $0x80, v4, vm0, $0xb8;
	[tilespmem:$0x18080] =	vst v63  }
0x1e: {  	s2 =	simm.s32 $0x880;
	s1 =	rddreg [dreg:$0x6];
	v3 =	vadd.s32 v1, v3  }
0x1f: {  	[tilespmem:s2], [sflag:$0x1] =	stream.indirect_vreg.gather [hbm4b:s1+s3], $0x80, v4, vm0, $0xb8;
	[tilespmem:$0x18080] =	vst v63  }
0x20: {  	s5 =	simm.s32 $0x1080;
	s2 =	rddreg [dreg:$0x7]  }
0x21: {  	[tilespmem:s5], [sflag:$0x1] =	stream.indirect_vreg.gather [hbm4b:s2+s3], $0x80, v4, vm0, $0xb8;
	[tilespmem:$0x18080] =	vst v63  }
0x22: {  	s14 =	simm.s32 $0x1880  }
0x23: {  	[tilespmem:s14], [sflag:$0x1] =	stream.indirect_vreg.gather [hbm4b:s0+s3], $0x80, v3, vm0, $0xb8;
	[tilespmem:$0x18080] =	vst v63  }
0x24: {  	s15 =	simm.s32 $0x2080  }
0x25: {  	[tilespmem:s15], [sflag:$0x1] =	stream.indirect_vreg.gather [hbm4b:s1+s3], $0x80, v3, vm0, $0xb8;
	[tilespmem:$0x18080] =	vst v63  }
0x26: {  	s16 =	simm.s32 $0x2880  }
0x27: {  	[tilespmem:s16], [sflag:$0x1] =	stream.indirect_vreg.gather [hbm4b:s2+s3], $0x80, v3, vm0, $0xb8;
	[tilespmem:$0x18080] =	vst v63  }
0x28: {  	v3 =	vld [tilespmem:$0x10];
	_ =	sdelay $0x4  }
0x29: {  	v4 =	vshrl.u32 v3, $0x3  }
0x2a: {  	v4 =	vmul.u32 $0x30, v4  }
0x2b: {  	v3 =	vand.u32 $0x7, v3  }
0x2c: {  	v3 =	vor.u32 v3, v4  }
0x2d: {  	v4 =	vperm.xlane v3, v0;
	_ =	sdelay $0x1  }
0x2e: {  	v4 =	vadd.s32 v1, v4;
	_ =	sdelay $0x3  }
0x2f: {  	s17 =	simm.s32 $0x3080;
	v3 =	vperm.xlane v3, v2  }
0x30: {  	[tilespmem:s17], [sflag:$0x1] =	stream.indirect_vreg.gather [hbm4b:s0+s3], $0x80, v4, vm0, $0xb8;
	[tilespmem:$0x18080] =	vst v63  }
0x31: {  	s18 =	simm.s32 $0x3880;
	v3 =	vadd.s32 v1, v3  }
0x32: {  	[tilespmem:s18], [sflag:$0x1] =	stream.indirect_vreg.gather [hbm4b:s1+s3], $0x80, v4, vm0, $0xb8;
	[tilespmem:$0x18080] =	vst v63  }
0x33: {  	s19 =	simm.s32 $0x4080  }
0x34: {  	[tilespmem:s19], [sflag:$0x1] =	stream.indirect_vreg.gather [hbm4b:s2+s3], $0x80, v4, vm0, $0xb8;
	[tilespmem:$0x18080] =	vst v63  }
0x35: {  	s20 =	simm.s32 $0x4880  }
0x36: {  	[tilespmem:s20], [sflag:$0x1] =	stream.indirect_vreg.gather [hbm4b:s0+s3], $0x80, v3, vm0, $0xb8;
	[tilespmem:$0x18080] =	vst v63  }
0x37: {  	s21 =	simm.s32 $0x5080  }
0x38: {  	[tilespmem:s21], [sflag:$0x1] =	stream.indirect_vreg.gather [hbm4b:s1+s3], $0x80, v3, vm0, $0xb8;
	[tilespmem:$0x18080] =	vst v63  }
0x39: {  	s22 =	simm.s32 $0x5880  }
0x3a: {  	[tilespmem:s22], [sflag:$0x1] =	stream.indirect_vreg.gather [hbm4b:s2+s3], $0x80, v3, vm0, $0xb8;
	[tilespmem:$0x18080] =	vst v63  }
0x3b: {  	v3 =	vld [tilespmem:$0x20];
	_ =	sdelay $0x4  }
0x3c: {  	v4 =	vshrl.u32 v3, $0x3  }
0x3d: {  	v4 =	vmul.u32 $0x30, v4  }
0x3e: {  	v3 =	vand.u32 $0x7, v3  }
0x3f: {  	v3 =	vor.u32 v3, v4  }
0x40: {  	v4 =	vperm.xlane v3, v0;
	_ =	sdelay $0x1  }
0x41: {  	v4 =	vadd.s32 v1, v4;
	_ =	sdelay $0x3  }
0x42: {  	s23 =	simm.s32 $0x6080;
	v3 =	vperm.xlane v3, v2  }
0x43: {  	[tilespmem:s23], [sflag:$0x1] =	stream.indirect_vreg.gather [hbm4b:s0+s3], $0x80, v4, vm0, $0xb8;
	[tilespmem:$0x18080] =	vst v63  }
0x44: {  	s24 =	simm.s32 $0x6880;
	v3 =	vadd.s32 v1, v3  }
0x45: {  	[tilespmem:s24], [sflag:$0x1] =	stream.indirect_vreg.gather [hbm4b:s1+s3], $0x80, v4, vm0, $0xb8;
	[tilespmem:$0x18080] =	vst v63  }
0x46: {  	s25 =	simm.s32 $0x7080  }
0x47: {  	[tilespmem:s25], [sflag:$0x1] =	stream.indirect_vreg.gather [hbm4b:s2+s3], $0x80, v4, vm0, $0xb8;
	[tilespmem:$0x18080] =	vst v63  }
0x48: {  	s26 =	simm.s32 $0x7880  }
0x49: {  	[tilespmem:s26], [sflag:$0x1] =	stream.indirect_vreg.gather [hbm4b:s0+s3], $0x80, v3, vm0, $0xb8;
	[tilespmem:$0x18080] =	vst v63  }
0x4a: {  	s29 =	simm.s32 $0x8080  }
0x4b: {  	[tilespmem:s29], [sflag:$0x1] =	stream.indirect_vreg.gather [hbm4b:s1+s3], $0x80, v3, vm0, $0xb8;
	[tilespmem:$0x18080] =	vst v63  }
0x4c: {  	s30 =	simm.s32 $0x8880  }
0x4d: {  	[tilespmem:s30], [sflag:$0x1] =	stream.indirect_vreg.gather [hbm4b:s2+s3], $0x80, v3, vm0, $0xb8;
	[tilespmem:$0x18080] =	vst v63  }
0x4e: {  	v3 =	vld [tilespmem:$0x30];
	_ =	sdelay $0x4  }
0x4f: {  	v4 =	vshrl.u32 v3, $0x3  }
0x50: {  	v4 =	vmul.u32 $0x30, v4  }
0x51: {  	v3 =	vand.u32 $0x7, v3  }
0x52: {  	v3 =	vor.u32 v3, v4  }
0x53: {  	v4 =	vperm.xlane v3, v0;
	_ =	sdelay $0x1  }
0x54: {  	v4 =	vadd.s32 v1, v4;
	_ =	sdelay $0x3  }
0x55: {  	s31 =	simm.s32 $0x9080;
	v3 =	vperm.xlane v3, v2  }
0x56: {  	[tilespmem:s31], [sflag:$0x2] =	stream.indirect_vreg.gather [hbm4b:s0+s3], $0x80, v4, vm0, $0xb8;
	[tilespmem:$0x18080] =	vst v63  }
0x57: {  	s6 =	simm.s32 $0x9880;
	v3 =	vadd.s32 v1, v3  }
0x58: {  	[tilespmem:s6], [sflag:$0x2] =	stream.indirect_vreg.gather [hbm4b:s1+s3], $0x80, v4, vm0, $0xb8;
	[tilespmem:$0x18080] =	vst v63  }
0x59: {  	s7 =	simm.s32 $0xA080  }
0x5a: {  	[tilespmem:s7], [sflag:$0x2] =	stream.indirect_vreg.gather [hbm4b:s2+s3], $0x80, v4, vm0, $0xb8;
	[tilespmem:$0x18080] =	vst v63  }
0x5b: {  	s8 =	simm.s32 $0xA880  }
0x5c: {  	[tilespmem:s8], [sflag:$0x2] =	stream.indirect_vreg.gather [hbm4b:s0+s3], $0x80, v3, vm0, $0xb8;
	[tilespmem:$0x18080] =	vst v63  }
0x5d: {  	s9 =	simm.s32 $0xB080  }
0x5e: {  	[tilespmem:s9], [sflag:$0x2] =	stream.indirect_vreg.gather [hbm4b:s1+s3], $0x80, v3, vm0, $0xb8;
	[tilespmem:$0x18080] =	vst v63  }
0x5f: {  	s10 =	simm.s32 $0xB880  }
0x60: {  	[tilespmem:s10], [sflag:$0x2] =	stream.indirect_vreg.gather [hbm4b:s2+s3], $0x80, v3, vm0, $0xb8;
	[tilespmem:$0x18080] =	vst v63  }
0x61: {  	v3 =	vld [tilespmem:$0x40];
	_ =	sdelay $0x4  }
0x62: {  	v4 =	vshrl.u32 v3, $0x3  }
0x63: {  	v4 =	vmul.u32 $0x30, v4  }
0x64: {  	v3 =	vand.u32 $0x7, v3  }
0x65: {  	v3 =	vor.u32 v3, v4  }
0x66: {  	v4 =	vperm.xlane v3, v0;
	_ =	sdelay $0x1  }
0x67: {  	v4 =	vadd.s32 v1, v4;
	_ =	sdelay $0x3  }
0x68: {  	s11 =	simm.s32 $0xC080;
	v3 =	vperm.xlane v3, v2  }
0x69: {  	[tilespmem:s11], [sflag:$0x2] =	stream.indirect_vreg.gather [hbm4b:s0+s3], $0x80, v4, vm0, $0xb8;
	[tilespmem:$0x18080] =	vst v63  }
0x6a: {  	s12 =	simm.s32 $0xC880;
	v3 =	vadd.s32 v1, v3  }
0x6b: {  	[tilespmem:s12], [sflag:$0x2] =	stream.indirect_vreg.gather [hbm4b:s1+s3], $0x80, v4, vm0, $0xb8;
	[tilespmem:$0x18080] =	vst v63  }
0x6c: {  	s13 =	simm.s32 $0xD080  }
0x6d: {  	[tilespmem:s13], [sflag:$0x2] =	stream.indirect_vreg.gather [hbm4b:s2+s3], $0x80, v4, vm0, $0xb8;
	[tilespmem:$0x18080] =	vst v63  }
0x6e: {  	s14 =	simm.s32 $0xD880  }
0x6f: {  	[tilespmem:s14], [sflag:$0x2] =	stream.indirect_vreg.gather [hbm4b:s0+s3], $0x80, v3, vm0, $0xb8;
	[tilespmem:$0x18080] =	vst v63  }
0x70: {  	s15 =	simm.s32 $0xE080  }
0x71: {  	[tilespmem:s15], [sflag:$0x2] =	stream.indirect_vreg.gather [hbm4b:s1+s3], $0x80, v3, vm0, $0xb8;
	[tilespmem:$0x18080] =	vst v63  }
0x72: {  	s16 =	simm.s32 $0xE880  }
0x73: {  	[tilespmem:s16], [sflag:$0x2] =	stream.indirect_vreg.gather [hbm4b:s2+s3], $0x80, v3, vm0, $0xb8;
	[tilespmem:$0x18080] =	vst v63  }
0x74: {  	v3 =	vld [tilespmem:$0x50];
	_ =	sdelay $0x4  }
0x75: {  	v4 =	vshrl.u32 v3, $0x3  }
0x76: {  	v4 =	vmul.u32 $0x30, v4  }
0x77: {  	v3 =	vand.u32 $0x7, v3  }
0x78: {  	v3 =	vor.u32 v3, v4  }
0x79: {  	v4 =	vperm.xlane v3, v0;
	_ =	sdelay $0x1  }
0x7a: {  	v4 =	vadd.s32 v1, v4;
	_ =	sdelay $0x3  }
0x7b: {  	s17 =	simm.s32 $0xF080;
	v3 =	vperm.xlane v3, v2  }
0x7c: {  	[tilespmem:s17], [sflag:$0x2] =	stream.indirect_vreg.gather [hbm4b:s0+s3], $0x80, v4, vm0, $0xb8;
	[tilespmem:$0x18080] =	vst v63  }
0x7d: {  	s18 =	simm.s32 $0xF880;
	v3 =	vadd.s32 v1, v3  }
0x7e: {  	[tilespmem:s18], [sflag:$0x2] =	stream.indirect_vreg.gather [hbm4b:s1+s3], $0x80, v4, vm0, $0xb8;
	[tilespmem:$0x18080] =	vst v63  }
0x7f: {  	s19 =	simm.s32 $0x10080  }
0x80: {  	[tilespmem:s19], [sflag:$0x2] =	stream.indirect_vreg.gather [hbm4b:s2+s3], $0x80, v4, vm0, $0xb8;
	[tilespmem:$0x18080] =	vst v63  }
0x81: {  	s20 =	simm.s32 $0x10880  }
0x82: {  	[tilespmem:s20], [sflag:$0x2] =	stream.indirect_vreg.gather [hbm4b:s0+s3], $0x80, v3, vm0, $0xb8;
	[tilespmem:$0x18080] =	vst v63  }
0x83: {  	s21 =	simm.s32 $0x11080  }
0x84: {  	[tilespmem:s21], [sflag:$0x2] =	stream.indirect_vreg.gather [hbm4b:s1+s3], $0x80, v3, vm0, $0xb8;
	[tilespmem:$0x18080] =	vst v63  }
0x85: {  	s22 =	simm.s32 $0x11880  }
0x86: {  	[tilespmem:s22], [sflag:$0x2] =	stream.indirect_vreg.gather [hbm4b:s2+s3], $0x80, v3, vm0, $0xb8;
	[tilespmem:$0x18080] =	vst v63  }
0x87: {  	s23 =	rddreg [dreg:$0x8];
	s24 =	simm.s32 $0x12080  }
0x88: {  	[tilespmem:s24], [sflag:$0x3] =	stream.linear.gather [hbm4b:s23+s3], $0x3000, $0x38;
	[tilespmem:$0x18080] =	vst v63  }
0x89: {  	_ =	swait.ge [sflag:s4], $0x3000  }
0x8a: {  	[sflag:s4] =	ssyncset.done $0x0  }
0x8b: {  	s25 =	simm.s32 $0x1;
	[sflag:s4] =	ssyncadd.s32 $0xFFFFD000  }
0x8c: {  	_ =	swait.ge [sflag:s25], $0x9000  }
0x8d: {  	[sflag:s25] =	ssyncset.done $0x0  }
0x8e: {  	[sflag:s25] =	ssyncadd.s32 $0xFFFF7000  }
0x8f: {  	v5 =	vld [tilespmem:$0x12080]  }
0x90: {  	v7 =	vld [tilespmem:$0x12100]  }
0x91: {  	v8 =	vld [tilespmem:$0x12180]  }
0x92: {  	v9 =	vld [tilespmem:$0x12200]  }
0x93: {  	v10 =	vld [tilespmem:$0x12280]  }
0x94: {  	v11 =	vld [tilespmem:$0x12300]  }
0x95: {  	s15 =	sand.u32 $0x40, s3;
	v6 =	vld [tilespmem:$0x12380]  }
0x96: {  	s26 =	sand.u32 $0x1C00, s3;
	s29 =	sor.u32 $0x30, s15;
	v4 =	vld [tilespmem:$0x12400]  }
0x97: {  	s30 =	sor.u32 $0x80, s26;
	s16 =	sor.u32 s26, s29;
	v3 =	vld [tilespmem:$0x12480]  }
0x98: {  	p0 =	por $0x0, $0x0;
	s31 =	sor.u32 s29, s30;
	s2 =	simm.s32 $0x1;
	v12 =	vld [tilespmem:s16+$0x80]  }
0x99: {  	s6 =	sor.u32 s15, s30;
	s2 =	simm.s32 @!p0 $0x0;
	v13 =	vld [tilespmem:s31+$0x80]  }
0x9a: {  	s17 =	sor.u32 $0x10, s15;
	s2 =	sshll.u32 s2, $0x6;
	v14 =	vld [tilespmem:s6+$0x80]  }
0x9b: {  	s28 =	sor.u32 s26, s17;
	s2 =	sadd.s32 $0x0, s2;
	v15 =	vld [tilespmem:s31+$0x100]  }
0x9c: {  	s7 =	sadd.s32 $0x30, s2;
	v16 =	vld [tilespmem:s28+$0x80]  }
0x9d: {  	s8 =	sor.u32 $0x200, s7;
	v17 =	vld [tilespmem:s31+$0x180]  }
0x9e: {  	s9 =	sor.u32 $0x280, s7;
	v18 =	vld [tilespmem:s8+$0x80]  }
0x9f: {  	s10 =	sor.u32 $0x300, s7;
	v19 =	vld [tilespmem:s9+$0x80]  }
0xa0: {  	s11 =	sadd.s32 $0x1880, s26;
	s7 =	sor.u32 $0x380, s7;
	v20 =	vld [tilespmem:s10+$0x80]  }
0xa1: {  	s13 =	sor.u32 $0x20, s15;
	s12 =	sor.u32 s29, s11;
	v21 =	vld [tilespmem:s7+$0x80]  }
0xa2: {  	s14 =	sor.u32 s26, s13;
	s8 =	sor.u32 s17, s30;
	v22 =	vld [tilespmem:s12+$0x0];
	v12 =	vmul.f32 v12, v5;
	v13 =	vmul.f32 v13, v7  }
0xa3: {  	v23 =	vld [tilespmem:s8+$0x80];
	[dreg:$0x4] =	wrdreg s14  }
0xa4: {  	v24 =	vld [tilespmem:s14+$0x80];
	v12 =	vadd.f32 v13, v12;
	v13 =	vmul.f32 v15, v8  }
0xa5: {  	s5 =	sor.u32 s13, s30;
	v25 =	vld [tilespmem:s6+$0x100]  }
0xa6: {  	v26 =	vld [tilespmem:s5+$0x100];
	v12 =	vadd.f32 v13, v12;
	v13 =	vmul.f32 v17, v9  }
0xa7: {  	s14 =	sor.u32 s15, s26;
	v27 =	vld [tilespmem:s8+$0x180]  }
0xa8: {  	v17 =	vld [tilespmem:s14+$0x80];
	v12 =	vadd.f32 v13, v12;
	v13 =	vmul.f32 v18, v10  }
0xa9: {  	s19 =	sadd.s32 $0x20, s2;
	v16 =	vmul.f32 v16, v5;
	v15 =	vld [tilespmem:s5+$0x80]  }
0xaa: {  	s18 =	sadd.s32 $0x10, s2;
	s24 =	sor.u32 $0x280, s19;
	v23 =	vmul.f32 v23, v7;
	v18 =	vld [tilespmem:s8+$0x100];
	v12 =	vadd.f32 v13, v12;
	v13 =	vmul.f32 v19, v11  }
0xab: {  	s20 =	sor.u32 $0x200, s18;
	v61 =	vld [tilespmem:s24+$0x80];
	v14 =	vmul.f32 v14, v7;
	v20 =	vmul.f32 v20, v6  }
0xac: {  	v21 =	vmul.f32 v21, v4;
	v16 =	vadd.f32 v23, v16;
	v23 =	vld [tilespmem:s20+$0x80];
	v12 =	vadd.f32 v13, v12  }
0xad: {  	v22 =	vmul.f32 v22, v3;
	v17 =	vmul.f32 v17, v5;
	v13 =	vld [tilespmem:s5+$0x180]  }
0xae: {  	s21 =	sor.u32 $0x200, s19;
	v24 =	vmul.f32 v24, v5;
	v15 =	vmul.f32 v15, v7;
	v19 =	vld [tilespmem:s6+$0x180];
	v12 =	vadd.f32 v20, v12  }
0xaf: {  	s22 =	sor.u32 $0x200, s2;
	v25 =	vmul.f32 v25, v8;
	v14 =	vadd.f32 v14, v17;
	v18 =	vmul.f32 v18, v8;
	v20 =	vld [tilespmem:s21+$0x80]  }
0xb0: {  	s23 =	sor.u32 $0x280, s18;
	v15 =	vadd.f32 v15, v24;
	v17 =	vld [tilespmem:s22+$0x80];
	v21 =	vadd.f32 v21, v12;
	v12 =	vmul.f32 v26, v8  }
0xb1: {  	s25 =	sor.u32 $0x280, s2;
	v60 =	vld [tilespmem:s23+$0x80];
	v63 =	vmul.f32 v61, v11;
	v25 =	vadd.f32 v25, v14;
	v14 =	vadd.f32 v18, v16  }
0xb2: {  	s26 =	sor.u32 $0x300, s18;
	v16 =	vmul.f32 v27, v9;
	v18 =	vld [tilespmem:s25+$0x80];
	v13 =	vmul.f32 v13, v9;
	v15 =	vadd.f32 v12, v15  }
0xb3: {  	s2 =	sor.u32 $0x300, s2;
	v62 =	vld [tilespmem:s26+$0x80];
	v23 =	vmul.f32 v23, v10;
	v19 =	vmul.f32 v19, v9  }
0xb4: {  	s29 =	sor.u32 $0x300, s19;
	v16 =	vadd.f32 v16, v14;
	v14 =	vld [tilespmem:s2+$0x80];
	v13 =	vadd.f32 v13, v15;
	v15 =	vmul.f32 v20, v10  }
0xb5: {  	s0 =	sor.u32 $0x380, s18;
	v19 =	vadd.f32 v19, v25;
	v12 =	vld [tilespmem:s29+$0x80];
	v22 =	vadd.f32 v22, v21;
	v17 =	vmul.f32 v17, v10  }
0xb6: {  	s30 =	sor.u32 s3, s3;
	s31 =	sor.u32 $0x380, s19;
	s24 =	sor.u32 s15, s11;
	v16 =	vadd.f32 v23, v16;
	v20 =	vmul.f32 v60, v11;
	v23 =	vadd.f32 v15, v13;
	v13 =	vld [tilespmem:s0+$0x80]  }
0xb7: {  	s15 =	simm.s32 $0x0;
	s20 =	sor.u32 s13, s11;
	v19 =	vadd.f32 v17, v19;
	v21 =	vmul.f32 v18, v11;
	s0 =	sor.u32 $0x380, s30;
	v15 =	vld [tilespmem:s31+$0x80]  }
0xb8: {  	s22 =	sor.u32 s17, s11;
	s17 =	simm.s32 $0x0;
	[tilespmem:s16+$0x15080] =	vst v22;
	s16 =	simm.s32 $0x40;
	v18 =	vadd.f32 v20, v16;
	v20 =	vmul.f32 v62, v6;
	v16 =	vld [tilespmem:s0+$0x80];
	v17 =	vadd.f32 v63, v23  }
.LBB2_2:
0xb9: {  	s19 =	sand.u32 $0x40, s16;
	s17 =	sadd.s32 $0x200, s17  }
0xba: {  	v19 =	vadd.f32 v21, v19;
	v21 =	vld [tilespmem:s24+$0x0];
	s24 =	sand.u32 $0x1C00, s17;
	s21 =	sor.u32 $0x30, s19  }
0xbb: {  	v18 =	vadd.f32 v20, v18;
	v20 =	vld [tilespmem:s22+$0x0];
	s18 =	sor.u32 s24, s21;
	v12 =	vmul.f32 v12, v6  }
0xbc: {  	s1 =	sor.u32 $0x80, s24;
	v22 =	vld [tilespmem:s18+$0x80];
	v14 =	vmul.f32 v14, v6  }
0xbd: {  	p0 =	por !p0, !p0;
	s2 =	sor.u32 s21, s1;
	v13 =	vmul.f32 v13, v4;
	v12 =	vadd.f32 v12, v17;
	v17 =	vld [tilespmem:s20+$0x0]  }
0xbe: {  	s4 =	simm.s32 $0x1;
	s22 =	sor.u32 $0x10, s19;
	s23 =	sor.u32 s19, s1;
	v16 =	vmul.f32 v16, v4;
	v14 =	vadd.f32 v14, v19;
	v19 =	vld [tilespmem:s2+$0x80]  }
0xbf: {  	s4 =	simm.s32 @!p0 $0x0;
	s0 =	sor.u32 s24, s22;
	v15 =	vmul.f32 v15, v4;
	v13 =	vadd.f32 v13, v18;
	v18 =	vld [tilespmem:s23+$0x80]  }
0xc0: {  	s4 =	sshll.u32 s4, $0x6;
	s20 =	sor.u32 $0x20, s19;
	v21 =	vmul.f32 v21, v3;
	v14 =	vadd.f32 v16, v14;
	v16 =	vmul.f32 v20, v3;
	v20 =	vld [tilespmem:s0+$0x80]  }
0xc1: {  	s25 =	sor.u32 s22, s1;
	s31 =	sor.u32 s20, s1;
	s1 =	sadd.s32 s4, s17;
	v12 =	vadd.f32 v15, v12;
	v15 =	vld [tilespmem:s2+$0x100]  }
0xc2: {  	v23 =	vld [tilespmem:s2+$0x180];
	s12 =	sadd.s32 $0x30, s1;
	v14 =	vadd.f32 v21, v14;
	v17 =	vmul.f32 v17, v3  }
0xc3: {  	s13 =	sor.u32 $0x200, s12;
	v13 =	vadd.f32 v16, v13;
	v16 =	vld [tilespmem:s25+$0x80];
	v21 =	vmul.f32 v22, v5  }
0xc4: {  	v19 =	vmul.f32 v19, v7;
	[tilespmem:s14+$0x15080] =	vst v14;
	s14 =	sor.u32 $0x280, s12;
	v12 =	vadd.f32 v17, v12;
	v17 =	vmul.f32 v18, v7;
	v18 =	vld [tilespmem:s13+$0x80]  }
0xc5: {  	s5 =	sor.u32 s24, s20;
	[tilespmem:s28+$0x15080] =	vst v13;
	v13 =	vmul.f32 v20, v5;
	v20 =	vld [tilespmem:s14+$0x80];
	s14 =	rddreg [dreg:$0x4]  }
0xc6: {  	v14 =	vld [tilespmem:s5+$0x80];
	v19 =	vadd.f32 v19, v21;
	v15 =	vmul.f32 v15, v8;
	[tilespmem:s14+$0x15080] =	vst v12  }
0xc7: {  	s6 =	sor.u32 s19, s24;
	s14 =	sor.u32 $0x300, s12;
	v12 =	vld [tilespmem:s31+$0x80]  }
0xc8: {  	v15 =	vadd.f32 v15, v19;
	v19 =	vmul.f32 v23, v9;
	v16 =	vmul.f32 v16, v7;
	v21 =	vld [tilespmem:s14+$0x80];
	s14 =	smov.u32 s6  }
0xc9: {  	s6 =	sor.u32 $0x380, s12;
	v22 =	vld [tilespmem:s14+$0x80]  }
0xca: {  	v15 =	vadd.f32 v19, v15;
	v13 =	vadd.f32 v16, v13;
	v16 =	vld [tilespmem:s6+$0x80];
	v18 =	vmul.f32 v18, v10  }
0xcb: {  	s12 =	sadd.s32 $0x1880, s24;
	v19 =	vld [tilespmem:s23+$0x100]  }
0xcc: {  	v23 =	vld [tilespmem:s25+$0x100];
	s21 =	sor.u32 s21, s12;
	v15 =	vadd.f32 v18, v15;
	v18 =	vmul.f32 v20, v11  }
0xcd: {  	v14 =	vmul.f32 v14, v5;
	v20 =	vld [tilespmem:s21+$0x0];
	v12 =	vmul.f32 v12, v7  }
0xce: {  	v15 =	vadd.f32 v18, v15;
	v18 =	vmul.f32 v21, v6;
	v21 =	vmul.f32 v22, v5;
	v22 =	vld [tilespmem:s23+$0x180]  }
0xcf: {  	v12 =	vadd.f32 v12, v14;
	v14 =	vld [tilespmem:s31+$0x100]  }
0xd0: {  	s10 =	sadd.s32 $0x10, s1;
	v16 =	vmul.f32 v16, v4;
	v15 =	vadd.f32 v18, v15;
	v18 =	vmul.f32 v19, v8;
	v19 =	vld [tilespmem:s25+$0x180]  }
0xd1: {  	s3 =	sadd.s32 $0x20, s1;
	s2 =	sor.u32 $0x200, s10;
	v17 =	vadd.f32 v17, v21;
	v21 =	vld [tilespmem:s31+$0x180]  }
0xd2: {  	s30 =	sor.u32 $0x200, s3;
	v15 =	vadd.f32 v16, v15;
	v16 =	vmul.f32 v20, v3;
	v20 =	vld [tilespmem:s2+$0x80]  }
0xd3: {  	s11 =	sor.u32 $0x200, s1;
	v17 =	vadd.f32 v18, v17;
	v18 =	vmul.f32 v23, v8;
	v23 =	vld [tilespmem:s30+$0x80]  }
0xd4: {  	s29 =	sor.u32 $0x280, s10;
	v15 =	vadd.f32 v16, v15;
	v16 =	vmul.f32 v22, v9;
	v22 =	vld [tilespmem:s11+$0x80]  }
0xd5: {  	s8 =	sor.u32 $0x280, s3;
	v14 =	vmul.f32 v14, v8;
	v13 =	vadd.f32 v18, v13;
	v18 =	vmul.f32 v19, v9;
	v19 =	vld [tilespmem:s29+$0x80]  }
0xd6: {  	s9 =	sor.u32 $0x280, s1;
	[tilespmem:s18+$0x15080] =	vst v15;
	v15 =	vadd.f32 v16, v17;
	v16 =	vld [tilespmem:s8+$0x80]  }
0xd7: {  	s15 =	sadd.s32 $0x4, s15;
	s7 =	sor.u32 $0x300, s10;
	v12 =	vadd.f32 v14, v12;
	v14 =	vmul.f32 v21, v9;
	v17 =	vld [tilespmem:s9+$0x80]  }
0xd8: {  	p1 =	slt.u32 s15, $0x2C;
	s13 =	sor.u32 $0x380, s10;
	s10 =	sor.u32 $0x300, s3;
	v13 =	vadd.f32 v18, v13;
	v18 =	vmul.f32 v20, v10;
	v20 =	vld [tilespmem:s7+$0x80]  }
.Ltmp0:
0xd9: {  	s4 =	sor.u32 $0x300, s1;
	v23 =	vmul.f32 v23, v10;
	v21 =	vadd.f32 v14, v12;
	v12 =	vld [tilespmem:s10+$0x80];
	v22 =	vmul.f32 v22, v10;
	(pc) =	sbr.rel @p1 .LBB2_2-.Ltmp0, $4  }
0xda: {  	s26 =	sor.u32 s17, s16;
	v14 =	vld [tilespmem:s4+$0x80];
	v18 =	vadd.f32 v18, v13;
	v24 =	vmul.f32 v19, v11  }
0xdb: {  	s16 =	sadd.s32 $0x40, s16;
	s1 =	sor.u32 $0x380, s3;
	s3 =	smov.u32 s5;
	v13 =	vld [tilespmem:s13+$0x80];
	v23 =	vadd.f32 v23, v21;
	v19 =	vadd.f32 v22, v15;
	v22 =	vmul.f32 v16, v11  }
0xdc: {  	s26 =	sor.u32 $0x380, s26;
	s28 =	smov.u32 s0;
	[dreg:$0x4] =	wrdreg s3;
	v21 =	vmul.f32 v17, v11;
	v15 =	vld [tilespmem:s1+$0x80]  }
0xdd: {  	s24 =	sor.u32 s19, s12;
	s22 =	sor.u32 s22, s12;
	s20 =	sor.u32 s20, s12;
	v16 =	vld [tilespmem:s26+$0x80];
	v18 =	vadd.f32 v24, v18;
	v20 =	vmul.f32 v20, v6;
	v17 =	vadd.f32 v22, v23  }
0xde: {  	_ = 	snop  }
0xdf: {  	v5 =	vld [tilespmem:s24+$0x0]  }
0xe0: {  	v7 =	vadd.f32 v21, v19;
	v9 =	vld [tilespmem:s22+$0x0];
	v8 =	vmul.f32 v14, v6;
	_ =	sdelay $0x1  }
0xe1: {  	v10 =	vld [tilespmem:s20+$0x0];
	v6 =	vmul.f32 v12, v6;
	v7 =	vadd.f32 v8, v7;
	v8 =	vmul.f32 v16, v4  }
0xe2: {  	v11 =	vadd.f32 v20, v18;
	v12 =	vmul.f32 v13, v4  }
0xe3: {  	v6 =	vadd.f32 v6, v17;
	v5 =	vmul.f32 v5, v3;
	v7 =	vadd.f32 v8, v7  }
0xe4: {  	v4 =	vmul.f32 v15, v4;
	v9 =	vmul.f32 v9, v3;
	v8 =	vadd.f32 v12, v11  }
0xe5: {  	v5 =	vadd.f32 v5, v7  }
0xe6: {  	v3 =	vmul.f32 v10, v3;
	v4 =	vadd.f32 v4, v6;
	v6 =	vadd.f32 v9, v8  }
0xe7: {  	[tilespmem:s14+$0x15080] =	vst v5  }
0xe8: {  	v3 =	vadd.f32 v3, v4;
	[tilespmem:s28+$0x15080] =	vst v6  }
0xe9: {  	s0 =	rddreg [dreg:$0x4]  }
0xea: {  	[tilespmem:s0+$0x15080] =	vst v3  }
0xeb: {  	s16 =	simm.s32 $0x0;
	v3 =	vld [tilespmem:$0x12500]  }
0xec: {  	s12 =	sand.u32 $0x40, s16;
	s14 =	sand.u32 $0x1C00, s16;
	v4 =	vld [tilespmem:$0x12580]  }
0xed: {  	s13 =	sor.u32 $0x30, s12;
	s1 =	sadd.s32 $0x1900, s14;
	v5 =	vld [tilespmem:$0x12600]  }
0xee: {  	s2 =	sadd.s32 $0x1980, s14;
	s17 =	sor.u32 s13, s1;
	v6 =	vld [tilespmem:$0x12680]  }
0xef: {  	s18 =	sor.u32 s13, s2;
	v7 =	vld [tilespmem:s17+$0x0]  }
0xf0: {  	s6 =	sadd.s32 $0x1A00, s14;
	s3 =	sor.u32 s12, s1;
	v8 =	vld [tilespmem:s18+$0x0]  }
0xf1: {  	s19 =	sor.u32 s13, s6;
	v11 =	vld [tilespmem:s3+$0x0]  }
0xf2: {  	s7 =	sadd.s32 $0x1A80, s14;
	s20 =	sor.u32 s12, s2;
	v10 =	vld [tilespmem:s19+$0x0]  }
0xf3: {  	s15 =	sor.u32 $0x10, s12;
	s21 =	sor.u32 s13, s7;
	v12 =	vld [tilespmem:s20+$0x0]  }
0xf4: {  	s5 =	sadd.s32 $0x1B00, s14;
	s22 =	sor.u32 s15, s1;
	v13 =	vld [tilespmem:s21+$0x0]  }
0xf5: {  	s23 =	sor.u32 s13, s5;
	v14 =	vld [tilespmem:s22+$0x0]  }
0xf6: {  	s24 =	sadd.s32 $0x1B80, s14;
	s4 =	sor.u32 s15, s2;
	v15 =	vld [tilespmem:s23+$0x0]  }
0xf7: {  	s16 =	sor.u32 $0x20, s12;
	s25 =	sor.u32 s13, s24;
	v16 =	vld [tilespmem:s4+$0x0]  }
0xf8: {  	s1 =	sor.u32 s16, s1;
	v17 =	vld [tilespmem:s25+$0x0]  }
0xf9: {  	s28 =	sor.u32 s16, s2;
	v18 =	vld [tilespmem:s1+$0x0]  }
0xfa: {  	s31 =	sadd.s32 $0x3100, s14;
	s30 =	sor.u32 s12, s6;
	v20 =	vld [tilespmem:s28+$0x0]  }
0xfb: {  	s8 =	sor.u32 s13, s31;
	v22 =	vld [tilespmem:s30+$0x0]  }
0xfc: {  	s9 =	sor.u32 s15, s6;
	v23 =	vld [tilespmem:s8+$0x0]  }
0xfd: {  	v24 =	vld [tilespmem:s9+$0x0]  }
0xfe: {  	s10 =	sor.u32 s16, s6;
	v9 =	vld [tilespmem:$0x12780]  }
0xff: {  	v26 =	vld [tilespmem:s10+$0x0];
	v7 =	vmul.f32 v7, v3;
	v25 =	vmul.f32 v8, v4  }
0x100: {  	s2 =	sadd.s32 $0x3080, s14;
	s11 =	sor.u32 s12, s7;
	v8 =	vld [tilespmem:$0x12700]  }
0x101: {  	s4 =	sadd.s32 $0x1C00, s14;
	s29 =	sor.u32 s13, s2;
	v61 =	vld [tilespmem:s11+$0x0];
	v10 =	vmul.f32 v10, v5;
	v25 =	vadd.f32 v25, v7  }
0x102: {  	s26 =	sor.u32 s13, s4;
	v21 =	vld [tilespmem:s29+$0x0];
	v13 =	vmul.f32 v13, v6  }
0x103: {  	v19 =	vld [tilespmem:s26+$0x0];
	v11 =	vmul.f32 v11, v3;
	v12 =	vmul.f32 v12, v4;
	v10 =	vadd.f32 v10, v25  }
0x104: {  	s17 =	sor.u32 s15, s7;
	v14 =	vmul.f32 v14, v3;
	v16 =	vmul.f32 v16, v4;
	v7 =	vld [tilespmem:$0x12800]  }
0x105: {  	s18 =	sor.u32 s16, s7;
	v27 =	vld [tilespmem:s17+$0x0];
	v15 =	vmul.f32 v15, v8;
	v13 =	vadd.f32 v13, v10  }
0x106: {  	v28 =	vld [tilespmem:s18+$0x0];
	v12 =	vadd.f32 v12, v11;
	v14 =	vadd.f32 v16, v14;
	v16 =	vmul.f32 v22, v5  }
0x107: {  	s22 =	sor.u32 s12, s24;
	v10 =	vld [tilespmem:$0x12880];
	v13 =	vadd.f32 v15, v13;
	v15 =	vmul.f32 v17, v9  }
0x108: {  	s20 =	sor.u32 s15, s5;
	v18 =	vmul.f32 v18, v3;
	v12 =	vadd.f32 v16, v12;
	v16 =	vld [tilespmem:s22+$0x0]  }
0x109: {  	s19 =	sor.u32 s12, s5;
	v29 =	vld [tilespmem:s20+$0x0];
	v13 =	vadd.f32 v15, v13;
	v15 =	vmul.f32 v19, v7;
	v19 =	vmul.f32 v20, v4  }
0x10a: {  	v17 =	vld [tilespmem:s19+$0x0]  }
0x10b: {  	s21 =	sor.u32 s16, s5;
	v11 =	vld [tilespmem:$0x12900];
	v13 =	vadd.f32 v15, v13;
	v15 =	vadd.f32 v19, v18;
	v19 =	vmul.f32 v24, v5  }
0x10c: {  	s23 =	sor.u32 s15, s24;
	v20 =	vmul.f32 v21, v10;
	v21 =	vmul.f32 v26, v5;
	v18 =	vld [tilespmem:s21+$0x0]  }
0x10d: {  	s0 =	sor.u32 s16, s24;
	v62 =	vld [tilespmem:s23+$0x0];
	v22 =	vmul.f32 v61, v6;
	v16 =	vmul.f32 v16, v9;
	v14 =	vadd.f32 v19, v14  }
0x10e: {  	s24 =	sor.u32 s12, s4;
	v19 =	vmul.f32 v27, v6;
	v20 =	vadd.f32 v20, v13;
	v13 =	vadd.f32 v21, v15;
	v21 =	vld [tilespmem:s0+$0x0]  }
0x10f: {  	s25 =	sor.u32 s15, s4;
	v63 =	vld [tilespmem:s24+$0x0];
	v22 =	vadd.f32 v22, v12;
	v17 =	vmul.f32 v17, v8;
	v15 =	vmul.f32 v28, v6  }
0x110: {  	s28 =	sor.u32 s12, s2;
	s30 =	sadd.s32 $0x15080, s14;
	s26 =	sor.u32 s16, s4;
	v12 =	vld [tilespmem:s25+$0x0];
	v14 =	vadd.f32 v19, v14;
	v19 =	vmul.f32 v23, v11;
	v23 =	vmul.f32 v29, v8  }
0x111: {  	s14 =	simm.s32 $0x40;
	s29 =	sor.u32 s15, s2;
	s2 =	sor.u32 s16, s2;
	v17 =	vadd.f32 v17, v22;
	v15 =	vadd.f32 v15, v13;
	v13 =	vld [tilespmem:s26+$0x0];
	v18 =	vmul.f32 v18, v8  }
0x112: {  	s23 =	sor.u32 s16, s31;
	s24 =	sor.u32 s15, s31;
	s15 =	sor.u32 s15, s30;
	v20 =	vadd.f32 v19, v20;
	v22 =	vadd.f32 v23, v14;
	v14 =	vld [tilespmem:s28+$0x0];
	v23 =	vmul.f32 v62, v9  }
0x113: {  	s16 =	sor.u32 s16, s30;
	s25 =	sor.u32 s12, s31;
	s31 =	sor.u32 s13, s30;
	v19 =	vadd.f32 v18, v15;
	v15 =	vld [tilespmem:s29+$0x0];
	v21 =	vmul.f32 v21, v9  }
0x114: {  	s13 =	simm.s32 $0x200;
	s19 =	sor.u32 s12, s30;
	s12 =	simm.s32 $0x0;
	v17 =	vadd.f32 v16, v17;
	v16 =	vld [tilespmem:s2+$0x0];
	[tilespmem:s31+$0x80] =	vst v20;
	v20 =	vmul.f32 v63, v7;
	v18 =	vadd.f32 v23, v22  }
.LBB2_4:
0x115: {  	s17 =	sand.u32 $0x40, s14;
	s20 =	sand.u32 $0x1C00, s13;
	v22 =	vld [tilespmem:s25+$0x0];
	v12 =	vmul.f32 v12, v7;
	v19 =	vadd.f32 v21, v19  }
0x116: {  	s12 =	sadd.s32 $0x4, s12;
	s0 =	sadd.s32 $0x1900, s20;
	s18 =	sor.u32 $0x30, s17;
	v17 =	vadd.f32 v20, v17;
	v20 =	vld [tilespmem:s24+$0x0];
	v13 =	vmul.f32 v13, v7  }
0x117: {  	s1 =	sadd.s32 $0x1980, s20;
	p0 =	slt.u32 s12, $0x2C;
	s2 =	sor.u32 s18, s0;
	v14 =	vmul.f32 v14, v10;
	v12 =	vadd.f32 v12, v18;
	v18 =	vld [tilespmem:s23+$0x0]  }
0x118: {  	s22 =	sor.u32 $0x10, s17;
	s21 =	sor.u32 $0x20, s17;
	v21 =	vld [tilespmem:s2+$0x0];
	s2 =	sor.u32 s18, s1;
	v15 =	vmul.f32 v15, v10;
	v13 =	vadd.f32 v13, v19  }
0x119: {  	s5 =	sadd.s32 $0x1A00, s20;
	s3 =	sor.u32 s17, s0;
	s4 =	sor.u32 s17, s1;
	v19 =	vld [tilespmem:s2+$0x0];
	v14 =	vadd.f32 v14, v17;
	v16 =	vmul.f32 v16, v10  }
0x11a: {  	s6 =	sor.u32 s18, s5;
	s2 =	sor.u32 s22, s0;
	v17 =	vld [tilespmem:s3+$0x0];
	s3 =	sor.u32 s22, s1;
	v22 =	vmul.f32 v22, v11;
	v12 =	vadd.f32 v15, v12  }
0x11b: {  	s7 =	sadd.s32 $0x1A80, s20;
	s10 =	sor.u32 s21, s0;
	s24 =	sor.u32 s21, s1;
	v15 =	vld [tilespmem:s6+$0x0];
	v20 =	vmul.f32 v20, v11;
	v13 =	vadd.f32 v16, v13  }
0x11c: {  	s23 =	sor.u32 s17, s5;
	s31 =	sor.u32 s22, s5;
	s0 =	sor.u32 s18, s7;
	v16 =	vld [tilespmem:s4+$0x0];
	v14 =	vadd.f32 v22, v14;
	v18 =	vmul.f32 v18, v11  }
0x11d: {  	s29 =	sor.u32 s17, s7;
	s1 =	sadd.s32 $0x1B00, s20;
	s6 =	sor.u32 s21, s5;
	v22 =	vld [tilespmem:s0+$0x0];
	v12 =	vadd.f32 v20, v12  }
0x11e: {  	s30 =	sor.u32 s21, s7;
	s0 =	sor.u32 s22, s7;
	v21 =	vmul.f32 v21, v3;
	v20 =	vld [tilespmem:s2+$0x0];
	v19 =	vmul.f32 v19, v4;
	s2 =	sor.u32 s18, s1;
	[tilespmem:s19+$0x80] =	vst v14;
	v13 =	vadd.f32 v18, v13  }
0x11f: {  	s5 =	sor.u32 s17, s1;
	s4 =	sadd.s32 $0x1B80, s20;
	s19 =	sor.u32 s22, s1;
	v14 =	vmul.f32 v17, v3;
	v17 =	vld [tilespmem:s2+$0x0];
	[tilespmem:s15+$0x80] =	vst v12  }
0x120: {  	s28 =	sor.u32 s21, s1;
	s8 =	sor.u32 s17, s4;
	s1 =	sor.u32 s18, s4;
	v12 =	vld [tilespmem:s3+$0x0];
	v18 =	vadd.f32 v19, v21;
	v15 =	vmul.f32 v15, v5;
	[tilespmem:s16+$0x80] =	vst v13  }
0x121: {  	s11 =	sor.u32 s22, s4;
	s7 =	sor.u32 s21, s4;
	s2 =	sadd.s32 $0x1C00, s20;
	v13 =	vmul.f32 v16, v4;
	v16 =	vld [tilespmem:s1+$0x0]  }
0x122: {  	s9 =	sor.u32 s17, s2;
	s3 =	sor.u32 s18, s2;
	s1 =	sor.u32 s22, s2;
	v19 =	vld [tilespmem:s10+$0x0];
	v15 =	vadd.f32 v15, v18;
	v18 =	vmul.f32 v22, v6  }
0x123: {  	s15 =	sadd.s32 $0x3080, s20;
	s10 =	sor.u32 s21, s2;
	v13 =	vadd.f32 v13, v14;
	v14 =	vmul.f32 v20, v3;
	v20 =	vld [tilespmem:s3+$0x0]  }
0x124: {  	s4 =	sor.u32 s22, s15;
	s2 =	sor.u32 s17, s15;
	s3 =	sor.u32 s18, s15;
	v21 =	vld [tilespmem:s24+$0x0];
	v15 =	vadd.f32 v18, v15;
	v17 =	vmul.f32 v17, v8  }
0x125: {  	s16 =	sadd.s32 $0x3100, s20;
	s26 =	sor.u32 s21, s15;
	v12 =	vmul.f32 v12, v4;
	v18 =	vld [tilespmem:s3+$0x0]  }
0x126: {  	s25 =	sor.u32 s17, s16;
	s24 =	sor.u32 s22, s16;
	s3 =	sor.u32 s18, s16;
	v22 =	vld [tilespmem:s23+$0x0];
	v15 =	vadd.f32 v17, v15;
	v16 =	vmul.f32 v16, v9  }
0x127: {  	s23 =	sor.u32 s21, s16;
	v12 =	vadd.f32 v12, v14;
	v14 =	vmul.f32 v19, v3;
	v17 =	vld [tilespmem:s3+$0x0]  }
0x128: {  	v19 =	vld [tilespmem:s31+$0x0];
	v15 =	vadd.f32 v16, v15;
	v16 =	vmul.f32 v20, v7  }
0x129: {  	v20 =	vmul.f32 v21, v4;
	v21 =	vld [tilespmem:s6+$0x0]  }
0x12a: {  	v23 =	vld [tilespmem:s29+$0x0];
	v15 =	vadd.f32 v16, v15;
	v16 =	vmul.f32 v18, v10  }
0x12b: {  	v18 =	vmul.f32 v22, v5;
	v22 =	vld [tilespmem:s0+$0x0];
	v14 =	vadd.f32 v20, v14  }
0x12c: {  	v20 =	vld [tilespmem:s30+$0x0];
	v15 =	vadd.f32 v16, v15;
	v16 =	vmul.f32 v17, v11  }
0x12d: {  	v13 =	vadd.f32 v18, v13;
	v17 =	vld [tilespmem:s5+$0x0];
	v18 =	vmul.f32 v19, v5  }
0x12e: {  	s0 =	sadd.s32 $0x15080, s20;
	v19 =	vld [tilespmem:s19+$0x0];
	v21 =	vmul.f32 v21, v5;
	v15 =	vadd.f32 v16, v15  }
0x12f: {  	s15 =	sor.u32 s22, s0;
	s3 =	sor.u32 s18, s0;
	s19 =	sor.u32 s17, s0;
	v16 =	vmul.f32 v23, v6;
	v12 =	vadd.f32 v18, v12;
	v18 =	vld [tilespmem:s28+$0x0]  }
0x130: {  	s16 =	sor.u32 s21, s0;
	v23 =	vld [tilespmem:s8+$0x0];
	v22 =	vmul.f32 v22, v6;
	v14 =	vadd.f32 v21, v14;
	[tilespmem:s3+$0x80] =	vst v15  }
0x131: {  	v13 =	vadd.f32 v16, v13;
	v15 =	vld [tilespmem:s11+$0x0];
	v16 =	vmul.f32 v20, v6  }
0x132: {  	v17 =	vmul.f32 v17, v8;
	v20 =	vadd.f32 v22, v12;
	v21 =	vld [tilespmem:s7+$0x0]  }
0x133: {  	v22 =	vld [tilespmem:s9+$0x0];
	v19 =	vmul.f32 v19, v8;
	v16 =	vadd.f32 v16, v14  }
.Ltmp1:
0x134: {  	v17 =	vadd.f32 v17, v13;
	v12 =	vld [tilespmem:s1+$0x0];
	v18 =	vmul.f32 v18, v8;
	(pc) =	sbr.rel @p0 .LBB2_4-.Ltmp1, $4  }
0x135: {  	v23 =	vmul.f32 v23, v9;
	v24 =	vadd.f32 v19, v20;
	v13 =	vld [tilespmem:s10+$0x0]  }
0x136: {  	v14 =	vld [tilespmem:s2+$0x0];
	v25 =	vmul.f32 v15, v9;
	v19 =	vadd.f32 v18, v16  }
0x137: {  	v17 =	vadd.f32 v23, v17;
	v15 =	vld [tilespmem:s4+$0x0];
	v21 =	vmul.f32 v21, v9  }
0x138: {  	s13 =	sadd.s32 $0x200, s13;
	s14 =	sadd.s32 $0x40, s14;
	v20 =	vmul.f32 v22, v7;
	v18 =	vadd.f32 v25, v24;
	v16 =	vld [tilespmem:s26+$0x0]  }
0x139: {  	v3 =	vld [tilespmem:s25+$0x0]  }
0x13a: {  	v4 =	vld [tilespmem:s24+$0x0]  }
0x13b: {  	v5 =	vmul.f32 v12, v7;
	v6 =	vadd.f32 v21, v19;
	v8 =	vld [tilespmem:s23+$0x0];
	v7 =	vmul.f32 v13, v7  }
0x13c: {  	v9 =	vadd.f32 v20, v17;
	v12 =	vmul.f32 v14, v10  }
0x13d: {  	v5 =	vadd.f32 v5, v18;
	v13 =	vmul.f32 v15, v10;
	v6 =	vadd.f32 v7, v6  }
0x13e: {  	v7 =	vadd.f32 v12, v9;
	v9 =	vmul.f32 v16, v10;
	v3 =	vmul.f32 v3, v11  }
0x13f: {  	v5 =	vadd.f32 v13, v5;
	v4 =	vmul.f32 v4, v11  }
0x140: {  	v6 =	vadd.f32 v9, v6;
	v3 =	vadd.f32 v3, v7;
	v7 =	vmul.f32 v8, v11  }
0x141: {  	v4 =	vadd.f32 v4, v5  }
0x142: {  	[tilespmem:s19+$0x80] =	vst v3;
	v3 =	vadd.f32 v7, v6  }
0x143: {  	[tilespmem:s15+$0x80] =	vst v4  }
0x144: {  	[tilespmem:s16+$0x80] =	vst v3  }
0x145: {  	s0 =	simm.s32 $0x0;
	v3 =	vld [tilespmem:$0x12980]  }
0x146: {  	s12 =	sand.u32 $0x40, s0;
	s14 =	sand.u32 $0x1C00, s0;
	v4 =	vld [tilespmem:$0x12A00]  }
0x147: {  	s1 =	sadd.s32 $0x3180, s14;
	s13 =	sor.u32 $0x30, s12;
	v5 =	vld [tilespmem:$0x12A80]  }
0x148: {  	s2 =	sadd.s32 $0x3200, s14;
	s17 =	sor.u32 s13, s1;
	v6 =	vld [tilespmem:$0x12B00]  }
0x149: {  	s18 =	sor.u32 s13, s2;
	v7 =	vld [tilespmem:s17+$0x0]  }
0x14a: {  	s6 =	sadd.s32 $0x3280, s14;
	s3 =	sor.u32 s12, s1;
	v8 =	vld [tilespmem:s18+$0x0]  }
0x14b: {  	s19 =	sor.u32 s13, s6;
	v11 =	vld [tilespmem:s3+$0x0]  }
0x14c: {  	s7 =	sadd.s32 $0x3300, s14;
	s20 =	sor.u32 s12, s2;
	v10 =	vld [tilespmem:s19+$0x0]  }
0x14d: {  	s21 =	sor.u32 s13, s7;
	s15 =	sor.u32 $0x10, s12;
	v12 =	vld [tilespmem:s20+$0x0]  }
0x14e: {  	s5 =	sadd.s32 $0x3380, s14;
	s22 =	sor.u32 s15, s1;
	v13 =	vld [tilespmem:s21+$0x0]  }
0x14f: {  	s23 =	sor.u32 s13, s5;
	v14 =	vld [tilespmem:s22+$0x0]  }
0x150: {  	s24 =	sadd.s32 $0x3400, s14;
	s4 =	sor.u32 s15, s2;
	v15 =	vld [tilespmem:s23+$0x0]  }
0x151: {  	s25 =	sor.u32 s13, s24;
	v16 =	vld [tilespmem:s4+$0x0]  }
0x152: {  	s31 =	sadd.s32 $0x4980, s14;
	s30 =	sor.u32 s12, s6;
	v17 =	vld [tilespmem:s25+$0x0]  }
0x153: {  	s8 =	sor.u32 s13, s31;
	v22 =	vld [tilespmem:s30+$0x0]  }
0x154: {  	s9 =	sor.u32 s15, s6;
	v23 =	vld [tilespmem:s8+$0x0]  }
0x155: {  	v24 =	vld [tilespmem:s9+$0x0]  }
0x156: {  	s11 =	sor.u32 s12, s7;
	s16 =	sor.u32 $0x20, s12;
	v9 =	vld [tilespmem:$0x12C00]  }
0x157: {  	s1 =	sor.u32 s16, s1;
	v61 =	vld [tilespmem:s11+$0x0]  }
0x158: {  	s28 =	sor.u32 s16, s2;
	v18 =	vld [tilespmem:s1+$0x0]  }
0x159: {  	v20 =	vld [tilespmem:s28+$0x0];
	v7 =	vmul.f32 v7, v3;
	v25 =	vmul.f32 v8, v4  }
0x15a: {  	s10 =	sor.u32 s16, s6;
	v8 =	vld [tilespmem:$0x12B80]  }
0x15b: {  	s4 =	sadd.s32 $0x4880, s14;
	s17 =	sor.u32 s15, s7;
	v26 =	vld [tilespmem:s10+$0x0];
	v10 =	vmul.f32 v10, v5;
	v25 =	vadd.f32 v25, v7  }
0x15c: {  	s26 =	sor.u32 s13, s4;
	v27 =	vld [tilespmem:s17+$0x0];
	v13 =	vmul.f32 v13, v6  }
0x15d: {  	v19 =	vld [tilespmem:s26+$0x0];
	v11 =	vmul.f32 v11, v3;
	v12 =	vmul.f32 v12, v4;
	v10 =	vadd.f32 v10, v25  }
0x15e: {  	s2 =	sadd.s32 $0x4900, s14;
	s18 =	sor.u32 s16, s7;
	v14 =	vmul.f32 v14, v3;
	v16 =	vmul.f32 v16, v4;
	v7 =	vld [tilespmem:$0x12C80]  }
0x15f: {  	s29 =	sor.u32 s13, s2;
	v28 =	vld [tilespmem:s18+$0x0];
	v15 =	vmul.f32 v15, v8;
	v13 =	vadd.f32 v13, v10  }
0x160: {  	v21 =	vld [tilespmem:s29+$0x0];
	v12 =	vadd.f32 v12, v11;
	v14 =	vadd.f32 v16, v14;
	v16 =	vmul.f32 v22, v5  }
0x161: {  	s22 =	sor.u32 s12, s24;
	v10 =	vld [tilespmem:$0x12D00];
	v13 =	vadd.f32 v15, v13;
	v15 =	vmul.f32 v17, v9  }
0x162: {  	s20 =	sor.u32 s15, s5;
	v18 =	vmul.f32 v18, v3;
	v12 =	vadd.f32 v16, v12;
	v16 =	vld [tilespmem:s22+$0x0]  }
0x163: {  	s19 =	sor.u32 s12, s5;
	v29 =	vld [tilespmem:s20+$0x0];
	v13 =	vadd.f32 v15, v13;
	v15 =	vmul.f32 v19, v7;
	v19 =	vmul.f32 v20, v4  }
0x164: {  	v17 =	vld [tilespmem:s19+$0x0]  }
0x165: {  	s21 =	sor.u32 s16, s5;
	v11 =	vld [tilespmem:$0x12D80];
	v13 =	vadd.f32 v15, v13;
	v15 =	vadd.f32 v19, v18;
	v19 =	vmul.f32 v24, v5  }
0x166: {  	s23 =	sor.u32 s15, s24;
	v20 =	vmul.f32 v21, v10;
	v21 =	vmul.f32 v26, v5;
	v18 =	vld [tilespmem:s21+$0x0]  }
0x167: {  	s0 =	sor.u32 s16, s24;
	v62 =	vld [tilespmem:s23+$0x0];
	v22 =	vmul.f32 v61, v6;
	v16 =	vmul.f32 v16, v9;
	v14 =	vadd.f32 v19, v14  }
0x168: {  	s24 =	sor.u32 s12, s4;
	v19 =	vmul.f32 v27, v6;
	v20 =	vadd.f32 v20, v13;
	v13 =	vadd.f32 v21, v15;
	v21 =	vld [tilespmem:s0+$0x0]  }
0x169: {  	s25 =	sor.u32 s15, s4;
	v63 =	vld [tilespmem:s24+$0x0];
	v22 =	vadd.f32 v22, v12;
	v17 =	vmul.f32 v17, v8;
	v15 =	vmul.f32 v28, v6  }
0x16a: {  	s30 =	sadd.s32 $0x15080, s14;
	s14 =	simm.s32 $0x40;
	s26 =	sor.u32 s16, s4;
	v12 =	vld [tilespmem:s25+$0x0];
	v14 =	vadd.f32 v19, v14;
	v19 =	vmul.f32 v23, v11;
	v23 =	vmul.f32 v29, v8  }
0x16b: {  	s28 =	sor.u32 s12, s2;
	s23 =	sor.u32 s16, s31;
	s29 =	sor.u32 s15, s2;
	v17 =	vadd.f32 v17, v22;
	v15 =	vadd.f32 v15, v13;
	v13 =	vld [tilespmem:s26+$0x0];
	v18 =	vmul.f32 v18, v8  }
0x16c: {  	s2 =	sor.u32 s16, s2;
	s24 =	sor.u32 s15, s31;
	s15 =	sor.u32 s15, s30;
	v20 =	vadd.f32 v19, v20;
	v22 =	vadd.f32 v23, v14;
	v14 =	vld [tilespmem:s28+$0x0];
	v23 =	vmul.f32 v62, v9  }
0x16d: {  	s16 =	sor.u32 s16, s30;
	s25 =	sor.u32 s12, s31;
	s31 =	sor.u32 s13, s30;
	v19 =	vadd.f32 v18, v15;
	v15 =	vld [tilespmem:s29+$0x0];
	v21 =	vmul.f32 v21, v9  }
0x16e: {  	s13 =	simm.s32 $0x200;
	s19 =	sor.u32 s12, s30;
	s12 =	simm.s32 $0x0;
	v17 =	vadd.f32 v16, v17;
	v16 =	vld [tilespmem:s2+$0x0];
	[tilespmem:s31+$0x100] =	vst v20;
	v20 =	vmul.f32 v63, v7;
	v18 =	vadd.f32 v23, v22  }
.LBB2_6:
0x16f: {  	s17 =	sand.u32 $0x40, s14;
	s20 =	sand.u32 $0x1C00, s13;
	v22 =	vld [tilespmem:s25+$0x0];
	v12 =	vmul.f32 v12, v7;
	v19 =	vadd.f32 v21, v19  }
0x170: {  	s12 =	sadd.s32 $0x4, s12;
	s0 =	sadd.s32 $0x3180, s20;
	s18 =	sor.u32 $0x30, s17;
	v17 =	vadd.f32 v20, v17;
	v20 =	vld [tilespmem:s24+$0x0];
	v13 =	vmul.f32 v13, v7  }
0x171: {  	s1 =	sadd.s32 $0x3200, s20;
	p0 =	slt.u32 s12, $0x2C;
	s2 =	sor.u32 s18, s0;
	v14 =	vmul.f32 v14, v10;
	v12 =	vadd.f32 v12, v18;
	v18 =	vld [tilespmem:s23+$0x0]  }
0x172: {  	s22 =	sor.u32 $0x10, s17;
	s21 =	sor.u32 $0x20, s17;
	v21 =	vld [tilespmem:s2+$0x0];
	s2 =	sor.u32 s18, s1;
	v15 =	vmul.f32 v15, v10;
	v13 =	vadd.f32 v13, v19  }
0x173: {  	s5 =	sadd.s32 $0x3280, s20;
	s3 =	sor.u32 s17, s0;
	s4 =	sor.u32 s17, s1;
	v19 =	vld [tilespmem:s2+$0x0];
	v14 =	vadd.f32 v14, v17;
	v16 =	vmul.f32 v16, v10  }
0x174: {  	s6 =	sor.u32 s18, s5;
	s2 =	sor.u32 s22, s0;
	v17 =	vld [tilespmem:s3+$0x0];
	s3 =	sor.u32 s22, s1;
	v22 =	vmul.f32 v22, v11;
	v12 =	vadd.f32 v15, v12  }
0x175: {  	s7 =	sadd.s32 $0x3300, s20;
	s10 =	sor.u32 s21, s0;
	s24 =	sor.u32 s21, s1;
	v15 =	vld [tilespmem:s6+$0x0];
	v20 =	vmul.f32 v20, v11;
	v13 =	vadd.f32 v16, v13  }
0x176: {  	s23 =	sor.u32 s17, s5;
	s0 =	sor.u32 s22, s5;
	s1 =	sor.u32 s18, s7;
	v16 =	vld [tilespmem:s4+$0x0];
	v14 =	vadd.f32 v22, v14;
	v18 =	vmul.f32 v18, v11  }
0x177: {  	s29 =	sor.u32 s17, s7;
	s6 =	sor.u32 s21, s5;
	s4 =	sadd.s32 $0x3380, s20;
	v22 =	vld [tilespmem:s1+$0x0];
	v12 =	vadd.f32 v20, v12  }
0x178: {  	s31 =	sor.u32 s22, s7;
	s30 =	sor.u32 s21, s7;
	v21 =	vmul.f32 v21, v3;
	s1 =	sor.u32 s18, s4;
	v20 =	vld [tilespmem:s2+$0x0];
	v19 =	vmul.f32 v19, v4;
	[tilespmem:s19+$0x100] =	vst v14;
	v13 =	vadd.f32 v18, v13  }
0x179: {  	s5 =	sor.u32 s17, s4;
	s2 =	sadd.s32 $0x3400, s20;
	s19 =	sor.u32 s22, s4;
	v14 =	vmul.f32 v17, v3;
	v17 =	vld [tilespmem:s1+$0x0];
	[tilespmem:s15+$0x100] =	vst v12  }
0x17a: {  	s28 =	sor.u32 s21, s4;
	s8 =	sor.u32 s17, s2;
	s1 =	sor.u32 s18, s2;
	v12 =	vld [tilespmem:s3+$0x0];
	v18 =	vadd.f32 v19, v21;
	v15 =	vmul.f32 v15, v5;
	[tilespmem:s16+$0x100] =	vst v13  }
0x17b: {  	s11 =	sor.u32 s22, s2;
	s7 =	sor.u32 s21, s2;
	s3 =	sadd.s32 $0x4880, s20;
	v13 =	vmul.f32 v16, v4;
	v16 =	vld [tilespmem:s1+$0x0]  }
0x17c: {  	s9 =	sor.u32 s17, s3;
	s1 =	sor.u32 s22, s3;
	s2 =	sor.u32 s18, s3;
	v19 =	vld [tilespmem:s10+$0x0];
	v15 =	vadd.f32 v15, v18;
	v18 =	vmul.f32 v22, v6  }
0x17d: {  	s15 =	sadd.s32 $0x4900, s20;
	s10 =	sor.u32 s21, s3;
	v13 =	vadd.f32 v13, v14;
	v14 =	vmul.f32 v20, v3;
	v20 =	vld [tilespmem:s2+$0x0]  }
0x17e: {  	s4 =	sor.u32 s22, s15;
	s3 =	sor.u32 s18, s15;
	s2 =	sor.u32 s17, s15;
	v21 =	vld [tilespmem:s24+$0x0];
	v15 =	vadd.f32 v18, v15;
	v17 =	vmul.f32 v17, v8  }
0x17f: {  	s16 =	sadd.s32 $0x4980, s20;
	s26 =	sor.u32 s21, s15;
	v12 =	vmul.f32 v12, v4;
	v18 =	vld [tilespmem:s3+$0x0]  }
0x180: {  	s25 =	sor.u32 s17, s16;
	s24 =	sor.u32 s22, s16;
	s3 =	sor.u32 s18, s16;
	v22 =	vld [tilespmem:s23+$0x0];
	v15 =	vadd.f32 v17, v15;
	v16 =	vmul.f32 v16, v9  }
0x181: {  	s23 =	sor.u32 s21, s16;
	v12 =	vadd.f32 v12, v14;
	v14 =	vmul.f32 v19, v3;
	v17 =	vld [tilespmem:s3+$0x0]  }
0x182: {  	v19 =	vld [tilespmem:s0+$0x0];
	v15 =	vadd.f32 v16, v15;
	v16 =	vmul.f32 v20, v7  }
0x183: {  	v20 =	vmul.f32 v21, v4;
	v21 =	vld [tilespmem:s6+$0x0]  }
0x184: {  	v23 =	vld [tilespmem:s29+$0x0];
	v15 =	vadd.f32 v16, v15;
	v16 =	vmul.f32 v18, v10  }
0x185: {  	v18 =	vmul.f32 v22, v5;
	v22 =	vld [tilespmem:s31+$0x0];
	v14 =	vadd.f32 v20, v14  }
0x186: {  	v20 =	vld [tilespmem:s30+$0x0];
	v15 =	vadd.f32 v16, v15;
	v16 =	vmul.f32 v17, v11  }
0x187: {  	v13 =	vadd.f32 v18, v13;
	v17 =	vld [tilespmem:s5+$0x0];
	v18 =	vmul.f32 v19, v5  }
0x188: {  	s0 =	sadd.s32 $0x15080, s20;
	v19 =	vld [tilespmem:s19+$0x0];
	v21 =	vmul.f32 v21, v5;
	v15 =	vadd.f32 v16, v15  }
0x189: {  	s15 =	sor.u32 s22, s0;
	s3 =	sor.u32 s18, s0;
	s19 =	sor.u32 s17, s0;
	v16 =	vmul.f32 v23, v6;
	v12 =	vadd.f32 v18, v12;
	v18 =	vld [tilespmem:s28+$0x0]  }
0x18a: {  	s16 =	sor.u32 s21, s0;
	v23 =	vld [tilespmem:s8+$0x0];
	v22 =	vmul.f32 v22, v6;
	v14 =	vadd.f32 v21, v14;
	[tilespmem:s3+$0x100] =	vst v15  }
0x18b: {  	v13 =	vadd.f32 v16, v13;
	v15 =	vld [tilespmem:s11+$0x0];
	v16 =	vmul.f32 v20, v6  }
0x18c: {  	v17 =	vmul.f32 v17, v8;
	v20 =	vadd.f32 v22, v12;
	v21 =	vld [tilespmem:s7+$0x0]  }
0x18d: {  	v22 =	vld [tilespmem:s9+$0x0];
	v19 =	vmul.f32 v19, v8;
	v16 =	vadd.f32 v16, v14  }
.Ltmp2:
0x18e: {  	v17 =	vadd.f32 v17, v13;
	v12 =	vld [tilespmem:s1+$0x0];
	v18 =	vmul.f32 v18, v8;
	(pc) =	sbr.rel @p0 .LBB2_6-.Ltmp2, $4  }
0x18f: {  	v23 =	vmul.f32 v23, v9;
	v24 =	vadd.f32 v19, v20;
	v13 =	vld [tilespmem:s10+$0x0]  }
0x190: {  	v14 =	vld [tilespmem:s2+$0x0];
	v25 =	vmul.f32 v15, v9;
	v19 =	vadd.f32 v18, v16  }
0x191: {  	v17 =	vadd.f32 v23, v17;
	v15 =	vld [tilespmem:s4+$0x0];
	v21 =	vmul.f32 v21, v9  }
0x192: {  	s13 =	sadd.s32 $0x200, s13;
	s14 =	sadd.s32 $0x40, s14;
	v20 =	vmul.f32 v22, v7;
	v18 =	vadd.f32 v25, v24;
	v16 =	vld [tilespmem:s26+$0x0]  }
0x193: {  	v3 =	vld [tilespmem:s25+$0x0]  }
0x194: {  	v4 =	vld [tilespmem:s24+$0x0]  }
0x195: {  	v5 =	vmul.f32 v12, v7;
	v6 =	vadd.f32 v21, v19;
	v8 =	vld [tilespmem:s23+$0x0];
	v7 =	vmul.f32 v13, v7  }
0x196: {  	v9 =	vadd.f32 v20, v17;
	v12 =	vmul.f32 v14, v10  }
0x197: {  	v5 =	vadd.f32 v5, v18;
	v13 =	vmul.f32 v15, v10;
	v6 =	vadd.f32 v7, v6  }
0x198: {  	v7 =	vadd.f32 v12, v9;
	v9 =	vmul.f32 v16, v10;
	v3 =	vmul.f32 v3, v11  }
0x199: {  	v5 =	vadd.f32 v13, v5;
	v4 =	vmul.f32 v4, v11  }
0x19a: {  	v6 =	vadd.f32 v9, v6;
	v3 =	vadd.f32 v3, v7;
	v7 =	vmul.f32 v8, v11  }
0x19b: {  	v4 =	vadd.f32 v4, v5  }
0x19c: {  	[tilespmem:s19+$0x100] =	vst v3;
	v3 =	vadd.f32 v7, v6  }
0x19d: {  	[tilespmem:s15+$0x100] =	vst v4  }
0x19e: {  	[tilespmem:s16+$0x100] =	vst v3  }
0x19f: {  	s0 =	simm.s32 $0x0;
	v3 =	vld [tilespmem:$0x12E00]  }
0x1a0: {  	s12 =	sand.u32 $0x40, s0;
	s14 =	sand.u32 $0x1C00, s0;
	v4 =	vld [tilespmem:$0x12E80]  }
0x1a1: {  	s1 =	sadd.s32 $0x4A00, s14;
	s13 =	sor.u32 $0x30, s12;
	v5 =	vld [tilespmem:$0x12F00]  }
0x1a2: {  	s2 =	sadd.s32 $0x4A80, s14;
	s17 =	sor.u32 s13, s1;
	v6 =	vld [tilespmem:$0x12F80]  }
0x1a3: {  	s18 =	sor.u32 s13, s2;
	v7 =	vld [tilespmem:s17+$0x0]  }
0x1a4: {  	s6 =	sadd.s32 $0x4B00, s14;
	s3 =	sor.u32 s12, s1;
	v8 =	vld [tilespmem:s18+$0x0]  }
0x1a5: {  	s19 =	sor.u32 s13, s6;
	v11 =	vld [tilespmem:s3+$0x0]  }
0x1a6: {  	s7 =	sadd.s32 $0x4B80, s14;
	s20 =	sor.u32 s12, s2;
	v10 =	vld [tilespmem:s19+$0x0]  }
0x1a7: {  	s21 =	sor.u32 s13, s7;
	s15 =	sor.u32 $0x10, s12;
	v12 =	vld [tilespmem:s20+$0x0]  }
0x1a8: {  	s5 =	sadd.s32 $0x4C00, s14;
	s22 =	sor.u32 s15, s1;
	v13 =	vld [tilespmem:s21+$0x0]  }
0x1a9: {  	s23 =	sor.u32 s13, s5;
	v14 =	vld [tilespmem:s22+$0x0]  }
0x1aa: {  	s24 =	sor.u32 $0x6080, s14;
	s4 =	sor.u32 s15, s2;
	v15 =	vld [tilespmem:s23+$0x0]  }
0x1ab: {  	s25 =	sor.u32 s13, s24;
	v16 =	vld [tilespmem:s4+$0x0]  }
0x1ac: {  	s31 =	sor.u32 $0x6200, s14;
	s30 =	sor.u32 s12, s6;
	v17 =	vld [tilespmem:s25+$0x0]  }
0x1ad: {  	s8 =	sor.u32 s13, s31;
	v22 =	vld [tilespmem:s30+$0x0]  }
0x1ae: {  	s9 =	sor.u32 s15, s6;
	v23 =	vld [tilespmem:s8+$0x0]  }
0x1af: {  	v24 =	vld [tilespmem:s9+$0x0]  }
0x1b0: {  	s11 =	sor.u32 s12, s7;
	s16 =	sor.u32 $0x20, s12;
	v9 =	vld [tilespmem:$0x13080]  }
0x1b1: {  	s1 =	sor.u32 s16, s1;
	v61 =	vld [tilespmem:s11+$0x0]  }
0x1b2: {  	s28 =	sor.u32 s16, s2;
	v18 =	vld [tilespmem:s1+$0x0]  }
0x1b3: {  	v20 =	vld [tilespmem:s28+$0x0];
	v7 =	vmul.f32 v7, v3;
	v25 =	vmul.f32 v8, v4  }
0x1b4: {  	s10 =	sor.u32 s16, s6;
	v8 =	vld [tilespmem:$0x13000]  }
0x1b5: {  	s4 =	sor.u32 $0x6100, s14;
	s17 =	sor.u32 s15, s7;
	v26 =	vld [tilespmem:s10+$0x0];
	v10 =	vmul.f32 v10, v5;
	v25 =	vadd.f32 v25, v7  }
0x1b6: {  	s26 =	sor.u32 s13, s4;
	v27 =	vld [tilespmem:s17+$0x0];
	v13 =	vmul.f32 v13, v6  }
0x1b7: {  	v19 =	vld [tilespmem:s26+$0x0];
	v11 =	vmul.f32 v11, v3;
	v12 =	vmul.f32 v12, v4;
	v10 =	vadd.f32 v10, v25  }
0x1b8: {  	s2 =	sor.u32 $0x6180, s14;
	s18 =	sor.u32 s16, s7;
	v14 =	vmul.f32 v14, v3;
	v16 =	vmul.f32 v16, v4;
	v7 =	vld [tilespmem:$0x13100]  }
0x1b9: {  	s29 =	sor.u32 s13, s2;
	v28 =	vld [tilespmem:s18+$0x0];
	v15 =	vmul.f32 v15, v8;
	v13 =	vadd.f32 v13, v10  }
0x1ba: {  	v21 =	vld [tilespmem:s29+$0x0];
	v12 =	vadd.f32 v12, v11;
	v14 =	vadd.f32 v16, v14;
	v16 =	vmul.f32 v22, v5  }
0x1bb: {  	s22 =	sor.u32 s12, s24;
	v10 =	vld [tilespmem:$0x13180];
	v13 =	vadd.f32 v15, v13;
	v15 =	vmul.f32 v17, v9  }
0x1bc: {  	s20 =	sor.u32 s15, s5;
	v18 =	vmul.f32 v18, v3;
	v12 =	vadd.f32 v16, v12;
	v16 =	vld [tilespmem:s22+$0x0]  }
0x1bd: {  	s19 =	sor.u32 s12, s5;
	v29 =	vld [tilespmem:s20+$0x0];
	v13 =	vadd.f32 v15, v13;
	v15 =	vmul.f32 v19, v7;
	v19 =	vmul.f32 v20, v4  }
0x1be: {  	v17 =	vld [tilespmem:s19+$0x0]  }
0x1bf: {  	s21 =	sor.u32 s16, s5;
	v11 =	vld [tilespmem:$0x13200];
	v13 =	vadd.f32 v15, v13;
	v15 =	vadd.f32 v19, v18;
	v19 =	vmul.f32 v24, v5  }
0x1c0: {  	s23 =	sor.u32 s15, s24;
	v20 =	vmul.f32 v21, v10;
	v21 =	vmul.f32 v26, v5;
	v18 =	vld [tilespmem:s21+$0x0]  }
0x1c1: {  	s0 =	sor.u32 s16, s24;
	v62 =	vld [tilespmem:s23+$0x0];
	v22 =	vmul.f32 v61, v6;
	v16 =	vmul.f32 v16, v9;
	v14 =	vadd.f32 v19, v14  }
0x1c2: {  	s24 =	sor.u32 s12, s4;
	v19 =	vmul.f32 v27, v6;
	v20 =	vadd.f32 v20, v13;
	v13 =	vadd.f32 v21, v15;
	v21 =	vld [tilespmem:s0+$0x0]  }
0x1c3: {  	s25 =	sor.u32 s15, s4;
	v63 =	vld [tilespmem:s24+$0x0];
	v22 =	vadd.f32 v22, v12;
	v17 =	vmul.f32 v17, v8;
	v15 =	vmul.f32 v28, v6  }
0x1c4: {  	s30 =	sadd.s32 $0x15080, s14;
	s14 =	simm.s32 $0x40;
	s26 =	sor.u32 s16, s4;
	v12 =	vld [tilespmem:s25+$0x0];
	v14 =	vadd.f32 v19, v14;
	v19 =	vmul.f32 v23, v11;
	v23 =	vmul.f32 v29, v8  }
0x1c5: {  	s28 =	sor.u32 s12, s2;
	s23 =	sor.u32 s16, s31;
	s29 =	sor.u32 s15, s2;
	v17 =	vadd.f32 v17, v22;
	v15 =	vadd.f32 v15, v13;
	v13 =	vld [tilespmem:s26+$0x0];
	v18 =	vmul.f32 v18, v8  }
0x1c6: {  	s2 =	sor.u32 s16, s2;
	s24 =	sor.u32 s15, s31;
	s15 =	sor.u32 s15, s30;
	v20 =	vadd.f32 v19, v20;
	v22 =	vadd.f32 v23, v14;
	v14 =	vld [tilespmem:s28+$0x0];
	v23 =	vmul.f32 v62, v9  }
0x1c7: {  	s16 =	sor.u32 s16, s30;
	s25 =	sor.u32 s12, s31;
	s31 =	sor.u32 s13, s30;
	v19 =	vadd.f32 v18, v15;
	v15 =	vld [tilespmem:s29+$0x0];
	v21 =	vmul.f32 v21, v9  }
0x1c8: {  	s13 =	simm.s32 $0x200;
	s19 =	sor.u32 s12, s30;
	s12 =	simm.s32 $0x0;
	v17 =	vadd.f32 v16, v17;
	v16 =	vld [tilespmem:s2+$0x0];
	[tilespmem:s31+$0x180] =	vst v20;
	v20 =	vmul.f32 v63, v7;
	v18 =	vadd.f32 v23, v22  }
.LBB2_8:
0x1c9: {  	s17 =	sand.u32 $0x40, s14;
	s20 =	sand.u32 $0x1C00, s13;
	v22 =	vld [tilespmem:s25+$0x0];
	v12 =	vmul.f32 v12, v7;
	v19 =	vadd.f32 v21, v19  }
0x1ca: {  	s12 =	sadd.s32 $0x4, s12;
	s0 =	sadd.s32 $0x4A00, s20;
	s18 =	sor.u32 $0x30, s17;
	v17 =	vadd.f32 v20, v17;
	v20 =	vld [tilespmem:s24+$0x0];
	v13 =	vmul.f32 v13, v7  }
0x1cb: {  	s1 =	sadd.s32 $0x4A80, s20;
	p0 =	slt.u32 s12, $0x2C;
	s2 =	sor.u32 s18, s0;
	v14 =	vmul.f32 v14, v10;
	v12 =	vadd.f32 v12, v18;
	v18 =	vld [tilespmem:s23+$0x0]  }
0x1cc: {  	s22 =	sor.u32 $0x10, s17;
	s21 =	sor.u32 $0x20, s17;
	v21 =	vld [tilespmem:s2+$0x0];
	s2 =	sor.u32 s18, s1;
	v15 =	vmul.f32 v15, v10;
	v13 =	vadd.f32 v13, v19  }
0x1cd: {  	s5 =	sadd.s32 $0x4B00, s20;
	s3 =	sor.u32 s17, s0;
	s4 =	sor.u32 s17, s1;
	v19 =	vld [tilespmem:s2+$0x0];
	v14 =	vadd.f32 v14, v17;
	v16 =	vmul.f32 v16, v10  }
0x1ce: {  	s6 =	sor.u32 s18, s5;
	s2 =	sor.u32 s22, s0;
	v17 =	vld [tilespmem:s3+$0x0];
	s3 =	sor.u32 s22, s1;
	v22 =	vmul.f32 v22, v11;
	v12 =	vadd.f32 v15, v12  }
0x1cf: {  	s7 =	sadd.s32 $0x4B80, s20;
	s10 =	sor.u32 s21, s0;
	s24 =	sor.u32 s21, s1;
	v15 =	vld [tilespmem:s6+$0x0];
	v20 =	vmul.f32 v20, v11;
	v13 =	vadd.f32 v16, v13  }
0x1d0: {  	s23 =	sor.u32 s17, s5;
	s0 =	sor.u32 s22, s5;
	s1 =	sor.u32 s18, s7;
	v16 =	vld [tilespmem:s4+$0x0];
	v14 =	vadd.f32 v22, v14;
	v18 =	vmul.f32 v18, v11  }
0x1d1: {  	s29 =	sor.u32 s17, s7;
	s6 =	sor.u32 s21, s5;
	s4 =	sadd.s32 $0x4C00, s20;
	v22 =	vld [tilespmem:s1+$0x0];
	v12 =	vadd.f32 v20, v12  }
0x1d2: {  	s31 =	sor.u32 s22, s7;
	s30 =	sor.u32 s21, s7;
	v21 =	vmul.f32 v21, v3;
	s1 =	sor.u32 s18, s4;
	v20 =	vld [tilespmem:s2+$0x0];
	v19 =	vmul.f32 v19, v4;
	[tilespmem:s19+$0x180] =	vst v14;
	v13 =	vadd.f32 v18, v13  }
0x1d3: {  	s5 =	sor.u32 s17, s4;
	s2 =	sor.u32 $0x6080, s20;
	s19 =	sor.u32 s22, s4;
	v14 =	vmul.f32 v17, v3;
	v17 =	vld [tilespmem:s1+$0x0];
	[tilespmem:s15+$0x180] =	vst v12  }
0x1d4: {  	s28 =	sor.u32 s21, s4;
	s8 =	sor.u32 s17, s2;
	s1 =	sor.u32 s18, s2;
	v12 =	vld [tilespmem:s3+$0x0];
	v18 =	vadd.f32 v19, v21;
	v15 =	vmul.f32 v15, v5;
	[tilespmem:s16+$0x180] =	vst v13  }
0x1d5: {  	s11 =	sor.u32 s22, s2;
	s7 =	sor.u32 s21, s2;
	s3 =	sor.u32 $0x6100, s20;
	v13 =	vmul.f32 v16, v4;
	v16 =	vld [tilespmem:s1+$0x0]  }
0x1d6: {  	s9 =	sor.u32 s17, s3;
	s1 =	sor.u32 s22, s3;
	s2 =	sor.u32 s18, s3;
	v19 =	vld [tilespmem:s10+$0x0];
	v15 =	vadd.f32 v15, v18;
	v18 =	vmul.f32 v22, v6  }
0x1d7: {  	s15 =	sor.u32 $0x6180, s20;
	s10 =	sor.u32 s21, s3;
	v13 =	vadd.f32 v13, v14;
	v14 =	vmul.f32 v20, v3;
	v20 =	vld [tilespmem:s2+$0x0]  }
0x1d8: {  	s4 =	sor.u32 s22, s15;
	s3 =	sor.u32 s18, s15;
	s2 =	sor.u32 s17, s15;
	v21 =	vld [tilespmem:s24+$0x0];
	v15 =	vadd.f32 v18, v15;
	v17 =	vmul.f32 v17, v8  }
0x1d9: {  	s16 =	sor.u32 $0x6200, s20;
	s26 =	sor.u32 s21, s15;
	v12 =	vmul.f32 v12, v4;
	v18 =	vld [tilespmem:s3+$0x0]  }
0x1da: {  	s25 =	sor.u32 s17, s16;
	s24 =	sor.u32 s22, s16;
	s3 =	sor.u32 s18, s16;
	v22 =	vld [tilespmem:s23+$0x0];
	v15 =	vadd.f32 v17, v15;
	v16 =	vmul.f32 v16, v9  }
0x1db: {  	s23 =	sor.u32 s21, s16;
	v12 =	vadd.f32 v12, v14;
	v14 =	vmul.f32 v19, v3;
	v17 =	vld [tilespmem:s3+$0x0]  }
0x1dc: {  	v19 =	vld [tilespmem:s0+$0x0];
	v15 =	vadd.f32 v16, v15;
	v16 =	vmul.f32 v20, v7  }
0x1dd: {  	v20 =	vmul.f32 v21, v4;
	v21 =	vld [tilespmem:s6+$0x0]  }
0x1de: {  	v23 =	vld [tilespmem:s29+$0x0];
	v15 =	vadd.f32 v16, v15;
	v16 =	vmul.f32 v18, v10  }
0x1df: {  	v18 =	vmul.f32 v22, v5;
	v22 =	vld [tilespmem:s31+$0x0];
	v14 =	vadd.f32 v20, v14  }
0x1e0: {  	v20 =	vld [tilespmem:s30+$0x0];
	v15 =	vadd.f32 v16, v15;
	v16 =	vmul.f32 v17, v11  }
0x1e1: {  	v13 =	vadd.f32 v18, v13;
	v17 =	vld [tilespmem:s5+$0x0];
	v18 =	vmul.f32 v19, v5  }
0x1e2: {  	s0 =	sadd.s32 $0x15080, s20;
	v19 =	vld [tilespmem:s19+$0x0];
	v21 =	vmul.f32 v21, v5;
	v15 =	vadd.f32 v16, v15  }
0x1e3: {  	s15 =	sor.u32 s22, s0;
	s3 =	sor.u32 s18, s0;
	s19 =	sor.u32 s17, s0;
	v16 =	vmul.f32 v23, v6;
	v12 =	vadd.f32 v18, v12;
	v18 =	vld [tilespmem:s28+$0x0]  }
0x1e4: {  	s16 =	sor.u32 s21, s0;
	v23 =	vld [tilespmem:s8+$0x0];
	v22 =	vmul.f32 v22, v6;
	v14 =	vadd.f32 v21, v14;
	[tilespmem:s3+$0x180] =	vst v15  }
0x1e5: {  	v13 =	vadd.f32 v16, v13;
	v15 =	vld [tilespmem:s11+$0x0];
	v16 =	vmul.f32 v20, v6  }
0x1e6: {  	v17 =	vmul.f32 v17, v8;
	v20 =	vadd.f32 v22, v12;
	v21 =	vld [tilespmem:s7+$0x0]  }
0x1e7: {  	v22 =	vld [tilespmem:s9+$0x0];
	v19 =	vmul.f32 v19, v8;
	v16 =	vadd.f32 v16, v14  }
.Ltmp3:
0x1e8: {  	v17 =	vadd.f32 v17, v13;
	v12 =	vld [tilespmem:s1+$0x0];
	v18 =	vmul.f32 v18, v8;
	(pc) =	sbr.rel @p0 .LBB2_8-.Ltmp3, $4  }
0x1e9: {  	v23 =	vmul.f32 v23, v9;
	v24 =	vadd.f32 v19, v20;
	v13 =	vld [tilespmem:s10+$0x0]  }
0x1ea: {  	v14 =	vld [tilespmem:s2+$0x0];
	v25 =	vmul.f32 v15, v9;
	v19 =	vadd.f32 v18, v16  }
0x1eb: {  	v17 =	vadd.f32 v23, v17;
	v15 =	vld [tilespmem:s4+$0x0];
	v21 =	vmul.f32 v21, v9  }
0x1ec: {  	s13 =	sadd.s32 $0x200, s13;
	s14 =	sadd.s32 $0x40, s14;
	v20 =	vmul.f32 v22, v7;
	v18 =	vadd.f32 v25, v24;
	v16 =	vld [tilespmem:s26+$0x0]  }
0x1ed: {  	v3 =	vld [tilespmem:s25+$0x0]  }
0x1ee: {  	v4 =	vld [tilespmem:s24+$0x0]  }
0x1ef: {  	v5 =	vmul.f32 v12, v7;
	v6 =	vadd.f32 v21, v19;
	v8 =	vld [tilespmem:s23+$0x0];
	v7 =	vmul.f32 v13, v7  }
0x1f0: {  	v9 =	vadd.f32 v20, v17;
	v12 =	vmul.f32 v14, v10  }
0x1f1: {  	v5 =	vadd.f32 v5, v18;
	v13 =	vmul.f32 v15, v10;
	v6 =	vadd.f32 v7, v6  }
0x1f2: {  	v7 =	vadd.f32 v12, v9;
	v9 =	vmul.f32 v16, v10;
	v3 =	vmul.f32 v3, v11  }
0x1f3: {  	v5 =	vadd.f32 v13, v5;
	v4 =	vmul.f32 v4, v11  }
0x1f4: {  	v6 =	vadd.f32 v9, v6;
	v3 =	vadd.f32 v3, v7;
	v7 =	vmul.f32 v8, v11  }
0x1f5: {  	v4 =	vadd.f32 v4, v5  }
0x1f6: {  	[tilespmem:s19+$0x180] =	vst v3;
	v3 =	vadd.f32 v7, v6  }
0x1f7: {  	[tilespmem:s15+$0x180] =	vst v4  }
0x1f8: {  	[tilespmem:s16+$0x180] =	vst v3  }
0x1f9: {  	v5 =	vld [tilespmem:$0x13280]  }
0x1fa: {  	v6 =	vld [tilespmem:$0x13300]  }
0x1fb: {  	v8 =	vld [tilespmem:$0x13380]  }
0x1fc: {  	v9 =	vld [tilespmem:$0x13400]  }
0x1fd: {  	v10 =	vld [tilespmem:$0x13480]  }
0x1fe: {  	s0 =	simm.s32 $0x0;
	v11 =	vld [tilespmem:$0x13500]  }
0x1ff: {  	s13 =	sand.u32 $0x40, s0;
	s0 =	sand.u32 $0x1C00, s0;
	v7 =	vld [tilespmem:$0x13580]  }
0x200: {  	s2 =	sor.u32 $0x6280, s0;
	s3 =	sor.u32 $0x30, s13;
	v4 =	vld [tilespmem:$0x13600]  }
0x201: {  	s6 =	sor.u32 $0x6300, s0;
	s1 =	sor.u32 s3, s2;
	v3 =	vld [tilespmem:$0x13680]  }
0x202: {  	s18 =	sor.u32 s3, s6;
	v12 =	vld [tilespmem:s1+$0x0]  }
0x203: {  	s7 =	sor.u32 $0x6380, s0;
	s4 =	sor.u32 s13, s2;
	v13 =	vld [tilespmem:s18+$0x0]  }
0x204: {  	s19 =	sor.u32 s3, s7;
	v14 =	vld [tilespmem:s4+$0x0]  }
0x205: {  	s8 =	sadd.s32 $0x6400, s0;
	s20 =	sor.u32 s13, s6;
	v15 =	vld [tilespmem:s19+$0x0]  }
0x206: {  	s14 =	sor.u32 $0x10, s13;
	s21 =	sor.u32 s3, s8;
	v16 =	vld [tilespmem:s20+$0x0]  }
0x207: {  	s9 =	sadd.s32 $0x7880, s0;
	s22 =	sor.u32 s14, s2;
	v17 =	vld [tilespmem:s21+$0x0]  }
0x208: {  	s23 =	sor.u32 s3, s9;
	v18 =	vld [tilespmem:s22+$0x0]  }
0x209: {  	s5 =	sadd.s32 $0x7900, s0;
	s24 =	sor.u32 s14, s6;
	v19 =	vld [tilespmem:s23+$0x0]  }
0x20a: {  	s25 =	sadd.s32 $0x7980, s0;
	s10 =	sor.u32 s3, s5;
	v20 =	vld [tilespmem:s24+$0x0]  }
0x20b: {  	s26 =	sor.u32 s3, s25;
	v21 =	vld [tilespmem:s10+$0x0]  }
0x20c: {  	s30 =	sor.u32 s13, s7;
	v23 =	vld [tilespmem:s26+$0x0]  }
0x20d: {  	s31 =	sor.u32 s14, s7;
	v25 =	vld [tilespmem:s30+$0x0];
	v12 =	vmul.f32 v12, v5;
	v13 =	vmul.f32 v13, v6  }
0x20e: {  	s11 =	sor.u32 s13, s8;
	s1 =	sor.u32 $0x20, s13;
	v26 =	vld [tilespmem:s31+$0x0]  }
0x20f: {  	v27 =	vld [tilespmem:s11+$0x0];
	s2 =	sor.u32 s1, s2;
	v12 =	vadd.f32 v13, v12;
	v13 =	vmul.f32 v15, v8  }
0x210: {  	s16 =	sor.u32 s13, s9;
	v22 =	vld [tilespmem:s2+$0x0]  }
0x211: {  	v59 =	vld [tilespmem:s16+$0x0];
	s6 =	sor.u32 s1, s6;
	v12 =	vadd.f32 v13, v12;
	v13 =	vmul.f32 v17, v9  }
0x212: {  	s10 =	sor.u32 s1, s7;
	v24 =	vld [tilespmem:s6+$0x0];
	v14 =	vmul.f32 v14, v5  }
0x213: {  	s28 =	sadd.s32 $0x7A00, s0;
	s15 =	sor.u32 s1, s8;
	v16 =	vmul.f32 v16, v6;
	v12 =	vadd.f32 v13, v12;
	v13 =	vmul.f32 v19, v10;
	v19 =	vld [tilespmem:s10+$0x0]  }
0x214: {  	s29 =	sor.u32 s3, s28;
	v28 =	vld [tilespmem:s15+$0x0];
	v18 =	vmul.f32 v18, v5;
	v20 =	vmul.f32 v20, v6  }
0x215: {  	s12 =	sor.u32 s14, s8;
	v15 =	vld [tilespmem:s29+$0x0];
	v22 =	vmul.f32 v22, v5;
	v12 =	vadd.f32 v13, v12;
	v13 =	vmul.f32 v21, v11  }
0x216: {  	s0 =	sadd.s32 $0x7A80, s0;
	s17 =	sor.u32 s14, s9;
	v14 =	vadd.f32 v16, v14;
	v16 =	vadd.f32 v20, v18;
	v18 =	vmul.f32 v25, v8;
	v21 =	vld [tilespmem:s12+$0x0]  }
0x217: {  	s3 =	sor.u32 s3, s0;
	v20 =	vld [tilespmem:s17+$0x0];
	v12 =	vadd.f32 v13, v12;
	v13 =	vmul.f32 v23, v7;
	v23 =	vmul.f32 v24, v6  }
0x218: {  	s19 =	sor.u32 s13, s5;
	v17 =	vld [tilespmem:s3+$0x0];
	v14 =	vadd.f32 v18, v14;
	v18 =	vmul.f32 v19, v8  }
0x219: {  	s18 =	sor.u32 s1, s9;
	v19 =	vld [tilespmem:s19+$0x0];
	v12 =	vadd.f32 v13, v12;
	v13 =	vadd.f32 v23, v22;
	v22 =	vmul.f32 v26, v8  }
0x21a: {  	p0 =	por $0x0, $0x0;
	s20 =	sor.u32 s14, s5;
	s7 =	simm.s32 $0x1;
	v15 =	vmul.f32 v15, v4;
	v23 =	vld [tilespmem:s18+$0x0]  }
0x21b: {  	s21 =	sor.u32 s13, s25;
	s5 =	sor.u32 s1, s5;
	s7 =	simm.s32 @!p0 $0x0;
	v60 =	vmul.f32 v27, v9;
	v21 =	vmul.f32 v21, v9;
	v16 =	vadd.f32 v22, v16;
	v22 =	vld [tilespmem:s20+$0x0]  }
0x21c: {  	s22 =	sor.u32 s14, s25;
	s4 =	sor.u32 s1, s25;
	s25 =	sshll.u32 s7, $0x6;
	v15 =	vadd.f32 v15, v12;
	v12 =	vadd.f32 v18, v13;
	v13 =	vmul.f32 v28, v9;
	v18 =	vld [tilespmem:s5+$0x0]  }
0x21d: {  	s23 =	sor.u32 s13, s28;
	v61 =	vld [tilespmem:s21+$0x0];
	s26 =	sadd.s32 $0x0, s25;
	v14 =	vadd.f32 v60, v14;
	v20 =	vmul.f32 v20, v10;
	v24 =	vmul.f32 v59, v10  }
0x21e: {  	s24 =	sor.u32 s14, s28;
	s2 =	sor.u32 s1, s28;
	s28 =	sadd.s32 $0x10, s26;
	v17 =	vmul.f32 v17, v3;
	v16 =	vadd.f32 v21, v16;
	v21 =	vadd.f32 v13, v12;
	v12 =	vld [tilespmem:s22+$0x0]  }
0x21f: {  	s30 =	sadd.s32 $0x30, s26;
	s16 =	sor.u32 $0x200, s28;
	s29 =	sadd.s32 $0x20, s26;
	v24 =	vadd.f32 v24, v14;
	v62 =	vmul.f32 v19, v11;
	v13 =	vld [tilespmem:s4+$0x0];
	v23 =	vmul.f32 v23, v10  }
0x220: {  	s31 =	sor.u32 $0x200, s30;
	s17 =	sor.u32 s1, s0;
	s15 =	sor.u32 $0x200, s29;
	v14 =	vld [tilespmem:s23+$0x0];
	v63 =	vadd.f32 v17, v15;
	v16 =	vadd.f32 v20, v16;
	v22 =	vmul.f32 v22, v11  }
0x221: {  	s12 =	simm.s32 $0x0;
	s19 =	sor.u32 s14, s0;
	s14 =	simm.s32 $0x40;
	v15 =	vld [tilespmem:s24+$0x0];
	v19 =	vadd.f32 v23, v21;
	v21 =	vmul.f32 v18, v11  }
0x222: {  	s18 =	sor.u32 $0x200, s26;
	s20 =	sor.u32 s13, s0;
	s13 =	simm.s32 $0x200;
	v17 =	vadd.f32 v62, v24;
	[tilespmem:s31+$0x15080] =	vst v63;
	v20 =	vmul.f32 v61, v7;
	v18 =	vadd.f32 v22, v16;
	v16 =	vld [tilespmem:s2+$0x0]  }
.LBB2_10:
0x223: {  	s21 =	sand.u32 $0x40, s14;
	s23 =	sand.u32 $0x1C00, s13;
	v22 =	vld [tilespmem:s20+$0x0];
	v12 =	vmul.f32 v12, v7;
	v19 =	vadd.f32 v21, v19  }
0x224: {  	s12 =	sadd.s32 $0x4, s12;
	s0 =	sor.u32 $0x6280, s23;
	s22 =	sor.u32 $0x30, s21;
	v17 =	vadd.f32 v20, v17;
	v20 =	vld [tilespmem:s19+$0x0];
	v13 =	vmul.f32 v13, v7  }
0x225: {  	s1 =	sor.u32 $0x6300, s23;
	p1 =	slt.u32 s12, $0x2C;
	s2 =	sor.u32 s22, s0;
	v14 =	vmul.f32 v14, v4;
	v12 =	vadd.f32 v12, v18;
	v18 =	vld [tilespmem:s17+$0x0]  }
0x226: {  	s19 =	sor.u32 $0x10, s21;
	s17 =	sor.u32 $0x20, s21;
	v21 =	vld [tilespmem:s2+$0x0];
	s2 =	sor.u32 s22, s1;
	v15 =	vmul.f32 v15, v4;
	v13 =	vadd.f32 v13, v19  }
0x227: {  	s5 =	sor.u32 $0x6380, s23;
	s3 =	sor.u32 s21, s0;
	s4 =	sor.u32 s21, s1;
	v19 =	vld [tilespmem:s2+$0x0];
	v14 =	vadd.f32 v14, v17;
	v16 =	vmul.f32 v16, v4  }
0x228: {  	s6 =	sor.u32 s22, s5;
	s2 =	sor.u32 s19, s0;
	v17 =	vld [tilespmem:s3+$0x0];
	s3 =	sor.u32 s19, s1;
	v22 =	vmul.f32 v22, v3;
	v12 =	vadd.f32 v15, v12  }
0x229: {  	s7 =	sadd.s32 $0x6400, s23;
	s8 =	sor.u32 s17, s0;
	s20 =	sor.u32 s17, s1;
	v15 =	vld [tilespmem:s6+$0x0];
	v20 =	vmul.f32 v20, v3;
	v13 =	vadd.f32 v16, v13  }
0x22a: {  	s0 =	sor.u32 s19, s5;
	s1 =	sor.u32 s22, s7;
	s6 =	sor.u32 s21, s5;
	v16 =	vld [tilespmem:s4+$0x0];
	v14 =	vadd.f32 v22, v14;
	v18 =	vmul.f32 v18, v3  }
0x22b: {  	s9 =	sadd.s32 $0x7880, s23;
	s29 =	sor.u32 s21, s7;
	s5 =	sor.u32 s17, s5;
	v22 =	vld [tilespmem:s1+$0x0];
	v12 =	vadd.f32 v20, v12  }
0x22c: {  	s28 =	sor.u32 s19, s7;
	v21 =	vmul.f32 v21, v5;
	s1 =	sor.u32 s22, s9;
	v20 =	vld [tilespmem:s2+$0x0];
	s2 =	sor.u32 s17, s7;
	v19 =	vmul.f32 v19, v6;
	[tilespmem:s18+$0x15080] =	vst v14;
	v13 =	vadd.f32 v18, v13  }
0x22d: {  	s11 =	sor.u32 s19, s9;
	s18 =	sor.u32 s21, s9;
	s7 =	sadd.s32 $0x7900, s23;
	v14 =	vmul.f32 v17, v5;
	v17 =	vld [tilespmem:s1+$0x0];
	[tilespmem:s16+$0x15080] =	vst v12  }
0x22e: {  	s10 =	sor.u32 s17, s9;
	s4 =	sor.u32 s21, s7;
	v12 =	vld [tilespmem:s3+$0x0];
	v18 =	vadd.f32 v19, v21;
	v15 =	vmul.f32 v15, v8;
	s3 =	sor.u32 s22, s7;
	[tilespmem:s15+$0x15080] =	vst v13  }
0x22f: {  	s9 =	sor.u32 s19, s7;
	s1 =	sor.u32 s17, s7;
	s15 =	sadd.s32 $0x7980, s23;
	v13 =	vmul.f32 v16, v6;
	v16 =	vld [tilespmem:s3+$0x0]  }
0x230: {  	s7 =	sor.u32 s21, s15;
	s24 =	sor.u32 s19, s15;
	s3 =	sor.u32 s22, s15;
	v19 =	vld [tilespmem:s8+$0x0];
	v15 =	vadd.f32 v15, v18;
	v18 =	vmul.f32 v22, v9  }
0x231: {  	s16 =	sadd.s32 $0x7A00, s23;
	s26 =	sor.u32 s17, s15;
	v13 =	vadd.f32 v13, v14;
	v14 =	vmul.f32 v20, v5;
	v20 =	vld [tilespmem:s3+$0x0]  }
0x232: {  	s25 =	sor.u32 s19, s16;
	s8 =	sor.u32 s21, s16;
	s3 =	sor.u32 s22, s16;
	v21 =	vld [tilespmem:s20+$0x0];
	v15 =	vadd.f32 v18, v15;
	v17 =	vmul.f32 v17, v10  }
0x233: {  	s15 =	sadd.s32 $0x7A80, s23;
	s23 =	sor.u32 s17, s16;
	v12 =	vmul.f32 v12, v6;
	v18 =	vld [tilespmem:s3+$0x0]  }
0x234: {  	s19 =	sor.u32 s19, s15;
	s20 =	sor.u32 s21, s15;
	s3 =	sor.u32 s22, s15;
	v22 =	vld [tilespmem:s6+$0x0];
	v15 =	vadd.f32 v17, v15;
	v16 =	vmul.f32 v16, v11  }
0x235: {  	s17 =	sor.u32 s17, s15;
	v12 =	vadd.f32 v12, v14;
	v14 =	vmul.f32 v19, v5;
	v17 =	vld [tilespmem:s3+$0x0]  }
0x236: {  	v19 =	vld [tilespmem:s0+$0x0];
	v15 =	vadd.f32 v16, v15;
	v16 =	vmul.f32 v20, v7  }
0x237: {  	v20 =	vmul.f32 v21, v6;
	v21 =	vld [tilespmem:s5+$0x0]  }
0x238: {  	p0 =	por !p0, !p0;
	s0 =	simm.s32 $0x1;
	v23 =	vld [tilespmem:s29+$0x0];
	v15 =	vadd.f32 v16, v15;
	v16 =	vmul.f32 v18, v4  }
0x239: {  	s0 =	simm.s32 @!p0 $0x0;
	v18 =	vmul.f32 v22, v8;
	v22 =	vld [tilespmem:s28+$0x0];
	v14 =	vadd.f32 v20, v14  }
0x23a: {  	s0 =	sshll.u32 s0, $0x6;
	v20 =	vld [tilespmem:s2+$0x0];
	v15 =	vadd.f32 v16, v15;
	v16 =	vmul.f32 v17, v3  }
0x23b: {  	s0 =	sadd.s32 s0, s13;
	v13 =	vadd.f32 v18, v13;
	v17 =	vld [tilespmem:s18+$0x0];
	v18 =	vmul.f32 v19, v8  }
0x23c: {  	s2 =	sadd.s32 $0x10, s0;
	s3 =	sadd.s32 $0x20, s0;
	s5 =	sadd.s32 $0x30, s0;
	v19 =	vld [tilespmem:s11+$0x0];
	v21 =	vmul.f32 v21, v8;
	v15 =	vadd.f32 v16, v15  }
0x23d: {  	s16 =	sor.u32 $0x200, s2;
	s15 =	sor.u32 $0x200, s3;
	s2 =	sor.u32 $0x200, s5;
	v16 =	vmul.f32 v23, v9;
	v12 =	vadd.f32 v18, v12;
	v18 =	vld [tilespmem:s10+$0x0]  }
0x23e: {  	s18 =	sor.u32 $0x200, s0;
	v23 =	vld [tilespmem:s4+$0x0];
	v22 =	vmul.f32 v22, v9;
	v14 =	vadd.f32 v21, v14;
	[tilespmem:s2+$0x15080] =	vst v15  }
0x23f: {  	v13 =	vadd.f32 v16, v13;
	v15 =	vld [tilespmem:s9+$0x0];
	v16 =	vmul.f32 v20, v9  }
0x240: {  	v17 =	vmul.f32 v17, v10;
	v20 =	vadd.f32 v22, v12;
	v21 =	vld [tilespmem:s1+$0x0]  }
0x241: {  	v22 =	vld [tilespmem:s7+$0x0];
	v19 =	vmul.f32 v19, v10;
	v16 =	vadd.f32 v16, v14  }
.Ltmp4:
0x242: {  	v17 =	vadd.f32 v17, v13;
	v12 =	vld [tilespmem:s24+$0x0];
	v18 =	vmul.f32 v18, v10;
	(pc) =	sbr.rel @p1 .LBB2_10-.Ltmp4, $4  }
0x243: {  	v23 =	vmul.f32 v23, v11;
	v24 =	vadd.f32 v19, v20;
	v13 =	vld [tilespmem:s26+$0x0]  }
0x244: {  	v14 =	vld [tilespmem:s8+$0x0];
	v25 =	vmul.f32 v15, v11;
	v19 =	vadd.f32 v18, v16  }
0x245: {  	v17 =	vadd.f32 v23, v17;
	v15 =	vld [tilespmem:s25+$0x0];
	v21 =	vmul.f32 v21, v11  }
0x246: {  	s14 =	sadd.s32 $0x40, s14;
	s13 =	sadd.s32 $0x200, s13;
	v20 =	vmul.f32 v22, v7;
	v18 =	vadd.f32 v25, v24;
	v16 =	vld [tilespmem:s23+$0x0]  }
0x247: {  	v5 =	vld [tilespmem:s20+$0x0]  }
0x248: {  	v6 =	vld [tilespmem:s19+$0x0]  }
0x249: {  	v8 =	vmul.f32 v12, v7;
	v9 =	vadd.f32 v21, v19;
	v10 =	vld [tilespmem:s17+$0x0];
	v7 =	vmul.f32 v13, v7  }
0x24a: {  	v11 =	vadd.f32 v20, v17;
	v12 =	vmul.f32 v14, v4  }
0x24b: {  	v8 =	vadd.f32 v8, v18;
	v13 =	vmul.f32 v15, v4;
	v7 =	vadd.f32 v7, v9  }
0x24c: {  	v9 =	vadd.f32 v12, v11;
	v4 =	vmul.f32 v16, v4;
	v5 =	vmul.f32 v5, v3  }
0x24d: {  	v8 =	vadd.f32 v13, v8;
	v6 =	vmul.f32 v6, v3  }
0x24e: {  	v3 =	vmul.f32 v10, v3;
	v4 =	vadd.f32 v4, v7;
	v5 =	vadd.f32 v5, v9  }
0x24f: {  	v6 =	vadd.f32 v6, v8  }
0x250: {  	v3 =	vadd.f32 v3, v4;
	[tilespmem:s18+$0x15080] =	vst v5  }
0x251: {  	[tilespmem:s16+$0x15080] =	vst v6  }
0x252: {  	s0 =	simm.s32 $0x2;
	[tilespmem:s15+$0x15080] =	vst v3  }
0x253: {  	_ =	swait.ge [sflag:s0], $0x9000  }
0x254: {  	s8 =	simm.s32 $0x0;
	s2 =	simm.s32 $0x15080;
	[sflag:s0] =	ssyncset.done $0x0  }
0x255: {  	s9 =	simm.s32 $0x3;
	s1 =	rddreg [dreg:$0x9];
	[sflag:s0] =	ssyncadd.s32 $0xFFFF7000  }
0x256: {  	[hbm4b:s1+s8] =	stream.linear.scatter [tilespmem:s2], [sflag:$0x3], $0x1800, $0x38;
	[tilespmem:$0x18080] =	vst v63  }
0x257: {  	_ =	swait.ge [sflag:s9], $0x1800  }
0x258: {  	[sflag:s9] =	ssyncset.done $0x0  }
0x259: {  	[sflag:s9] =	ssyncadd.s32 $0xFFFFE800  }
0x25a: {  	v3 =	vld [tilespmem:$0x13700]  }
0x25b: {  	s12 =	sand.u32 $0x40, s8;
	s14 =	sand.u32 $0x1C00, s8;
	v4 =	vld [tilespmem:$0x13780]  }
0x25c: {  	s10 =	sadd.s32 $0x7B00, s14;
	s13 =	sor.u32 $0x30, s12;
	v5 =	vld [tilespmem:$0x13800]  }
0x25d: {  	s11 =	sadd.s32 $0x7B80, s14;
	s17 =	sor.u32 s13, s10;
	v6 =	vld [tilespmem:$0x13880]  }
0x25e: {  	s18 =	sor.u32 s13, s11;
	v7 =	vld [tilespmem:s17+$0x0]  }
0x25f: {  	s6 =	sadd.s32 $0x7C00, s14;
	s3 =	sor.u32 s12, s10;
	v8 =	vld [tilespmem:s18+$0x0]  }
0x260: {  	s19 =	sor.u32 s13, s6;
	v11 =	vld [tilespmem:s3+$0x0]  }
0x261: {  	s7 =	sadd.s32 $0x9080, s14;
	s20 =	sor.u32 s12, s11;
	v10 =	vld [tilespmem:s19+$0x0]  }
0x262: {  	s21 =	sor.u32 s13, s7;
	s15 =	sor.u32 $0x10, s12;
	v12 =	vld [tilespmem:s20+$0x0]  }
0x263: {  	s5 =	sadd.s32 $0x9100, s14;
	s22 =	sor.u32 s15, s10;
	v13 =	vld [tilespmem:s21+$0x0]  }
0x264: {  	s23 =	sor.u32 s13, s5;
	v14 =	vld [tilespmem:s22+$0x0]  }
0x265: {  	s24 =	sadd.s32 $0x9180, s14;
	s4 =	sor.u32 s15, s11;
	v15 =	vld [tilespmem:s23+$0x0]  }
0x266: {  	s25 =	sor.u32 s13, s24;
	s16 =	sor.u32 $0x20, s12;
	v16 =	vld [tilespmem:s4+$0x0]  }
0x267: {  	s1 =	sor.u32 s16, s10;
	v17 =	vld [tilespmem:s25+$0x0]  }
0x268: {  	s28 =	sor.u32 s16, s11;
	s2 =	sadd.s32 $0x9280, s14;
	v18 =	vld [tilespmem:s1+$0x0]  }
0x269: {  	s29 =	sor.u32 s13, s2;
	v20 =	vld [tilespmem:s28+$0x0]  }
0x26a: {  	s31 =	sadd.s32 $0x9300, s14;
	s30 =	sor.u32 s12, s6;
	v21 =	vld [tilespmem:s29+$0x0]  }
0x26b: {  	s8 =	sor.u32 s13, s31;
	v22 =	vld [tilespmem:s30+$0x0]  }
0x26c: {  	s9 =	sor.u32 s15, s6;
	v23 =	vld [tilespmem:s8+$0x0]  }
0x26d: {  	v24 =	vld [tilespmem:s9+$0x0]  }
0x26e: {  	v9 =	vld [tilespmem:$0x13980];
	v7 =	vmul.f32 v7, v3;
	v25 =	vmul.f32 v8, v4  }
0x26f: {  	s10 =	sor.u32 s16, s6;
	v8 =	vld [tilespmem:$0x13900]  }
0x270: {  	s11 =	sor.u32 s12, s7;
	s4 =	sadd.s32 $0x9200, s14;
	v26 =	vld [tilespmem:s10+$0x0];
	v10 =	vmul.f32 v10, v5;
	v25 =	vadd.f32 v25, v7  }
0x271: {  	v61 =	vld [tilespmem:s11+$0x0];
	s26 =	sor.u32 s13, s4;
	v13 =	vmul.f32 v13, v6  }
0x272: {  	v19 =	vld [tilespmem:s26+$0x0];
	v11 =	vmul.f32 v11, v3;
	v12 =	vmul.f32 v12, v4;
	v10 =	vadd.f32 v10, v25  }
0x273: {  	s17 =	sor.u32 s15, s7;
	v14 =	vmul.f32 v14, v3;
	v16 =	vmul.f32 v16, v4;
	v7 =	vld [tilespmem:$0x13A00]  }
0x274: {  	s18 =	sor.u32 s16, s7;
	v27 =	vld [tilespmem:s17+$0x0];
	v15 =	vmul.f32 v15, v8;
	v13 =	vadd.f32 v13, v10  }
0x275: {  	v28 =	vld [tilespmem:s18+$0x0];
	v12 =	vadd.f32 v12, v11;
	v14 =	vadd.f32 v16, v14;
	v16 =	vmul.f32 v22, v5  }
0x276: {  	s22 =	sor.u32 s12, s24;
	v10 =	vld [tilespmem:$0x13A80];
	v13 =	vadd.f32 v15, v13;
	v15 =	vmul.f32 v17, v9  }
0x277: {  	s20 =	sor.u32 s15, s5;
	v18 =	vmul.f32 v18, v3;
	v12 =	vadd.f32 v16, v12;
	v16 =	vld [tilespmem:s22+$0x0]  }
0x278: {  	s19 =	sor.u32 s12, s5;
	v29 =	vld [tilespmem:s20+$0x0];
	v13 =	vadd.f32 v15, v13;
	v15 =	vmul.f32 v19, v7;
	v19 =	vmul.f32 v20, v4  }
0x279: {  	v17 =	vld [tilespmem:s19+$0x0]  }
0x27a: {  	s21 =	sor.u32 s16, s5;
	v11 =	vld [tilespmem:$0x13B00];
	v13 =	vadd.f32 v15, v13;
	v15 =	vadd.f32 v19, v18;
	v19 =	vmul.f32 v24, v5  }
0x27b: {  	s23 =	sor.u32 s15, s24;
	v20 =	vmul.f32 v21, v10;
	v21 =	vmul.f32 v26, v5;
	v18 =	vld [tilespmem:s21+$0x0]  }
0x27c: {  	s0 =	sor.u32 s16, s24;
	v62 =	vld [tilespmem:s23+$0x0];
	v22 =	vmul.f32 v61, v6;
	v16 =	vmul.f32 v16, v9;
	v14 =	vadd.f32 v19, v14  }
0x27d: {  	s24 =	sor.u32 s12, s4;
	v19 =	vmul.f32 v27, v6;
	v20 =	vadd.f32 v20, v13;
	v13 =	vadd.f32 v21, v15;
	v21 =	vld [tilespmem:s0+$0x0]  }
0x27e: {  	s25 =	sor.u32 s15, s4;
	v63 =	vld [tilespmem:s24+$0x0];
	v22 =	vadd.f32 v22, v12;
	v17 =	vmul.f32 v17, v8;
	v15 =	vmul.f32 v28, v6  }
0x27f: {  	s28 =	sor.u32 s12, s2;
	s29 =	sor.u32 s15, s2;
	s26 =	sor.u32 s16, s4;
	v12 =	vld [tilespmem:s25+$0x0];
	v14 =	vadd.f32 v19, v14;
	v19 =	vmul.f32 v23, v11;
	v23 =	vmul.f32 v29, v8  }
0x280: {  	s2 =	sor.u32 s16, s2;
	s30 =	sadd.s32 $0x16880, s14;
	s14 =	simm.s32 $0x40;
	v17 =	vadd.f32 v17, v22;
	v15 =	vadd.f32 v15, v13;
	v13 =	vld [tilespmem:s26+$0x0];
	v18 =	vmul.f32 v18, v8  }
0x281: {  	s23 =	sor.u32 s16, s31;
	s24 =	sor.u32 s15, s31;
	s15 =	sor.u32 s15, s30;
	v20 =	vadd.f32 v19, v20;
	v22 =	vadd.f32 v23, v14;
	v14 =	vld [tilespmem:s28+$0x0];
	v23 =	vmul.f32 v62, v9  }
0x282: {  	s16 =	sor.u32 s16, s30;
	s25 =	sor.u32 s12, s31;
	s31 =	sor.u32 s13, s30;
	v19 =	vadd.f32 v18, v15;
	v15 =	vld [tilespmem:s29+$0x0];
	v21 =	vmul.f32 v21, v9  }
0x283: {  	s13 =	simm.s32 $0x200;
	s19 =	sor.u32 s12, s30;
	s12 =	simm.s32 $0x0;
	v17 =	vadd.f32 v16, v17;
	v16 =	vld [tilespmem:s2+$0x0];
	[tilespmem:s31+$0x0] =	vst v20;
	v20 =	vmul.f32 v63, v7;
	v18 =	vadd.f32 v23, v22  }
.LBB2_12:
0x284: {  	s17 =	sand.u32 $0x40, s14;
	s20 =	sand.u32 $0x1C00, s13;
	v22 =	vld [tilespmem:s25+$0x0];
	v12 =	vmul.f32 v12, v7;
	v19 =	vadd.f32 v21, v19  }
0x285: {  	s12 =	sadd.s32 $0x4, s12;
	s0 =	sadd.s32 $0x7B00, s20;
	s18 =	sor.u32 $0x30, s17;
	v17 =	vadd.f32 v20, v17;
	v20 =	vld [tilespmem:s24+$0x0];
	v13 =	vmul.f32 v13, v7  }
0x286: {  	s1 =	sadd.s32 $0x7B80, s20;
	p0 =	slt.u32 s12, $0x2C;
	s2 =	sor.u32 s18, s0;
	v14 =	vmul.f32 v14, v10;
	v12 =	vadd.f32 v12, v18;
	v18 =	vld [tilespmem:s23+$0x0]  }
0x287: {  	s22 =	sor.u32 $0x10, s17;
	s21 =	sor.u32 $0x20, s17;
	v21 =	vld [tilespmem:s2+$0x0];
	s2 =	sor.u32 s18, s1;
	v15 =	vmul.f32 v15, v10;
	v13 =	vadd.f32 v13, v19  }
0x288: {  	s5 =	sadd.s32 $0x7C00, s20;
	s3 =	sor.u32 s17, s0;
	s4 =	sor.u32 s17, s1;
	v19 =	vld [tilespmem:s2+$0x0];
	v14 =	vadd.f32 v14, v17;
	v16 =	vmul.f32 v16, v10  }
0x289: {  	s6 =	sor.u32 s18, s5;
	s2 =	sor.u32 s22, s0;
	v17 =	vld [tilespmem:s3+$0x0];
	s3 =	sor.u32 s22, s1;
	v22 =	vmul.f32 v22, v11;
	v12 =	vadd.f32 v15, v12  }
0x28a: {  	s7 =	sadd.s32 $0x9080, s20;
	s10 =	sor.u32 s21, s0;
	s24 =	sor.u32 s21, s1;
	v15 =	vld [tilespmem:s6+$0x0];
	v20 =	vmul.f32 v20, v11;
	v13 =	vadd.f32 v16, v13  }
0x28b: {  	s23 =	sor.u32 s17, s5;
	s0 =	sor.u32 s22, s5;
	s1 =	sor.u32 s18, s7;
	v16 =	vld [tilespmem:s4+$0x0];
	v14 =	vadd.f32 v22, v14;
	v18 =	vmul.f32 v18, v11  }
0x28c: {  	s29 =	sor.u32 s17, s7;
	s6 =	sor.u32 s21, s5;
	s4 =	sadd.s32 $0x9100, s20;
	v22 =	vld [tilespmem:s1+$0x0];
	v12 =	vadd.f32 v20, v12  }
0x28d: {  	s31 =	sor.u32 s22, s7;
	s30 =	sor.u32 s21, s7;
	v21 =	vmul.f32 v21, v3;
	s1 =	sor.u32 s18, s4;
	v20 =	vld [tilespmem:s2+$0x0];
	v19 =	vmul.f32 v19, v4;
	[tilespmem:s19+$0x0] =	vst v14;
	v13 =	vadd.f32 v18, v13  }
0x28e: {  	s5 =	sor.u32 s17, s4;
	s2 =	sadd.s32 $0x9180, s20;
	s19 =	sor.u32 s22, s4;
	v14 =	vmul.f32 v17, v3;
	v17 =	vld [tilespmem:s1+$0x0];
	[tilespmem:s15+$0x0] =	vst v12  }
0x28f: {  	s28 =	sor.u32 s21, s4;
	s8 =	sor.u32 s17, s2;
	s1 =	sor.u32 s18, s2;
	v12 =	vld [tilespmem:s3+$0x0];
	v18 =	vadd.f32 v19, v21;
	v15 =	vmul.f32 v15, v5;
	[tilespmem:s16+$0x0] =	vst v13  }
0x290: {  	s11 =	sor.u32 s22, s2;
	s7 =	sor.u32 s21, s2;
	s3 =	sadd.s32 $0x9200, s20;
	v13 =	vmul.f32 v16, v4;
	v16 =	vld [tilespmem:s1+$0x0]  }
0x291: {  	s9 =	sor.u32 s17, s3;
	s1 =	sor.u32 s22, s3;
	s2 =	sor.u32 s18, s3;
	v19 =	vld [tilespmem:s10+$0x0];
	v15 =	vadd.f32 v15, v18;
	v18 =	vmul.f32 v22, v6  }
0x292: {  	s15 =	sadd.s32 $0x9280, s20;
	s10 =	sor.u32 s21, s3;
	v13 =	vadd.f32 v13, v14;
	v14 =	vmul.f32 v20, v3;
	v20 =	vld [tilespmem:s2+$0x0]  }
0x293: {  	s4 =	sor.u32 s22, s15;
	s3 =	sor.u32 s18, s15;
	s2 =	sor.u32 s17, s15;
	v21 =	vld [tilespmem:s24+$0x0];
	v15 =	vadd.f32 v18, v15;
	v17 =	vmul.f32 v17, v8  }
0x294: {  	s16 =	sadd.s32 $0x9300, s20;
	s26 =	sor.u32 s21, s15;
	v12 =	vmul.f32 v12, v4;
	v18 =	vld [tilespmem:s3+$0x0]  }
0x295: {  	s25 =	sor.u32 s17, s16;
	s24 =	sor.u32 s22, s16;
	s3 =	sor.u32 s18, s16;
	v22 =	vld [tilespmem:s23+$0x0];
	v15 =	vadd.f32 v17, v15;
	v16 =	vmul.f32 v16, v9  }
0x296: {  	s23 =	sor.u32 s21, s16;
	v12 =	vadd.f32 v12, v14;
	v14 =	vmul.f32 v19, v3;
	v17 =	vld [tilespmem:s3+$0x0]  }
0x297: {  	v19 =	vld [tilespmem:s0+$0x0];
	v15 =	vadd.f32 v16, v15;
	v16 =	vmul.f32 v20, v7  }
0x298: {  	v20 =	vmul.f32 v21, v4;
	v21 =	vld [tilespmem:s6+$0x0]  }
0x299: {  	v23 =	vld [tilespmem:s29+$0x0];
	v15 =	vadd.f32 v16, v15;
	v16 =	vmul.f32 v18, v10  }
0x29a: {  	v18 =	vmul.f32 v22, v5;
	v22 =	vld [tilespmem:s31+$0x0];
	v14 =	vadd.f32 v20, v14  }
0x29b: {  	v20 =	vld [tilespmem:s30+$0x0];
	v15 =	vadd.f32 v16, v15;
	v16 =	vmul.f32 v17, v11  }
0x29c: {  	v13 =	vadd.f32 v18, v13;
	v17 =	vld [tilespmem:s5+$0x0];
	v18 =	vmul.f32 v19, v5  }
0x29d: {  	s0 =	sadd.s32 $0x16880, s20;
	v19 =	vld [tilespmem:s19+$0x0];
	v21 =	vmul.f32 v21, v5;
	v15 =	vadd.f32 v16, v15  }
0x29e: {  	s15 =	sor.u32 s22, s0;
	s3 =	sor.u32 s18, s0;
	s19 =	sor.u32 s17, s0;
	v16 =	vmul.f32 v23, v6;
	v12 =	vadd.f32 v18, v12;
	v18 =	vld [tilespmem:s28+$0x0]  }
0x29f: {  	s16 =	sor.u32 s21, s0;
	v23 =	vld [tilespmem:s8+$0x0];
	v22 =	vmul.f32 v22, v6;
	v14 =	vadd.f32 v21, v14;
	[tilespmem:s3+$0x0] =	vst v15  }
0x2a0: {  	v13 =	vadd.f32 v16, v13;
	v15 =	vld [tilespmem:s11+$0x0];
	v16 =	vmul.f32 v20, v6  }
0x2a1: {  	v17 =	vmul.f32 v17, v8;
	v20 =	vadd.f32 v22, v12;
	v21 =	vld [tilespmem:s7+$0x0]  }
0x2a2: {  	v22 =	vld [tilespmem:s9+$0x0];
	v19 =	vmul.f32 v19, v8;
	v16 =	vadd.f32 v16, v14  }
.Ltmp5:
0x2a3: {  	v17 =	vadd.f32 v17, v13;
	v12 =	vld [tilespmem:s1+$0x0];
	v18 =	vmul.f32 v18, v8;
	(pc) =	sbr.rel @p0 .LBB2_12-.Ltmp5, $4  }
0x2a4: {  	v23 =	vmul.f32 v23, v9;
	v24 =	vadd.f32 v19, v20;
	v13 =	vld [tilespmem:s10+$0x0]  }
0x2a5: {  	v14 =	vld [tilespmem:s2+$0x0];
	v25 =	vmul.f32 v15, v9;
	v19 =	vadd.f32 v18, v16  }
0x2a6: {  	v17 =	vadd.f32 v23, v17;
	v15 =	vld [tilespmem:s4+$0x0];
	v21 =	vmul.f32 v21, v9  }
0x2a7: {  	s13 =	sadd.s32 $0x200, s13;
	s14 =	sadd.s32 $0x40, s14;
	v20 =	vmul.f32 v22, v7;
	v18 =	vadd.f32 v25, v24;
	v16 =	vld [tilespmem:s26+$0x0]  }
0x2a8: {  	v3 =	vld [tilespmem:s25+$0x0]  }
0x2a9: {  	v4 =	vld [tilespmem:s24+$0x0]  }
0x2aa: {  	v5 =	vmul.f32 v12, v7;
	v6 =	vadd.f32 v21, v19;
	v8 =	vld [tilespmem:s23+$0x0];
	v7 =	vmul.f32 v13, v7  }
0x2ab: {  	v9 =	vadd.f32 v20, v17;
	v12 =	vmul.f32 v14, v10  }
0x2ac: {  	v5 =	vadd.f32 v5, v18;
	v13 =	vmul.f32 v15, v10;
	v6 =	vadd.f32 v7, v6  }
0x2ad: {  	v7 =	vadd.f32 v12, v9;
	v9 =	vmul.f32 v16, v10;
	v3 =	vmul.f32 v3, v11  }
0x2ae: {  	v5 =	vadd.f32 v13, v5;
	v4 =	vmul.f32 v4, v11  }
0x2af: {  	v6 =	vadd.f32 v9, v6;
	v3 =	vadd.f32 v3, v7;
	v7 =	vmul.f32 v8, v11  }
0x2b0: {  	v4 =	vadd.f32 v4, v5  }
0x2b1: {  	[tilespmem:s19+$0x0] =	vst v3;
	v3 =	vadd.f32 v7, v6  }
0x2b2: {  	[tilespmem:s15+$0x0] =	vst v4  }
0x2b3: {  	[tilespmem:s16+$0x0] =	vst v3  }
0x2b4: {  	s0 =	simm.s32 $0x0;
	v3 =	vld [tilespmem:$0x13B80]  }
0x2b5: {  	s12 =	sand.u32 $0x40, s0;
	s14 =	sand.u32 $0x1C00, s0;
	v4 =	vld [tilespmem:$0x13C00]  }
0x2b6: {  	s1 =	sadd.s32 $0x9380, s14;
	s13 =	sor.u32 $0x30, s12;
	v5 =	vld [tilespmem:$0x13C80]  }
0x2b7: {  	s2 =	sadd.s32 $0x9400, s14;
	s17 =	sor.u32 s13, s1;
	v6 =	vld [tilespmem:$0x13D00]  }
0x2b8: {  	s18 =	sor.u32 s13, s2;
	v7 =	vld [tilespmem:s17+$0x0]  }
0x2b9: {  	s6 =	sadd.s32 $0xA880, s14;
	s3 =	sor.u32 s12, s1;
	v8 =	vld [tilespmem:s18+$0x0]  }
0x2ba: {  	s19 =	sor.u32 s13, s6;
	v11 =	vld [tilespmem:s3+$0x0]  }
0x2bb: {  	s7 =	sadd.s32 $0xA900, s14;
	s20 =	sor.u32 s12, s2;
	v10 =	vld [tilespmem:s19+$0x0]  }
0x2bc: {  	s21 =	sor.u32 s13, s7;
	s15 =	sor.u32 $0x10, s12;
	v12 =	vld [tilespmem:s20+$0x0]  }
0x2bd: {  	s5 =	sadd.s32 $0xA980, s14;
	s22 =	sor.u32 s15, s1;
	v13 =	vld [tilespmem:s21+$0x0]  }
0x2be: {  	s23 =	sor.u32 s13, s5;
	v14 =	vld [tilespmem:s22+$0x0]  }
0x2bf: {  	s24 =	sadd.s32 $0xAA00, s14;
	s4 =	sor.u32 s15, s2;
	v15 =	vld [tilespmem:s23+$0x0]  }
0x2c0: {  	s25 =	sor.u32 s13, s24;
	v16 =	vld [tilespmem:s4+$0x0]  }
0x2c1: {  	s31 =	sadd.s32 $0xAB80, s14;
	s30 =	sor.u32 s12, s6;
	v17 =	vld [tilespmem:s25+$0x0]  }
0x2c2: {  	s8 =	sor.u32 s13, s31;
	v22 =	vld [tilespmem:s30+$0x0]  }
0x2c3: {  	s9 =	sor.u32 s15, s6;
	v23 =	vld [tilespmem:s8+$0x0]  }
0x2c4: {  	v24 =	vld [tilespmem:s9+$0x0]  }
0x2c5: {  	s11 =	sor.u32 s12, s7;
	s16 =	sor.u32 $0x20, s12;
	v9 =	vld [tilespmem:$0x13E00]  }
0x2c6: {  	s1 =	sor.u32 s16, s1;
	v61 =	vld [tilespmem:s11+$0x0]  }
0x2c7: {  	s28 =	sor.u32 s16, s2;
	v18 =	vld [tilespmem:s1+$0x0]  }
0x2c8: {  	v20 =	vld [tilespmem:s28+$0x0];
	v7 =	vmul.f32 v7, v3;
	v25 =	vmul.f32 v8, v4  }
0x2c9: {  	s10 =	sor.u32 s16, s6;
	v8 =	vld [tilespmem:$0x13D80]  }
0x2ca: {  	s4 =	sadd.s32 $0xAA80, s14;
	s17 =	sor.u32 s15, s7;
	v26 =	vld [tilespmem:s10+$0x0];
	v10 =	vmul.f32 v10, v5;
	v25 =	vadd.f32 v25, v7  }
0x2cb: {  	s26 =	sor.u32 s13, s4;
	v27 =	vld [tilespmem:s17+$0x0];
	v13 =	vmul.f32 v13, v6  }
0x2cc: {  	v19 =	vld [tilespmem:s26+$0x0];
	v11 =	vmul.f32 v11, v3;
	v12 =	vmul.f32 v12, v4;
	v10 =	vadd.f32 v10, v25  }
0x2cd: {  	s2 =	sadd.s32 $0xAB00, s14;
	s18 =	sor.u32 s16, s7;
	v14 =	vmul.f32 v14, v3;
	v16 =	vmul.f32 v16, v4;
	v7 =	vld [tilespmem:$0x13E80]  }
0x2ce: {  	s29 =	sor.u32 s13, s2;
	v28 =	vld [tilespmem:s18+$0x0];
	v15 =	vmul.f32 v15, v8;
	v13 =	vadd.f32 v13, v10  }
0x2cf: {  	v21 =	vld [tilespmem:s29+$0x0];
	v12 =	vadd.f32 v12, v11;
	v14 =	vadd.f32 v16, v14;
	v16 =	vmul.f32 v22, v5  }
0x2d0: {  	s22 =	sor.u32 s12, s24;
	v10 =	vld [tilespmem:$0x13F00];
	v13 =	vadd.f32 v15, v13;
	v15 =	vmul.f32 v17, v9  }
0x2d1: {  	s20 =	sor.u32 s15, s5;
	v18 =	vmul.f32 v18, v3;
	v12 =	vadd.f32 v16, v12;
	v16 =	vld [tilespmem:s22+$0x0]  }
0x2d2: {  	s19 =	sor.u32 s12, s5;
	v29 =	vld [tilespmem:s20+$0x0];
	v13 =	vadd.f32 v15, v13;
	v15 =	vmul.f32 v19, v7;
	v19 =	vmul.f32 v20, v4  }
0x2d3: {  	v17 =	vld [tilespmem:s19+$0x0]  }
0x2d4: {  	s21 =	sor.u32 s16, s5;
	v11 =	vld [tilespmem:$0x13F80];
	v13 =	vadd.f32 v15, v13;
	v15 =	vadd.f32 v19, v18;
	v19 =	vmul.f32 v24, v5  }
0x2d5: {  	s23 =	sor.u32 s15, s24;
	v20 =	vmul.f32 v21, v10;
	v21 =	vmul.f32 v26, v5;
	v18 =	vld [tilespmem:s21+$0x0]  }
0x2d6: {  	s0 =	sor.u32 s16, s24;
	v62 =	vld [tilespmem:s23+$0x0];
	v22 =	vmul.f32 v61, v6;
	v16 =	vmul.f32 v16, v9;
	v14 =	vadd.f32 v19, v14  }
0x2d7: {  	s24 =	sor.u32 s12, s4;
	v19 =	vmul.f32 v27, v6;
	v20 =	vadd.f32 v20, v13;
	v13 =	vadd.f32 v21, v15;
	v21 =	vld [tilespmem:s0+$0x0]  }
0x2d8: {  	s25 =	sor.u32 s15, s4;
	v63 =	vld [tilespmem:s24+$0x0];
	v22 =	vadd.f32 v22, v12;
	v17 =	vmul.f32 v17, v8;
	v15 =	vmul.f32 v28, v6  }
0x2d9: {  	s30 =	sadd.s32 $0x16900, s14;
	s14 =	simm.s32 $0x40;
	s26 =	sor.u32 s16, s4;
	v12 =	vld [tilespmem:s25+$0x0];
	v14 =	vadd.f32 v19, v14;
	v19 =	vmul.f32 v23, v11;
	v23 =	vmul.f32 v29, v8  }
0x2da: {  	s28 =	sor.u32 s12, s2;
	s23 =	sor.u32 s16, s31;
	s29 =	sor.u32 s15, s2;
	v17 =	vadd.f32 v17, v22;
	v15 =	vadd.f32 v15, v13;
	v13 =	vld [tilespmem:s26+$0x0];
	v18 =	vmul.f32 v18, v8  }
0x2db: {  	s2 =	sor.u32 s16, s2;
	s24 =	sor.u32 s15, s31;
	s15 =	sor.u32 s15, s30;
	v20 =	vadd.f32 v19, v20;
	v22 =	vadd.f32 v23, v14;
	v14 =	vld [tilespmem:s28+$0x0];
	v23 =	vmul.f32 v62, v9  }
0x2dc: {  	s16 =	sor.u32 s16, s30;
	s25 =	sor.u32 s12, s31;
	s31 =	sor.u32 s13, s30;
	v19 =	vadd.f32 v18, v15;
	v15 =	vld [tilespmem:s29+$0x0];
	v21 =	vmul.f32 v21, v9  }
0x2dd: {  	s13 =	simm.s32 $0x200;
	s19 =	sor.u32 s12, s30;
	s12 =	simm.s32 $0x0;
	v17 =	vadd.f32 v16, v17;
	v16 =	vld [tilespmem:s2+$0x0];
	[tilespmem:s31+$0x0] =	vst v20;
	v20 =	vmul.f32 v63, v7;
	v18 =	vadd.f32 v23, v22  }
.LBB2_14:
0x2de: {  	s17 =	sand.u32 $0x40, s14;
	s20 =	sand.u32 $0x1C00, s13;
	v22 =	vld [tilespmem:s25+$0x0];
	v12 =	vmul.f32 v12, v7;
	v19 =	vadd.f32 v21, v19  }
0x2df: {  	s12 =	sadd.s32 $0x4, s12;
	s0 =	sadd.s32 $0x9380, s20;
	s18 =	sor.u32 $0x30, s17;
	v17 =	vadd.f32 v20, v17;
	v20 =	vld [tilespmem:s24+$0x0];
	v13 =	vmul.f32 v13, v7  }
0x2e0: {  	s1 =	sadd.s32 $0x9400, s20;
	p0 =	slt.u32 s12, $0x2C;
	s2 =	sor.u32 s18, s0;
	v14 =	vmul.f32 v14, v10;
	v12 =	vadd.f32 v12, v18;
	v18 =	vld [tilespmem:s23+$0x0]  }
0x2e1: {  	s22 =	sor.u32 $0x10, s17;
	s21 =	sor.u32 $0x20, s17;
	v21 =	vld [tilespmem:s2+$0x0];
	s2 =	sor.u32 s18, s1;
	v15 =	vmul.f32 v15, v10;
	v13 =	vadd.f32 v13, v19  }
0x2e2: {  	s5 =	sadd.s32 $0xA880, s20;
	s3 =	sor.u32 s17, s0;
	s4 =	sor.u32 s17, s1;
	v19 =	vld [tilespmem:s2+$0x0];
	v14 =	vadd.f32 v14, v17;
	v16 =	vmul.f32 v16, v10  }
0x2e3: {  	s6 =	sor.u32 s18, s5;
	s2 =	sor.u32 s22, s0;
	v17 =	vld [tilespmem:s3+$0x0];
	s3 =	sor.u32 s22, s1;
	v22 =	vmul.f32 v22, v11;
	v12 =	vadd.f32 v15, v12  }
0x2e4: {  	s7 =	sadd.s32 $0xA900, s20;
	s10 =	sor.u32 s21, s0;
	s24 =	sor.u32 s21, s1;
	v15 =	vld [tilespmem:s6+$0x0];
	v20 =	vmul.f32 v20, v11;
	v13 =	vadd.f32 v16, v13  }
0x2e5: {  	s23 =	sor.u32 s17, s5;
	s0 =	sor.u32 s22, s5;
	s1 =	sor.u32 s18, s7;
	v16 =	vld [tilespmem:s4+$0x0];
	v14 =	vadd.f32 v22, v14;
	v18 =	vmul.f32 v18, v11  }
0x2e6: {  	s29 =	sor.u32 s17, s7;
	s6 =	sor.u32 s21, s5;
	s4 =	sadd.s32 $0xA980, s20;
	v22 =	vld [tilespmem:s1+$0x0];
	v12 =	vadd.f32 v20, v12  }
0x2e7: {  	s31 =	sor.u32 s22, s7;
	s30 =	sor.u32 s21, s7;
	v21 =	vmul.f32 v21, v3;
	s1 =	sor.u32 s18, s4;
	v20 =	vld [tilespmem:s2+$0x0];
	v19 =	vmul.f32 v19, v4;
	[tilespmem:s19+$0x0] =	vst v14;
	v13 =	vadd.f32 v18, v13  }
0x2e8: {  	s5 =	sor.u32 s17, s4;
	s2 =	sadd.s32 $0xAA00, s20;
	s19 =	sor.u32 s22, s4;
	v14 =	vmul.f32 v17, v3;
	v17 =	vld [tilespmem:s1+$0x0];
	[tilespmem:s15+$0x0] =	vst v12  }
0x2e9: {  	s28 =	sor.u32 s21, s4;
	s8 =	sor.u32 s17, s2;
	s1 =	sor.u32 s18, s2;
	v12 =	vld [tilespmem:s3+$0x0];
	v18 =	vadd.f32 v19, v21;
	v15 =	vmul.f32 v15, v5;
	[tilespmem:s16+$0x0] =	vst v13  }
0x2ea: {  	s11 =	sor.u32 s22, s2;
	s7 =	sor.u32 s21, s2;
	s3 =	sadd.s32 $0xAA80, s20;
	v13 =	vmul.f32 v16, v4;
	v16 =	vld [tilespmem:s1+$0x0]  }
0x2eb: {  	s9 =	sor.u32 s17, s3;
	s1 =	sor.u32 s22, s3;
	s2 =	sor.u32 s18, s3;
	v19 =	vld [tilespmem:s10+$0x0];
	v15 =	vadd.f32 v15, v18;
	v18 =	vmul.f32 v22, v6  }
0x2ec: {  	s15 =	sadd.s32 $0xAB00, s20;
	s10 =	sor.u32 s21, s3;
	v13 =	vadd.f32 v13, v14;
	v14 =	vmul.f32 v20, v3;
	v20 =	vld [tilespmem:s2+$0x0]  }
0x2ed: {  	s4 =	sor.u32 s22, s15;
	s3 =	sor.u32 s18, s15;
	s2 =	sor.u32 s17, s15;
	v21 =	vld [tilespmem:s24+$0x0];
	v15 =	vadd.f32 v18, v15;
	v17 =	vmul.f32 v17, v8  }
0x2ee: {  	s16 =	sadd.s32 $0xAB80, s20;
	s26 =	sor.u32 s21, s15;
	v12 =	vmul.f32 v12, v4;
	v18 =	vld [tilespmem:s3+$0x0]  }
0x2ef: {  	s25 =	sor.u32 s17, s16;
	s24 =	sor.u32 s22, s16;
	s3 =	sor.u32 s18, s16;
	v22 =	vld [tilespmem:s23+$0x0];
	v15 =	vadd.f32 v17, v15;
	v16 =	vmul.f32 v16, v9  }
0x2f0: {  	s23 =	sor.u32 s21, s16;
	v12 =	vadd.f32 v12, v14;
	v14 =	vmul.f32 v19, v3;
	v17 =	vld [tilespmem:s3+$0x0]  }
0x2f1: {  	v19 =	vld [tilespmem:s0+$0x0];
	v15 =	vadd.f32 v16, v15;
	v16 =	vmul.f32 v20, v7  }
0x2f2: {  	v20 =	vmul.f32 v21, v4;
	v21 =	vld [tilespmem:s6+$0x0]  }
0x2f3: {  	v23 =	vld [tilespmem:s29+$0x0];
	v15 =	vadd.f32 v16, v15;
	v16 =	vmul.f32 v18, v10  }
0x2f4: {  	v18 =	vmul.f32 v22, v5;
	v22 =	vld [tilespmem:s31+$0x0];
	v14 =	vadd.f32 v20, v14  }
0x2f5: {  	v20 =	vld [tilespmem:s30+$0x0];
	v15 =	vadd.f32 v16, v15;
	v16 =	vmul.f32 v17, v11  }
0x2f6: {  	v13 =	vadd.f32 v18, v13;
	v17 =	vld [tilespmem:s5+$0x0];
	v18 =	vmul.f32 v19, v5  }
0x2f7: {  	s0 =	sadd.s32 $0x16900, s20;
	v19 =	vld [tilespmem:s19+$0x0];
	v21 =	vmul.f32 v21, v5;
	v15 =	vadd.f32 v16, v15  }
0x2f8: {  	s15 =	sor.u32 s22, s0;
	s3 =	sor.u32 s18, s0;
	s19 =	sor.u32 s17, s0;
	v16 =	vmul.f32 v23, v6;
	v12 =	vadd.f32 v18, v12;
	v18 =	vld [tilespmem:s28+$0x0]  }
0x2f9: {  	s16 =	sor.u32 s21, s0;
	v23 =	vld [tilespmem:s8+$0x0];
	v22 =	vmul.f32 v22, v6;
	v14 =	vadd.f32 v21, v14;
	[tilespmem:s3+$0x0] =	vst v15  }
0x2fa: {  	v13 =	vadd.f32 v16, v13;
	v15 =	vld [tilespmem:s11+$0x0];
	v16 =	vmul.f32 v20, v6  }
0x2fb: {  	v17 =	vmul.f32 v17, v8;
	v20 =	vadd.f32 v22, v12;
	v21 =	vld [tilespmem:s7+$0x0]  }
0x2fc: {  	v22 =	vld [tilespmem:s9+$0x0];
	v19 =	vmul.f32 v19, v8;
	v16 =	vadd.f32 v16, v14  }
.Ltmp6:
0x2fd: {  	v17 =	vadd.f32 v17, v13;
	v12 =	vld [tilespmem:s1+$0x0];
	v18 =	vmul.f32 v18, v8;
	(pc) =	sbr.rel @p0 .LBB2_14-.Ltmp6, $4  }
0x2fe: {  	v23 =	vmul.f32 v23, v9;
	v24 =	vadd.f32 v19, v20;
	v13 =	vld [tilespmem:s10+$0x0]  }
0x2ff: {  	v14 =	vld [tilespmem:s2+$0x0];
	v25 =	vmul.f32 v15, v9;
	v19 =	vadd.f32 v18, v16  }
0x300: {  	v17 =	vadd.f32 v23, v17;
	v15 =	vld [tilespmem:s4+$0x0];
	v21 =	vmul.f32 v21, v9  }
0x301: {  	s13 =	sadd.s32 $0x200, s13;
	s14 =	sadd.s32 $0x40, s14;
	v20 =	vmul.f32 v22, v7;
	v18 =	vadd.f32 v25, v24;
	v16 =	vld [tilespmem:s26+$0x0]  }
0x302: {  	v3 =	vld [tilespmem:s25+$0x0]  }
0x303: {  	v4 =	vld [tilespmem:s24+$0x0]  }
0x304: {  	v5 =	vmul.f32 v12, v7;
	v6 =	vadd.f32 v21, v19;
	v8 =	vld [tilespmem:s23+$0x0];
	v7 =	vmul.f32 v13, v7  }
0x305: {  	v9 =	vadd.f32 v20, v17;
	v12 =	vmul.f32 v14, v10  }
0x306: {  	v5 =	vadd.f32 v5, v18;
	v13 =	vmul.f32 v15, v10;
	v6 =	vadd.f32 v7, v6  }
0x307: {  	v7 =	vadd.f32 v12, v9;
	v9 =	vmul.f32 v16, v10;
	v3 =	vmul.f32 v3, v11  }
0x308: {  	v5 =	vadd.f32 v13, v5;
	v4 =	vmul.f32 v4, v11  }
0x309: {  	v6 =	vadd.f32 v9, v6;
	v3 =	vadd.f32 v3, v7;
	v7 =	vmul.f32 v8, v11  }
0x30a: {  	v4 =	vadd.f32 v4, v5  }
0x30b: {  	[tilespmem:s19+$0x0] =	vst v3;
	v3 =	vadd.f32 v7, v6  }
0x30c: {  	[tilespmem:s15+$0x0] =	vst v4  }
0x30d: {  	[tilespmem:s16+$0x0] =	vst v3  }
0x30e: {  	s0 =	simm.s32 $0x0;
	v3 =	vld [tilespmem:$0x14000]  }
0x30f: {  	s12 =	sand.u32 $0x40, s0;
	s14 =	sand.u32 $0x1C00, s0;
	v4 =	vld [tilespmem:$0x14080]  }
0x310: {  	s1 =	sadd.s32 $0xAC00, s14;
	s13 =	sor.u32 $0x30, s12;
	v5 =	vld [tilespmem:$0x14100]  }
0x311: {  	s2 =	sor.u32 $0xC080, s14;
	s17 =	sor.u32 s13, s1;
	v6 =	vld [tilespmem:$0x14180]  }
0x312: {  	s18 =	sor.u32 s13, s2;
	v7 =	vld [tilespmem:s17+$0x0]  }
0x313: {  	s6 =	sor.u32 $0xC100, s14;
	s3 =	sor.u32 s12, s1;
	v8 =	vld [tilespmem:s18+$0x0]  }
0x314: {  	s19 =	sor.u32 s13, s6;
	v11 =	vld [tilespmem:s3+$0x0]  }
0x315: {  	s7 =	sor.u32 $0xC180, s14;
	s20 =	sor.u32 s12, s2;
	v10 =	vld [tilespmem:s19+$0x0]  }
0x316: {  	s21 =	sor.u32 s13, s7;
	s15 =	sor.u32 $0x10, s12;
	v12 =	vld [tilespmem:s20+$0x0]  }
0x317: {  	s5 =	sor.u32 $0xC200, s14;
	s22 =	sor.u32 s15, s1;
	v13 =	vld [tilespmem:s21+$0x0]  }
0x318: {  	s23 =	sor.u32 s13, s5;
	v14 =	vld [tilespmem:s22+$0x0]  }
0x319: {  	s24 =	sor.u32 $0xC280, s14;
	s4 =	sor.u32 s15, s2;
	v15 =	vld [tilespmem:s23+$0x0]  }
0x31a: {  	s25 =	sor.u32 s13, s24;
	v16 =	vld [tilespmem:s4+$0x0]  }
0x31b: {  	s31 =	sadd.s32 $0xC400, s14;
	s30 =	sor.u32 s12, s6;
	v17 =	vld [tilespmem:s25+$0x0]  }
0x31c: {  	s8 =	sor.u32 s13, s31;
	v22 =	vld [tilespmem:s30+$0x0]  }
0x31d: {  	s9 =	sor.u32 s15, s6;
	v23 =	vld [tilespmem:s8+$0x0]  }
0x31e: {  	v24 =	vld [tilespmem:s9+$0x0]  }
0x31f: {  	s11 =	sor.u32 s12, s7;
	s16 =	sor.u32 $0x20, s12;
	v9 =	vld [tilespmem:$0x14280]  }
0x320: {  	s1 =	sor.u32 s16, s1;
	v61 =	vld [tilespmem:s11+$0x0]  }
0x321: {  	s28 =	sor.u32 s16, s2;
	v18 =	vld [tilespmem:s1+$0x0]  }
0x322: {  	v20 =	vld [tilespmem:s28+$0x0];
	v7 =	vmul.f32 v7, v3;
	v25 =	vmul.f32 v8, v4  }
0x323: {  	s10 =	sor.u32 s16, s6;
	v8 =	vld [tilespmem:$0x14200]  }
0x324: {  	s4 =	sor.u32 $0xC300, s14;
	s17 =	sor.u32 s15, s7;
	v26 =	vld [tilespmem:s10+$0x0];
	v10 =	vmul.f32 v10, v5;
	v25 =	vadd.f32 v25, v7  }
0x325: {  	s26 =	sor.u32 s13, s4;
	v27 =	vld [tilespmem:s17+$0x0];
	v13 =	vmul.f32 v13, v6  }
0x326: {  	v19 =	vld [tilespmem:s26+$0x0];
	v11 =	vmul.f32 v11, v3;
	v12 =	vmul.f32 v12, v4;
	v10 =	vadd.f32 v10, v25  }
0x327: {  	s2 =	sor.u32 $0xC380, s14;
	s18 =	sor.u32 s16, s7;
	v14 =	vmul.f32 v14, v3;
	v16 =	vmul.f32 v16, v4;
	v7 =	vld [tilespmem:$0x14300]  }
0x328: {  	s29 =	sor.u32 s13, s2;
	v28 =	vld [tilespmem:s18+$0x0];
	v15 =	vmul.f32 v15, v8;
	v13 =	vadd.f32 v13, v10  }
0x329: {  	v21 =	vld [tilespmem:s29+$0x0];
	v12 =	vadd.f32 v12, v11;
	v14 =	vadd.f32 v16, v14;
	v16 =	vmul.f32 v22, v5  }
0x32a: {  	s22 =	sor.u32 s12, s24;
	v10 =	vld [tilespmem:$0x14380];
	v13 =	vadd.f32 v15, v13;
	v15 =	vmul.f32 v17, v9  }
0x32b: {  	s20 =	sor.u32 s15, s5;
	v18 =	vmul.f32 v18, v3;
	v12 =	vadd.f32 v16, v12;
	v16 =	vld [tilespmem:s22+$0x0]  }
0x32c: {  	s19 =	sor.u32 s12, s5;
	v29 =	vld [tilespmem:s20+$0x0];
	v13 =	vadd.f32 v15, v13;
	v15 =	vmul.f32 v19, v7;
	v19 =	vmul.f32 v20, v4  }
0x32d: {  	v17 =	vld [tilespmem:s19+$0x0]  }
0x32e: {  	s21 =	sor.u32 s16, s5;
	v11 =	vld [tilespmem:$0x14400];
	v13 =	vadd.f32 v15, v13;
	v15 =	vadd.f32 v19, v18;
	v19 =	vmul.f32 v24, v5  }
0x32f: {  	s23 =	sor.u32 s15, s24;
	v20 =	vmul.f32 v21, v10;
	v21 =	vmul.f32 v26, v5;
	v18 =	vld [tilespmem:s21+$0x0]  }
0x330: {  	s0 =	sor.u32 s16, s24;
	v62 =	vld [tilespmem:s23+$0x0];
	v22 =	vmul.f32 v61, v6;
	v16 =	vmul.f32 v16, v9;
	v14 =	vadd.f32 v19, v14  }
0x331: {  	s24 =	sor.u32 s12, s4;
	v19 =	vmul.f32 v27, v6;
	v20 =	vadd.f32 v20, v13;
	v13 =	vadd.f32 v21, v15;
	v21 =	vld [tilespmem:s0+$0x0]  }
0x332: {  	s25 =	sor.u32 s15, s4;
	v63 =	vld [tilespmem:s24+$0x0];
	v22 =	vadd.f32 v22, v12;
	v17 =	vmul.f32 v17, v8;
	v15 =	vmul.f32 v28, v6  }
0x333: {  	s30 =	sadd.s32 $0x16980, s14;
	s14 =	simm.s32 $0x40;
	s26 =	sor.u32 s16, s4;
	v12 =	vld [tilespmem:s25+$0x0];
	v14 =	vadd.f32 v19, v14;
	v19 =	vmul.f32 v23, v11;
	v23 =	vmul.f32 v29, v8  }
0x334: {  	s28 =	sor.u32 s12, s2;
	s23 =	sor.u32 s16, s31;
	s29 =	sor.u32 s15, s2;
	v17 =	vadd.f32 v17, v22;
	v15 =	vadd.f32 v15, v13;
	v13 =	vld [tilespmem:s26+$0x0];
	v18 =	vmul.f32 v18, v8  }
0x335: {  	s2 =	sor.u32 s16, s2;
	s24 =	sor.u32 s15, s31;
	s15 =	sor.u32 s15, s30;
	v20 =	vadd.f32 v19, v20;
	v22 =	vadd.f32 v23, v14;
	v14 =	vld [tilespmem:s28+$0x0];
	v23 =	vmul.f32 v62, v9  }
0x336: {  	s16 =	sor.u32 s16, s30;
	s25 =	sor.u32 s12, s31;
	s31 =	sor.u32 s13, s30;
	v19 =	vadd.f32 v18, v15;
	v15 =	vld [tilespmem:s29+$0x0];
	v21 =	vmul.f32 v21, v9  }
0x337: {  	s13 =	simm.s32 $0x200;
	s19 =	sor.u32 s12, s30;
	s12 =	simm.s32 $0x0;
	v17 =	vadd.f32 v16, v17;
	v16 =	vld [tilespmem:s2+$0x0];
	[tilespmem:s31+$0x0] =	vst v20;
	v20 =	vmul.f32 v63, v7;
	v18 =	vadd.f32 v23, v22  }
.LBB2_16:
0x338: {  	s17 =	sand.u32 $0x40, s14;
	s20 =	sand.u32 $0x1C00, s13;
	v22 =	vld [tilespmem:s25+$0x0];
	v12 =	vmul.f32 v12, v7;
	v19 =	vadd.f32 v21, v19  }
0x339: {  	s12 =	sadd.s32 $0x4, s12;
	s0 =	sadd.s32 $0xAC00, s20;
	s18 =	sor.u32 $0x30, s17;
	v17 =	vadd.f32 v20, v17;
	v20 =	vld [tilespmem:s24+$0x0];
	v13 =	vmul.f32 v13, v7  }
0x33a: {  	s1 =	sor.u32 $0xC080, s20;
	p0 =	slt.u32 s12, $0x2C;
	s2 =	sor.u32 s18, s0;
	v14 =	vmul.f32 v14, v10;
	v12 =	vadd.f32 v12, v18;
	v18 =	vld [tilespmem:s23+$0x0]  }
0x33b: {  	s22 =	sor.u32 $0x10, s17;
	s21 =	sor.u32 $0x20, s17;
	v21 =	vld [tilespmem:s2+$0x0];
	s2 =	sor.u32 s18, s1;
	v15 =	vmul.f32 v15, v10;
	v13 =	vadd.f32 v13, v19  }
0x33c: {  	s5 =	sor.u32 $0xC100, s20;
	s3 =	sor.u32 s17, s0;
	s4 =	sor.u32 s17, s1;
	v19 =	vld [tilespmem:s2+$0x0];
	v14 =	vadd.f32 v14, v17;
	v16 =	vmul.f32 v16, v10  }
0x33d: {  	s6 =	sor.u32 s18, s5;
	s2 =	sor.u32 s22, s0;
	v17 =	vld [tilespmem:s3+$0x0];
	s3 =	sor.u32 s22, s1;
	v22 =	vmul.f32 v22, v11;
	v12 =	vadd.f32 v15, v12  }
0x33e: {  	s7 =	sor.u32 $0xC180, s20;
	s10 =	sor.u32 s21, s0;
	s24 =	sor.u32 s21, s1;
	v15 =	vld [tilespmem:s6+$0x0];
	v20 =	vmul.f32 v20, v11;
	v13 =	vadd.f32 v16, v13  }
0x33f: {  	s23 =	sor.u32 s17, s5;
	s0 =	sor.u32 s22, s5;
	s1 =	sor.u32 s18, s7;
	v16 =	vld [tilespmem:s4+$0x0];
	v14 =	vadd.f32 v22, v14;
	v18 =	vmul.f32 v18, v11  }
0x340: {  	s29 =	sor.u32 s17, s7;
	s6 =	sor.u32 s21, s5;
	s4 =	sor.u32 $0xC200, s20;
	v22 =	vld [tilespmem:s1+$0x0];
	v12 =	vadd.f32 v20, v12  }
0x341: {  	s31 =	sor.u32 s22, s7;
	s30 =	sor.u32 s21, s7;
	v21 =	vmul.f32 v21, v3;
	s1 =	sor.u32 s18, s4;
	v20 =	vld [tilespmem:s2+$0x0];
	v19 =	vmul.f32 v19, v4;
	[tilespmem:s19+$0x0] =	vst v14;
	v13 =	vadd.f32 v18, v13  }
0x342: {  	s5 =	sor.u32 s17, s4;
	s2 =	sor.u32 $0xC280, s20;
	s19 =	sor.u32 s22, s4;
	v14 =	vmul.f32 v17, v3;
	v17 =	vld [tilespmem:s1+$0x0];
	[tilespmem:s15+$0x0] =	vst v12  }
0x343: {  	s28 =	sor.u32 s21, s4;
	s8 =	sor.u32 s17, s2;
	s1 =	sor.u32 s18, s2;
	v12 =	vld [tilespmem:s3+$0x0];
	v18 =	vadd.f32 v19, v21;
	v15 =	vmul.f32 v15, v5;
	[tilespmem:s16+$0x0] =	vst v13  }
0x344: {  	s11 =	sor.u32 s22, s2;
	s7 =	sor.u32 s21, s2;
	s3 =	sor.u32 $0xC300, s20;
	v13 =	vmul.f32 v16, v4;
	v16 =	vld [tilespmem:s1+$0x0]  }
0x345: {  	s9 =	sor.u32 s17, s3;
	s1 =	sor.u32 s22, s3;
	s2 =	sor.u32 s18, s3;
	v19 =	vld [tilespmem:s10+$0x0];
	v15 =	vadd.f32 v15, v18;
	v18 =	vmul.f32 v22, v6  }
0x346: {  	s15 =	sor.u32 $0xC380, s20;
	s10 =	sor.u32 s21, s3;
	v13 =	vadd.f32 v13, v14;
	v14 =	vmul.f32 v20, v3;
	v20 =	vld [tilespmem:s2+$0x0]  }
0x347: {  	s4 =	sor.u32 s22, s15;
	s3 =	sor.u32 s18, s15;
	s2 =	sor.u32 s17, s15;
	v21 =	vld [tilespmem:s24+$0x0];
	v15 =	vadd.f32 v18, v15;
	v17 =	vmul.f32 v17, v8  }
0x348: {  	s16 =	sadd.s32 $0xC400, s20;
	s26 =	sor.u32 s21, s15;
	v12 =	vmul.f32 v12, v4;
	v18 =	vld [tilespmem:s3+$0x0]  }
0x349: {  	s25 =	sor.u32 s17, s16;
	s24 =	sor.u32 s22, s16;
	s3 =	sor.u32 s18, s16;
	v22 =	vld [tilespmem:s23+$0x0];
	v15 =	vadd.f32 v17, v15;
	v16 =	vmul.f32 v16, v9  }
0x34a: {  	s23 =	sor.u32 s21, s16;
	v12 =	vadd.f32 v12, v14;
	v14 =	vmul.f32 v19, v3;
	v17 =	vld [tilespmem:s3+$0x0]  }
0x34b: {  	v19 =	vld [tilespmem:s0+$0x0];
	v15 =	vadd.f32 v16, v15;
	v16 =	vmul.f32 v20, v7  }
0x34c: {  	v20 =	vmul.f32 v21, v4;
	v21 =	vld [tilespmem:s6+$0x0]  }
0x34d: {  	v23 =	vld [tilespmem:s29+$0x0];
	v15 =	vadd.f32 v16, v15;
	v16 =	vmul.f32 v18, v10  }
0x34e: {  	v18 =	vmul.f32 v22, v5;
	v22 =	vld [tilespmem:s31+$0x0];
	v14 =	vadd.f32 v20, v14  }
0x34f: {  	v20 =	vld [tilespmem:s30+$0x0];
	v15 =	vadd.f32 v16, v15;
	v16 =	vmul.f32 v17, v11  }
0x350: {  	v13 =	vadd.f32 v18, v13;
	v17 =	vld [tilespmem:s5+$0x0];
	v18 =	vmul.f32 v19, v5  }
0x351: {  	s0 =	sadd.s32 $0x16980, s20;
	v19 =	vld [tilespmem:s19+$0x0];
	v21 =	vmul.f32 v21, v5;
	v15 =	vadd.f32 v16, v15  }
0x352: {  	s15 =	sor.u32 s22, s0;
	s3 =	sor.u32 s18, s0;
	s19 =	sor.u32 s17, s0;
	v16 =	vmul.f32 v23, v6;
	v12 =	vadd.f32 v18, v12;
	v18 =	vld [tilespmem:s28+$0x0]  }
0x353: {  	s16 =	sor.u32 s21, s0;
	v23 =	vld [tilespmem:s8+$0x0];
	v22 =	vmul.f32 v22, v6;
	v14 =	vadd.f32 v21, v14;
	[tilespmem:s3+$0x0] =	vst v15  }
0x354: {  	v13 =	vadd.f32 v16, v13;
	v15 =	vld [tilespmem:s11+$0x0];
	v16 =	vmul.f32 v20, v6  }
0x355: {  	v17 =	vmul.f32 v17, v8;
	v20 =	vadd.f32 v22, v12;
	v21 =	vld [tilespmem:s7+$0x0]  }
0x356: {  	v22 =	vld [tilespmem:s9+$0x0];
	v19 =	vmul.f32 v19, v8;
	v16 =	vadd.f32 v16, v14  }
.Ltmp7:
0x357: {  	v17 =	vadd.f32 v17, v13;
	v12 =	vld [tilespmem:s1+$0x0];
	v18 =	vmul.f32 v18, v8;
	(pc) =	sbr.rel @p0 .LBB2_16-.Ltmp7, $4  }
0x358: {  	v23 =	vmul.f32 v23, v9;
	v24 =	vadd.f32 v19, v20;
	v13 =	vld [tilespmem:s10+$0x0]  }
0x359: {  	v14 =	vld [tilespmem:s2+$0x0];
	v25 =	vmul.f32 v15, v9;
	v19 =	vadd.f32 v18, v16  }
0x35a: {  	v17 =	vadd.f32 v23, v17;
	v15 =	vld [tilespmem:s4+$0x0];
	v21 =	vmul.f32 v21, v9  }
0x35b: {  	s13 =	sadd.s32 $0x200, s13;
	s14 =	sadd.s32 $0x40, s14;
	v20 =	vmul.f32 v22, v7;
	v18 =	vadd.f32 v25, v24;
	v16 =	vld [tilespmem:s26+$0x0]  }
0x35c: {  	v3 =	vld [tilespmem:s25+$0x0]  }
0x35d: {  	v4 =	vld [tilespmem:s24+$0x0]  }
0x35e: {  	v5 =	vmul.f32 v12, v7;
	v6 =	vadd.f32 v21, v19;
	v8 =	vld [tilespmem:s23+$0x0];
	v7 =	vmul.f32 v13, v7  }
0x35f: {  	v9 =	vadd.f32 v20, v17;
	v12 =	vmul.f32 v14, v10  }
0x360: {  	v5 =	vadd.f32 v5, v18;
	v13 =	vmul.f32 v15, v10;
	v6 =	vadd.f32 v7, v6  }
0x361: {  	v7 =	vadd.f32 v12, v9;
	v9 =	vmul.f32 v16, v10;
	v3 =	vmul.f32 v3, v11  }
0x362: {  	v5 =	vadd.f32 v13, v5;
	v4 =	vmul.f32 v4, v11  }
0x363: {  	v6 =	vadd.f32 v9, v6;
	v3 =	vadd.f32 v3, v7;
	v7 =	vmul.f32 v8, v11  }
0x364: {  	v4 =	vadd.f32 v4, v5  }
0x365: {  	[tilespmem:s19+$0x0] =	vst v3;
	v3 =	vadd.f32 v7, v6  }
0x366: {  	[tilespmem:s15+$0x0] =	vst v4  }
0x367: {  	[tilespmem:s16+$0x0] =	vst v3  }
0x368: {  	s0 =	simm.s32 $0x0;
	v3 =	vld [tilespmem:$0x14480]  }
0x369: {  	s12 =	sand.u32 $0x40, s0;
	s14 =	sand.u32 $0x1C00, s0;
	v4 =	vld [tilespmem:$0x14500]  }
0x36a: {  	s1 =	sadd.s32 $0xD880, s14;
	s13 =	sor.u32 $0x30, s12;
	v5 =	vld [tilespmem:$0x14580]  }
0x36b: {  	s2 =	sadd.s32 $0xD900, s14;
	s17 =	sor.u32 s13, s1;
	v6 =	vld [tilespmem:$0x14600]  }
0x36c: {  	s18 =	sor.u32 s13, s2;
	v7 =	vld [tilespmem:s17+$0x0]  }
0x36d: {  	s6 =	sadd.s32 $0xD980, s14;
	s3 =	sor.u32 s12, s1;
	v8 =	vld [tilespmem:s18+$0x0]  }
0x36e: {  	s19 =	sor.u32 s13, s6;
	v11 =	vld [tilespmem:s3+$0x0]  }
0x36f: {  	s7 =	sadd.s32 $0xDA00, s14;
	s20 =	sor.u32 s12, s2;
	v10 =	vld [tilespmem:s19+$0x0]  }
0x370: {  	s21 =	sor.u32 s13, s7;
	s15 =	sor.u32 $0x10, s12;
	v12 =	vld [tilespmem:s20+$0x0]  }
0x371: {  	s5 =	sadd.s32 $0xDA80, s14;
	s22 =	sor.u32 s15, s1;
	v13 =	vld [tilespmem:s21+$0x0]  }
0x372: {  	s23 =	sor.u32 s13, s5;
	v14 =	vld [tilespmem:s22+$0x0]  }
0x373: {  	s24 =	sadd.s32 $0xDB00, s14;
	s4 =	sor.u32 s15, s2;
	v15 =	vld [tilespmem:s23+$0x0]  }
0x374: {  	s25 =	sor.u32 s13, s24;
	v16 =	vld [tilespmem:s4+$0x0]  }
0x375: {  	s31 =	sadd.s32 $0xF080, s14;
	s30 =	sor.u32 s12, s6;
	v17 =	vld [tilespmem:s25+$0x0]  }
0x376: {  	s8 =	sor.u32 s13, s31;
	v22 =	vld [tilespmem:s30+$0x0]  }
0x377: {  	s9 =	sor.u32 s15, s6;
	v23 =	vld [tilespmem:s8+$0x0]  }
0x378: {  	v24 =	vld [tilespmem:s9+$0x0]  }
0x379: {  	s11 =	sor.u32 s12, s7;
	s16 =	sor.u32 $0x20, s12;
	v9 =	vld [tilespmem:$0x14700]  }
0x37a: {  	s1 =	sor.u32 s16, s1;
	v61 =	vld [tilespmem:s11+$0x0]  }
0x37b: {  	s28 =	sor.u32 s16, s2;
	v18 =	vld [tilespmem:s1+$0x0]  }
0x37c: {  	v20 =	vld [tilespmem:s28+$0x0];
	v7 =	vmul.f32 v7, v3;
	v25 =	vmul.f32 v8, v4  }
0x37d: {  	s10 =	sor.u32 s16, s6;
	v8 =	vld [tilespmem:$0x14680]  }
0x37e: {  	s4 =	sadd.s32 $0xDB80, s14;
	s17 =	sor.u32 s15, s7;
	v26 =	vld [tilespmem:s10+$0x0];
	v10 =	vmul.f32 v10, v5;
	v25 =	vadd.f32 v25, v7  }
0x37f: {  	s26 =	sor.u32 s13, s4;
	v27 =	vld [tilespmem:s17+$0x0];
	v13 =	vmul.f32 v13, v6  }
0x380: {  	v19 =	vld [tilespmem:s26+$0x0];
	v11 =	vmul.f32 v11, v3;
	v12 =	vmul.f32 v12, v4;
	v10 =	vadd.f32 v10, v25  }
0x381: {  	s2 =	sadd.s32 $0xDC00, s14;
	s18 =	sor.u32 s16, s7;
	v14 =	vmul.f32 v14, v3;
	v16 =	vmul.f32 v16, v4;
	v7 =	vld [tilespmem:$0x14780]  }
0x382: {  	s29 =	sor.u32 s13, s2;
	v28 =	vld [tilespmem:s18+$0x0];
	v15 =	vmul.f32 v15, v8;
	v13 =	vadd.f32 v13, v10  }
0x383: {  	v21 =	vld [tilespmem:s29+$0x0];
	v12 =	vadd.f32 v12, v11;
	v14 =	vadd.f32 v16, v14;
	v16 =	vmul.f32 v22, v5  }
0x384: {  	s22 =	sor.u32 s12, s24;
	v10 =	vld [tilespmem:$0x14800];
	v13 =	vadd.f32 v15, v13;
	v15 =	vmul.f32 v17, v9  }
0x385: {  	s20 =	sor.u32 s15, s5;
	v18 =	vmul.f32 v18, v3;
	v12 =	vadd.f32 v16, v12;
	v16 =	vld [tilespmem:s22+$0x0]  }
0x386: {  	s19 =	sor.u32 s12, s5;
	v29 =	vld [tilespmem:s20+$0x0];
	v13 =	vadd.f32 v15, v13;
	v15 =	vmul.f32 v19, v7;
	v19 =	vmul.f32 v20, v4  }
0x387: {  	v17 =	vld [tilespmem:s19+$0x0]  }
0x388: {  	s21 =	sor.u32 s16, s5;
	v11 =	vld [tilespmem:$0x14880];
	v13 =	vadd.f32 v15, v13;
	v15 =	vadd.f32 v19, v18;
	v19 =	vmul.f32 v24, v5  }
0x389: {  	s23 =	sor.u32 s15, s24;
	v20 =	vmul.f32 v21, v10;
	v21 =	vmul.f32 v26, v5;
	v18 =	vld [tilespmem:s21+$0x0]  }
0x38a: {  	s0 =	sor.u32 s16, s24;
	v62 =	vld [tilespmem:s23+$0x0];
	v22 =	vmul.f32 v61, v6;
	v16 =	vmul.f32 v16, v9;
	v14 =	vadd.f32 v19, v14  }
0x38b: {  	s24 =	sor.u32 s12, s4;
	v19 =	vmul.f32 v27, v6;
	v20 =	vadd.f32 v20, v13;
	v13 =	vadd.f32 v21, v15;
	v21 =	vld [tilespmem:s0+$0x0]  }
0x38c: {  	s25 =	sor.u32 s15, s4;
	v63 =	vld [tilespmem:s24+$0x0];
	v22 =	vadd.f32 v22, v12;
	v17 =	vmul.f32 v17, v8;
	v15 =	vmul.f32 v28, v6  }
0x38d: {  	s30 =	sadd.s32 $0x16A00, s14;
	s14 =	simm.s32 $0x40;
	s26 =	sor.u32 s16, s4;
	v12 =	vld [tilespmem:s25+$0x0];
	v14 =	vadd.f32 v19, v14;
	v19 =	vmul.f32 v23, v11;
	v23 =	vmul.f32 v29, v8  }
0x38e: {  	s28 =	sor.u32 s12, s2;
	s23 =	sor.u32 s16, s31;
	s29 =	sor.u32 s15, s2;
	v17 =	vadd.f32 v17, v22;
	v15 =	vadd.f32 v15, v13;
	v13 =	vld [tilespmem:s26+$0x0];
	v18 =	vmul.f32 v18, v8  }
0x38f: {  	s2 =	sor.u32 s16, s2;
	s24 =	sor.u32 s15, s31;
	s15 =	sor.u32 s15, s30;
	v20 =	vadd.f32 v19, v20;
	v22 =	vadd.f32 v23, v14;
	v14 =	vld [tilespmem:s28+$0x0];
	v23 =	vmul.f32 v62, v9  }
0x390: {  	s16 =	sor.u32 s16, s30;
	s25 =	sor.u32 s12, s31;
	s31 =	sor.u32 s13, s30;
	v19 =	vadd.f32 v18, v15;
	v15 =	vld [tilespmem:s29+$0x0];
	v21 =	vmul.f32 v21, v9  }
0x391: {  	s13 =	simm.s32 $0x200;
	s19 =	sor.u32 s12, s30;
	s12 =	simm.s32 $0x0;
	v17 =	vadd.f32 v16, v17;
	v16 =	vld [tilespmem:s2+$0x0];
	[tilespmem:s31+$0x0] =	vst v20;
	v20 =	vmul.f32 v63, v7;
	v18 =	vadd.f32 v23, v22  }
.LBB2_18:
0x392: {  	s17 =	sand.u32 $0x40, s14;
	s20 =	sand.u32 $0x1C00, s13;
	v22 =	vld [tilespmem:s25+$0x0];
	v12 =	vmul.f32 v12, v7;
	v19 =	vadd.f32 v21, v19  }
0x393: {  	s12 =	sadd.s32 $0x4, s12;
	s0 =	sadd.s32 $0xD880, s20;
	s18 =	sor.u32 $0x30, s17;
	v17 =	vadd.f32 v20, v17;
	v20 =	vld [tilespmem:s24+$0x0];
	v13 =	vmul.f32 v13, v7  }
0x394: {  	s1 =	sadd.s32 $0xD900, s20;
	p0 =	slt.u32 s12, $0x2C;
	s2 =	sor.u32 s18, s0;
	v14 =	vmul.f32 v14, v10;
	v12 =	vadd.f32 v12, v18;
	v18 =	vld [tilespmem:s23+$0x0]  }
0x395: {  	s22 =	sor.u32 $0x10, s17;
	s21 =	sor.u32 $0x20, s17;
	v21 =	vld [tilespmem:s2+$0x0];
	s2 =	sor.u32 s18, s1;
	v15 =	vmul.f32 v15, v10;
	v13 =	vadd.f32 v13, v19  }
0x396: {  	s5 =	sadd.s32 $0xD980, s20;
	s3 =	sor.u32 s17, s0;
	s4 =	sor.u32 s17, s1;
	v19 =	vld [tilespmem:s2+$0x0];
	v14 =	vadd.f32 v14, v17;
	v16 =	vmul.f32 v16, v10  }
0x397: {  	s6 =	sor.u32 s18, s5;
	s2 =	sor.u32 s22, s0;
	v17 =	vld [tilespmem:s3+$0x0];
	s3 =	sor.u32 s22, s1;
	v22 =	vmul.f32 v22, v11;
	v12 =	vadd.f32 v15, v12  }
0x398: {  	s7 =	sadd.s32 $0xDA00, s20;
	s10 =	sor.u32 s21, s0;
	s24 =	sor.u32 s21, s1;
	v15 =	vld [tilespmem:s6+$0x0];
	v20 =	vmul.f32 v20, v11;
	v13 =	vadd.f32 v16, v13  }
0x399: {  	s23 =	sor.u32 s17, s5;
	s0 =	sor.u32 s22, s5;
	s1 =	sor.u32 s18, s7;
	v16 =	vld [tilespmem:s4+$0x0];
	v14 =	vadd.f32 v22, v14;
	v18 =	vmul.f32 v18, v11  }
0x39a: {  	s29 =	sor.u32 s17, s7;
	s6 =	sor.u32 s21, s5;
	s4 =	sadd.s32 $0xDA80, s20;
	v22 =	vld [tilespmem:s1+$0x0];
	v12 =	vadd.f32 v20, v12  }
0x39b: {  	s31 =	sor.u32 s22, s7;
	s30 =	sor.u32 s21, s7;
	v21 =	vmul.f32 v21, v3;
	s1 =	sor.u32 s18, s4;
	v20 =	vld [tilespmem:s2+$0x0];
	v19 =	vmul.f32 v19, v4;
	[tilespmem:s19+$0x0] =	vst v14;
	v13 =	vadd.f32 v18, v13  }
0x39c: {  	s5 =	sor.u32 s17, s4;
	s2 =	sadd.s32 $0xDB00, s20;
	s19 =	sor.u32 s22, s4;
	v14 =	vmul.f32 v17, v3;
	v17 =	vld [tilespmem:s1+$0x0];
	[tilespmem:s15+$0x0] =	vst v12  }
0x39d: {  	s28 =	sor.u32 s21, s4;
	s8 =	sor.u32 s17, s2;
	s1 =	sor.u32 s18, s2;
	v12 =	vld [tilespmem:s3+$0x0];
	v18 =	vadd.f32 v19, v21;
	v15 =	vmul.f32 v15, v5;
	[tilespmem:s16+$0x0] =	vst v13  }
0x39e: {  	s11 =	sor.u32 s22, s2;
	s7 =	sor.u32 s21, s2;
	s3 =	sadd.s32 $0xDB80, s20;
	v13 =	vmul.f32 v16, v4;
	v16 =	vld [tilespmem:s1+$0x0]  }
0x39f: {  	s9 =	sor.u32 s17, s3;
	s1 =	sor.u32 s22, s3;
	s2 =	sor.u32 s18, s3;
	v19 =	vld [tilespmem:s10+$0x0];
	v15 =	vadd.f32 v15, v18;
	v18 =	vmul.f32 v22, v6  }
0x3a0: {  	s15 =	sadd.s32 $0xDC00, s20;
	s10 =	sor.u32 s21, s3;
	v13 =	vadd.f32 v13, v14;
	v14 =	vmul.f32 v20, v3;
	v20 =	vld [tilespmem:s2+$0x0]  }
0x3a1: {  	s4 =	sor.u32 s22, s15;
	s3 =	sor.u32 s18, s15;
	s2 =	sor.u32 s17, s15;
	v21 =	vld [tilespmem:s24+$0x0];
	v15 =	vadd.f32 v18, v15;
	v17 =	vmul.f32 v17, v8  }
0x3a2: {  	s16 =	sadd.s32 $0xF080, s20;
	s26 =	sor.u32 s21, s15;
	v12 =	vmul.f32 v12, v4;
	v18 =	vld [tilespmem:s3+$0x0]  }
0x3a3: {  	s25 =	sor.u32 s17, s16;
	s24 =	sor.u32 s22, s16;
	s3 =	sor.u32 s18, s16;
	v22 =	vld [tilespmem:s23+$0x0];
	v15 =	vadd.f32 v17, v15;
	v16 =	vmul.f32 v16, v9  }
0x3a4: {  	s23 =	sor.u32 s21, s16;
	v12 =	vadd.f32 v12, v14;
	v14 =	vmul.f32 v19, v3;
	v17 =	vld [tilespmem:s3+$0x0]  }
0x3a5: {  	v19 =	vld [tilespmem:s0+$0x0];
	v15 =	vadd.f32 v16, v15;
	v16 =	vmul.f32 v20, v7  }
0x3a6: {  	v20 =	vmul.f32 v21, v4;
	v21 =	vld [tilespmem:s6+$0x0]  }
0x3a7: {  	v23 =	vld [tilespmem:s29+$0x0];
	v15 =	vadd.f32 v16, v15;
	v16 =	vmul.f32 v18, v10  }
0x3a8: {  	v18 =	vmul.f32 v22, v5;
	v22 =	vld [tilespmem:s31+$0x0];
	v14 =	vadd.f32 v20, v14  }
0x3a9: {  	v20 =	vld [tilespmem:s30+$0x0];
	v15 =	vadd.f32 v16, v15;
	v16 =	vmul.f32 v17, v11  }
0x3aa: {  	v13 =	vadd.f32 v18, v13;
	v17 =	vld [tilespmem:s5+$0x0];
	v18 =	vmul.f32 v19, v5  }
0x3ab: {  	s0 =	sadd.s32 $0x16A00, s20;
	v19 =	vld [tilespmem:s19+$0x0];
	v21 =	vmul.f32 v21, v5;
	v15 =	vadd.f32 v16, v15  }
0x3ac: {  	s15 =	sor.u32 s22, s0;
	s3 =	sor.u32 s18, s0;
	s19 =	sor.u32 s17, s0;
	v16 =	vmul.f32 v23, v6;
	v12 =	vadd.f32 v18, v12;
	v18 =	vld [tilespmem:s28+$0x0]  }
0x3ad: {  	s16 =	sor.u32 s21, s0;
	v23 =	vld [tilespmem:s8+$0x0];
	v22 =	vmul.f32 v22, v6;
	v14 =	vadd.f32 v21, v14;
	[tilespmem:s3+$0x0] =	vst v15  }
0x3ae: {  	v13 =	vadd.f32 v16, v13;
	v15 =	vld [tilespmem:s11+$0x0];
	v16 =	vmul.f32 v20, v6  }
0x3af: {  	v17 =	vmul.f32 v17, v8;
	v20 =	vadd.f32 v22, v12;
	v21 =	vld [tilespmem:s7+$0x0]  }
0x3b0: {  	v22 =	vld [tilespmem:s9+$0x0];
	v19 =	vmul.f32 v19, v8;
	v16 =	vadd.f32 v16, v14  }
.Ltmp8:
0x3b1: {  	v17 =	vadd.f32 v17, v13;
	v12 =	vld [tilespmem:s1+$0x0];
	v18 =	vmul.f32 v18, v8;
	(pc) =	sbr.rel @p0 .LBB2_18-.Ltmp8, $4  }
0x3b2: {  	v23 =	vmul.f32 v23, v9;
	v24 =	vadd.f32 v19, v20;
	v13 =	vld [tilespmem:s10+$0x0]  }
0x3b3: {  	v14 =	vld [tilespmem:s2+$0x0];
	v25 =	vmul.f32 v15, v9;
	v19 =	vadd.f32 v18, v16  }
0x3b4: {  	v17 =	vadd.f32 v23, v17;
	v15 =	vld [tilespmem:s4+$0x0];
	v21 =	vmul.f32 v21, v9  }
0x3b5: {  	s13 =	sadd.s32 $0x200, s13;
	s14 =	sadd.s32 $0x40, s14;
	v20 =	vmul.f32 v22, v7;
	v18 =	vadd.f32 v25, v24;
	v16 =	vld [tilespmem:s26+$0x0]  }
0x3b6: {  	v3 =	vld [tilespmem:s25+$0x0]  }
0x3b7: {  	v4 =	vld [tilespmem:s24+$0x0]  }
0x3b8: {  	v5 =	vmul.f32 v12, v7;
	v6 =	vadd.f32 v21, v19;
	v8 =	vld [tilespmem:s23+$0x0];
	v7 =	vmul.f32 v13, v7  }
0x3b9: {  	v9 =	vadd.f32 v20, v17;
	v12 =	vmul.f32 v14, v10  }
0x3ba: {  	v5 =	vadd.f32 v5, v18;
	v13 =	vmul.f32 v15, v10;
	v6 =	vadd.f32 v7, v6  }
0x3bb: {  	v7 =	vadd.f32 v12, v9;
	v9 =	vmul.f32 v16, v10;
	v3 =	vmul.f32 v3, v11  }
0x3bc: {  	v5 =	vadd.f32 v13, v5;
	v4 =	vmul.f32 v4, v11  }
0x3bd: {  	v6 =	vadd.f32 v9, v6;
	v3 =	vadd.f32 v3, v7;
	v7 =	vmul.f32 v8, v11  }
0x3be: {  	v4 =	vadd.f32 v4, v5  }
0x3bf: {  	[tilespmem:s19+$0x0] =	vst v3;
	v3 =	vadd.f32 v7, v6  }
0x3c0: {  	[tilespmem:s15+$0x0] =	vst v4  }
0x3c1: {  	[tilespmem:s16+$0x0] =	vst v3  }
0x3c2: {  	s0 =	simm.s32 $0x0;
	v3 =	vld [tilespmem:$0x14900]  }
0x3c3: {  	s12 =	sand.u32 $0x40, s0;
	s14 =	sand.u32 $0x1C00, s0;
	v4 =	vld [tilespmem:$0x14980]  }
0x3c4: {  	s1 =	sadd.s32 $0xF100, s14;
	s13 =	sor.u32 $0x30, s12;
	v5 =	vld [tilespmem:$0x14A00]  }
0x3c5: {  	s2 =	sadd.s32 $0xF180, s14;
	s17 =	sor.u32 s13, s1;
	v6 =	vld [tilespmem:$0x14A80]  }
0x3c6: {  	s18 =	sor.u32 s13, s2;
	v7 =	vld [tilespmem:s17+$0x0]  }
0x3c7: {  	s6 =	sadd.s32 $0xF200, s14;
	s3 =	sor.u32 s12, s1;
	v8 =	vld [tilespmem:s18+$0x0]  }
0x3c8: {  	s19 =	sor.u32 s13, s6;
	v11 =	vld [tilespmem:s3+$0x0]  }
0x3c9: {  	s7 =	sadd.s32 $0xF280, s14;
	s20 =	sor.u32 s12, s2;
	v10 =	vld [tilespmem:s19+$0x0]  }
0x3ca: {  	s21 =	sor.u32 s13, s7;
	s15 =	sor.u32 $0x10, s12;
	v12 =	vld [tilespmem:s20+$0x0]  }
0x3cb: {  	s5 =	sadd.s32 $0xF300, s14;
	s22 =	sor.u32 s15, s1;
	v13 =	vld [tilespmem:s21+$0x0]  }
0x3cc: {  	s23 =	sor.u32 s13, s5;
	v14 =	vld [tilespmem:s22+$0x0]  }
0x3cd: {  	s24 =	sadd.s32 $0xF380, s14;
	s4 =	sor.u32 s15, s2;
	v15 =	vld [tilespmem:s23+$0x0]  }
0x3ce: {  	s25 =	sor.u32 s13, s24;
	v16 =	vld [tilespmem:s4+$0x0]  }
0x3cf: {  	s31 =	sadd.s32 $0x10900, s14;
	s30 =	sor.u32 s12, s6;
	v17 =	vld [tilespmem:s25+$0x0]  }
0x3d0: {  	s8 =	sor.u32 s13, s31;
	v22 =	vld [tilespmem:s30+$0x0]  }
0x3d1: {  	s9 =	sor.u32 s15, s6;
	v23 =	vld [tilespmem:s8+$0x0]  }
0x3d2: {  	v24 =	vld [tilespmem:s9+$0x0]  }
0x3d3: {  	s11 =	sor.u32 s12, s7;
	s16 =	sor.u32 $0x20, s12;
	v9 =	vld [tilespmem:$0x14B80]  }
0x3d4: {  	s1 =	sor.u32 s16, s1;
	v61 =	vld [tilespmem:s11+$0x0]  }
0x3d5: {  	s28 =	sor.u32 s16, s2;
	v18 =	vld [tilespmem:s1+$0x0]  }
0x3d6: {  	v20 =	vld [tilespmem:s28+$0x0];
	v7 =	vmul.f32 v7, v3;
	v25 =	vmul.f32 v8, v4  }
0x3d7: {  	s10 =	sor.u32 s16, s6;
	v8 =	vld [tilespmem:$0x14B00]  }
0x3d8: {  	s4 =	sadd.s32 $0xF400, s14;
	s17 =	sor.u32 s15, s7;
	v26 =	vld [tilespmem:s10+$0x0];
	v10 =	vmul.f32 v10, v5;
	v25 =	vadd.f32 v25, v7  }
0x3d9: {  	s26 =	sor.u32 s13, s4;
	v27 =	vld [tilespmem:s17+$0x0];
	v13 =	vmul.f32 v13, v6  }
0x3da: {  	v19 =	vld [tilespmem:s26+$0x0];
	v11 =	vmul.f32 v11, v3;
	v12 =	vmul.f32 v12, v4;
	v10 =	vadd.f32 v10, v25  }
0x3db: {  	s2 =	sadd.s32 $0x10880, s14;
	s18 =	sor.u32 s16, s7;
	v14 =	vmul.f32 v14, v3;
	v16 =	vmul.f32 v16, v4;
	v7 =	vld [tilespmem:$0x14C00]  }
0x3dc: {  	s29 =	sor.u32 s13, s2;
	v28 =	vld [tilespmem:s18+$0x0];
	v15 =	vmul.f32 v15, v8;
	v13 =	vadd.f32 v13, v10  }
0x3dd: {  	v21 =	vld [tilespmem:s29+$0x0];
	v12 =	vadd.f32 v12, v11;
	v14 =	vadd.f32 v16, v14;
	v16 =	vmul.f32 v22, v5  }
0x3de: {  	s22 =	sor.u32 s12, s24;
	v10 =	vld [tilespmem:$0x14C80];
	v13 =	vadd.f32 v15, v13;
	v15 =	vmul.f32 v17, v9  }
0x3df: {  	s20 =	sor.u32 s15, s5;
	v18 =	vmul.f32 v18, v3;
	v12 =	vadd.f32 v16, v12;
	v16 =	vld [tilespmem:s22+$0x0]  }
0x3e0: {  	s19 =	sor.u32 s12, s5;
	v29 =	vld [tilespmem:s20+$0x0];
	v13 =	vadd.f32 v15, v13;
	v15 =	vmul.f32 v19, v7;
	v19 =	vmul.f32 v20, v4  }
0x3e1: {  	v17 =	vld [tilespmem:s19+$0x0]  }
0x3e2: {  	s21 =	sor.u32 s16, s5;
	v11 =	vld [tilespmem:$0x14D00];
	v13 =	vadd.f32 v15, v13;
	v15 =	vadd.f32 v19, v18;
	v19 =	vmul.f32 v24, v5  }
0x3e3: {  	s23 =	sor.u32 s15, s24;
	v20 =	vmul.f32 v21, v10;
	v21 =	vmul.f32 v26, v5;
	v18 =	vld [tilespmem:s21+$0x0]  }
0x3e4: {  	s0 =	sor.u32 s16, s24;
	v62 =	vld [tilespmem:s23+$0x0];
	v22 =	vmul.f32 v61, v6;
	v16 =	vmul.f32 v16, v9;
	v14 =	vadd.f32 v19, v14  }
0x3e5: {  	s24 =	sor.u32 s12, s4;
	v19 =	vmul.f32 v27, v6;
	v20 =	vadd.f32 v20, v13;
	v13 =	vadd.f32 v21, v15;
	v21 =	vld [tilespmem:s0+$0x0]  }
0x3e6: {  	s25 =	sor.u32 s15, s4;
	v63 =	vld [tilespmem:s24+$0x0];
	v22 =	vadd.f32 v22, v12;
	v17 =	vmul.f32 v17, v8;
	v15 =	vmul.f32 v28, v6  }
0x3e7: {  	s30 =	sadd.s32 $0x16A80, s14;
	s14 =	simm.s32 $0x40;
	s26 =	sor.u32 s16, s4;
	v12 =	vld [tilespmem:s25+$0x0];
	v14 =	vadd.f32 v19, v14;
	v19 =	vmul.f32 v23, v11;
	v23 =	vmul.f32 v29, v8  }
0x3e8: {  	s28 =	sor.u32 s12, s2;
	s23 =	sor.u32 s16, s31;
	s29 =	sor.u32 s15, s2;
	v17 =	vadd.f32 v17, v22;
	v15 =	vadd.f32 v15, v13;
	v13 =	vld [tilespmem:s26+$0x0];
	v18 =	vmul.f32 v18, v8  }
0x3e9: {  	s2 =	sor.u32 s16, s2;
	s24 =	sor.u32 s15, s31;
	s15 =	sor.u32 s15, s30;
	v20 =	vadd.f32 v19, v20;
	v22 =	vadd.f32 v23, v14;
	v14 =	vld [tilespmem:s28+$0x0];
	v23 =	vmul.f32 v62, v9  }
0x3ea: {  	s16 =	sor.u32 s16, s30;
	s25 =	sor.u32 s12, s31;
	s31 =	sor.u32 s13, s30;
	v19 =	vadd.f32 v18, v15;
	v15 =	vld [tilespmem:s29+$0x0];
	v21 =	vmul.f32 v21, v9  }
0x3eb: {  	s13 =	simm.s32 $0x200;
	s19 =	sor.u32 s12, s30;
	s12 =	simm.s32 $0x0;
	v17 =	vadd.f32 v16, v17;
	v16 =	vld [tilespmem:s2+$0x0];
	[tilespmem:s31+$0x0] =	vst v20;
	v20 =	vmul.f32 v63, v7;
	v18 =	vadd.f32 v23, v22  }
.LBB2_20:
0x3ec: {  	s17 =	sand.u32 $0x40, s14;
	s20 =	sand.u32 $0x1C00, s13;
	v22 =	vld [tilespmem:s25+$0x0];
	v12 =	vmul.f32 v12, v7;
	v19 =	vadd.f32 v21, v19  }
0x3ed: {  	s12 =	sadd.s32 $0x4, s12;
	s0 =	sadd.s32 $0xF100, s20;
	s18 =	sor.u32 $0x30, s17;
	v17 =	vadd.f32 v20, v17;
	v20 =	vld [tilespmem:s24+$0x0];
	v13 =	vmul.f32 v13, v7  }
0x3ee: {  	s1 =	sadd.s32 $0xF180, s20;
	p0 =	slt.u32 s12, $0x2C;
	s2 =	sor.u32 s18, s0;
	v14 =	vmul.f32 v14, v10;
	v12 =	vadd.f32 v12, v18;
	v18 =	vld [tilespmem:s23+$0x0]  }
0x3ef: {  	s22 =	sor.u32 $0x10, s17;
	s21 =	sor.u32 $0x20, s17;
	v21 =	vld [tilespmem:s2+$0x0];
	s2 =	sor.u32 s18, s1;
	v15 =	vmul.f32 v15, v10;
	v13 =	vadd.f32 v13, v19  }
0x3f0: {  	s5 =	sadd.s32 $0xF200, s20;
	s3 =	sor.u32 s17, s0;
	s4 =	sor.u32 s17, s1;
	v19 =	vld [tilespmem:s2+$0x0];
	v14 =	vadd.f32 v14, v17;
	v16 =	vmul.f32 v16, v10  }
0x3f1: {  	s6 =	sor.u32 s18, s5;
	s2 =	sor.u32 s22, s0;
	v17 =	vld [tilespmem:s3+$0x0];
	s3 =	sor.u32 s22, s1;
	v22 =	vmul.f32 v22, v11;
	v12 =	vadd.f32 v15, v12  }
0x3f2: {  	s7 =	sadd.s32 $0xF280, s20;
	s10 =	sor.u32 s21, s0;
	s24 =	sor.u32 s21, s1;
	v15 =	vld [tilespmem:s6+$0x0];
	v20 =	vmul.f32 v20, v11;
	v13 =	vadd.f32 v16, v13  }
0x3f3: {  	s23 =	sor.u32 s17, s5;
	s0 =	sor.u32 s22, s5;
	s1 =	sor.u32 s18, s7;
	v16 =	vld [tilespmem:s4+$0x0];
	v14 =	vadd.f32 v22, v14;
	v18 =	vmul.f32 v18, v11  }
0x3f4: {  	s29 =	sor.u32 s17, s7;
	s6 =	sor.u32 s21, s5;
	s4 =	sadd.s32 $0xF300, s20;
	v22 =	vld [tilespmem:s1+$0x0];
	v12 =	vadd.f32 v20, v12  }
0x3f5: {  	s31 =	sor.u32 s22, s7;
	s30 =	sor.u32 s21, s7;
	v21 =	vmul.f32 v21, v3;
	s1 =	sor.u32 s18, s4;
	v20 =	vld [tilespmem:s2+$0x0];
	v19 =	vmul.f32 v19, v4;
	[tilespmem:s19+$0x0] =	vst v14;
	v13 =	vadd.f32 v18, v13  }
0x3f6: {  	s5 =	sor.u32 s17, s4;
	s2 =	sadd.s32 $0xF380, s20;
	s19 =	sor.u32 s22, s4;
	v14 =	vmul.f32 v17, v3;
	v17 =	vld [tilespmem:s1+$0x0];
	[tilespmem:s15+$0x0] =	vst v12  }
0x3f7: {  	s28 =	sor.u32 s21, s4;
	s8 =	sor.u32 s17, s2;
	s1 =	sor.u32 s18, s2;
	v12 =	vld [tilespmem:s3+$0x0];
	v18 =	vadd.f32 v19, v21;
	v15 =	vmul.f32 v15, v5;
	[tilespmem:s16+$0x0] =	vst v13  }
0x3f8: {  	s11 =	sor.u32 s22, s2;
	s7 =	sor.u32 s21, s2;
	s3 =	sadd.s32 $0xF400, s20;
	v13 =	vmul.f32 v16, v4;
	v16 =	vld [tilespmem:s1+$0x0]  }
0x3f9: {  	s9 =	sor.u32 s17, s3;
	s1 =	sor.u32 s22, s3;
	s2 =	sor.u32 s18, s3;
	v19 =	vld [tilespmem:s10+$0x0];
	v15 =	vadd.f32 v15, v18;
	v18 =	vmul.f32 v22, v6  }
0x3fa: {  	s15 =	sadd.s32 $0x10880, s20;
	s10 =	sor.u32 s21, s3;
	v13 =	vadd.f32 v13, v14;
	v14 =	vmul.f32 v20, v3;
	v20 =	vld [tilespmem:s2+$0x0]  }
0x3fb: {  	s4 =	sor.u32 s22, s15;
	s3 =	sor.u32 s18, s15;
	s2 =	sor.u32 s17, s15;
	v21 =	vld [tilespmem:s24+$0x0];
	v15 =	vadd.f32 v18, v15;
	v17 =	vmul.f32 v17, v8  }
0x3fc: {  	s16 =	sadd.s32 $0x10900, s20;
	s26 =	sor.u32 s21, s15;
	v12 =	vmul.f32 v12, v4;
	v18 =	vld [tilespmem:s3+$0x0]  }
0x3fd: {  	s25 =	sor.u32 s17, s16;
	s24 =	sor.u32 s22, s16;
	s3 =	sor.u32 s18, s16;
	v22 =	vld [tilespmem:s23+$0x0];
	v15 =	vadd.f32 v17, v15;
	v16 =	vmul.f32 v16, v9  }
0x3fe: {  	s23 =	sor.u32 s21, s16;
	v12 =	vadd.f32 v12, v14;
	v14 =	vmul.f32 v19, v3;
	v17 =	vld [tilespmem:s3+$0x0]  }
0x3ff: {  	v19 =	vld [tilespmem:s0+$0x0];
	v15 =	vadd.f32 v16, v15;
	v16 =	vmul.f32 v20, v7  }
0x400: {  	v20 =	vmul.f32 v21, v4;
	v21 =	vld [tilespmem:s6+$0x0]  }
0x401: {  	v23 =	vld [tilespmem:s29+$0x0];
	v15 =	vadd.f32 v16, v15;
	v16 =	vmul.f32 v18, v10  }
0x402: {  	v18 =	vmul.f32 v22, v5;
	v22 =	vld [tilespmem:s31+$0x0];
	v14 =	vadd.f32 v20, v14  }
0x403: {  	v20 =	vld [tilespmem:s30+$0x0];
	v15 =	vadd.f32 v16, v15;
	v16 =	vmul.f32 v17, v11  }
0x404: {  	v13 =	vadd.f32 v18, v13;
	v17 =	vld [tilespmem:s5+$0x0];
	v18 =	vmul.f32 v19, v5  }
0x405: {  	s0 =	sadd.s32 $0x16A80, s20;
	v19 =	vld [tilespmem:s19+$0x0];
	v21 =	vmul.f32 v21, v5;
	v15 =	vadd.f32 v16, v15  }
0x406: {  	s15 =	sor.u32 s22, s0;
	s3 =	sor.u32 s18, s0;
	s19 =	sor.u32 s17, s0;
	v16 =	vmul.f32 v23, v6;
	v12 =	vadd.f32 v18, v12;
	v18 =	vld [tilespmem:s28+$0x0]  }
0x407: {  	s16 =	sor.u32 s21, s0;
	v23 =	vld [tilespmem:s8+$0x0];
	v22 =	vmul.f32 v22, v6;
	v14 =	vadd.f32 v21, v14;
	[tilespmem:s3+$0x0] =	vst v15  }
0x408: {  	v13 =	vadd.f32 v16, v13;
	v15 =	vld [tilespmem:s11+$0x0];
	v16 =	vmul.f32 v20, v6  }
0x409: {  	v17 =	vmul.f32 v17, v8;
	v20 =	vadd.f32 v22, v12;
	v21 =	vld [tilespmem:s7+$0x0]  }
0x40a: {  	v22 =	vld [tilespmem:s9+$0x0];
	v19 =	vmul.f32 v19, v8;
	v16 =	vadd.f32 v16, v14  }
.Ltmp9:
0x40b: {  	v17 =	vadd.f32 v17, v13;
	v12 =	vld [tilespmem:s1+$0x0];
	v18 =	vmul.f32 v18, v8;
	(pc) =	sbr.rel @p0 .LBB2_20-.Ltmp9, $4  }
0x40c: {  	v23 =	vmul.f32 v23, v9;
	v24 =	vadd.f32 v19, v20;
	v13 =	vld [tilespmem:s10+$0x0]  }
0x40d: {  	v14 =	vld [tilespmem:s2+$0x0];
	v25 =	vmul.f32 v15, v9;
	v19 =	vadd.f32 v18, v16  }
0x40e: {  	v17 =	vadd.f32 v23, v17;
	v15 =	vld [tilespmem:s4+$0x0];
	v21 =	vmul.f32 v21, v9  }
0x40f: {  	s13 =	sadd.s32 $0x200, s13;
	s14 =	sadd.s32 $0x40, s14;
	v20 =	vmul.f32 v22, v7;
	v18 =	vadd.f32 v25, v24;
	v16 =	vld [tilespmem:s26+$0x0]  }
0x410: {  	v3 =	vld [tilespmem:s25+$0x0]  }
0x411: {  	v4 =	vld [tilespmem:s24+$0x0]  }
0x412: {  	v5 =	vadd.f32 v21, v19;
	v6 =	vmul.f32 v12, v7;
	v8 =	vld [tilespmem:s23+$0x0];
	v58 =	vmul.f32 v13, v7  }
0x413: {  	v9 =	vadd.f32 v20, v17;
	v59 =	vmul.f32 v14, v10  }
0x414: {  	v6 =	vadd.f32 v6, v18;
	v60 =	vmul.f32 v15, v10;
	v5 =	vadd.f32 v58, v5  }
0x415: {  	v61 =	vadd.f32 v59, v9;
	v62 =	vmul.f32 v16, v10;
	v3 =	vmul.f32 v3, v11  }
0x416: {  	v6 =	vadd.f32 v60, v6;
	v4 =	vmul.f32 v4, v11  }
0x417: {  	v63 =	vmul.f32 v8, v11;
	v5 =	vadd.f32 v62, v5;
	v3 =	vadd.f32 v3, v61  }
0x418: {  	v4 =	vadd.f32 v4, v6  }
0x419: {  	[tilespmem:s19+$0x0] =	vst v3;
	v3 =	vadd.f32 v63, v5  }
0x41a: {  	[tilespmem:s15+$0x0] =	vst v4  }
0x41b: {  	s3 =	simm.s32 $0x0;
	[tilespmem:s16+$0x0] =	vst v3  }
0x41c: {  	s1 =	simm.s32 $0x16880;
	s4 =	simm.s32 $0x3;
	s0 =	rddreg [dreg:$0xa]  }
0x41d: {  	[hbm4b:s0+s3] =	stream.linear.scatter [tilespmem:s1], [sflag:$0x3], $0x1800, $0x38;
	[tilespmem:$0x18080] =	vst v63  }
0x41e: {  	_ =	swait.ge [sflag:s4], $0x1800  }
0x41f: {  	s30 =	rddreg [dreg:$0xc]  }
0x420: {  	s31 =	rddreg [dreg:$0xb];
	s1 =	sadd.s32 $0x1, s30  }
0x421: {  	p0 =	sne.s32 s1, s31  }
.Ltmp10:
0x422: {  	_ = 	snop;
	(pc) =	sbr.rel @p0 .LBB2_1-.Ltmp10, $3  }
0x423: {  	_ =	sdelay $0x1  }
0x424: {  	[sflag:s4] =	ssyncset.done $0x0  }
0x425: {  	[sflag:s4] =	ssyncadd.s32 $0xFFFFE800  }
0x426: {  	_ =	sfence.sel $0x180000  }
0x427: {  	[bflag:$0x0] =	sbarrier.arrive $0xFFFF  }
0x428: {  	_ =	strace $0x90000047  }
0x429: {  	s0 =	stileid.u32;
	[bflag:$0x2] =	sbarrier.arrive $0xFFFF  }
0x42a: {  	p0 =	sne.s32 s0, $0x0;
	s0 =	rddreg [dreg:$0x3]  }
0x42b: {  	s0 =	sadd.s32 @!p0 $0x100000, s0  }
0x42c: {  	[sflag:s0] =	ssyncadd.tile.s32 @!p0 $0x1;
	_ =	shalt  }
.Lfunc_end2:
_tile_overlayer_lowered:
.L_overlay_start_2:
0x42d: {  	(tag) =	ssettag $0x2  }
0x42e: {  	s0 =	rddreg [dreg:$0x0];
	s2 =	stileid.u32  }
0x42f: {  	s1 =	rddreg [dreg:$0x1];
	p0 =	sne.s32 s2, $0x0  }
0x430: {  	s3 =	rddreg [dreg:$0x2];
	[bflag:$0x3] =	sbarrier.arrive $0xFFFF;
	s2 =	simm.s32 @!p0 $0x1C03  }
0x431: {  	[timem:s3], [sflag:s2] =	dma.local @!p0 [hbm:s0], s1  }
0x432: {  	s0 =	simm.s32 @!p0 $0x3  }
0x433: {  	_ =	swait.ge @!p0 [sflag:s0], s1  }
0x434: {  	s1 =	ssub.s32 @!p0 $0x0, s1;
	[sflag:s0] =	ssyncset.done @!p0 $0x0  }
0x435: {  	[sflag:s0] =	ssyncadd.s32 @!p0 s1  }
0x436: {  	[bflag:$0x3] =	sbarrier.arrive $0xFFFF  }
0x437: {  	_ =	shalt  }

</sc_bundles>
